<compile_context>
chip_gen: v7x
topology: tpu7x:2x2x1
jax: 0.10.2.dev20260603
libtpu: 0.0.44.dev20260713+nightly
codegen_flags: <defaults>
</compile_context>

<pallas_src>
import functools

import jax
import jax.numpy as jnp
from jax import lax
from jax.experimental import pallas as pl
from jax.experimental.pallas import tpu as pltpu
from jax.experimental.pallas import tpu_sc as plsc

N_ROWS = 16384
N_COLS = 256
NC = 2
NS = 16
L = 16
NW = NC * NS
SC_ROWS = 6144
TC_ROWS = N_ROWS - SC_ROWS
ROWS_PER_W = SC_ROWS // NW
G = 64
N_GROUPS = ROWS_PER_W // G
TC_BR = 1024


def _sc_excl_cumsum(x):
    mesh = plsc.VectorSubcoreMesh(core_axis_name="c", subcore_axis_name="s")

    @functools.partial(
        pl.kernel,
        mesh=mesh,
        out_type=jax.ShapeDtypeStruct((SC_ROWS, N_COLS), jnp.float32),
        scratch_types=[
            pltpu.VMEM((G, N_COLS), jnp.float32),
            pltpu.VMEM((G, N_COLS), jnp.float32),
            pltpu.VMEM((G, N_COLS), jnp.float32),
            pltpu.VMEM((G, N_COLS), jnp.float32),
            pltpu.SemaphoreType.DMA,
            pltpu.SemaphoreType.DMA,
            pltpu.SemaphoreType.DMA,
            pltpu.SemaphoreType.DMA,
        ],
        compiler_params=pltpu.CompilerParams(needs_layout_passes=False),
    )
    def k(x_hbm, out_hbm, ib0, ib1, ob0, ob1, si0, si1, so0, so1):
        ibufs, obufs = (ib0, ib1), (ob0, ob1)
        sins, souts = (si0, si1), (so0, so1)
        wid = lax.axis_index("s") * NC + lax.axis_index("c")
        row0 = wid * ROWS_PER_W
        riota = lax.iota(jnp.int32, L)
        sg_rows = [riota + sg * L for sg in range(G // L)]

        def in_copy(g):
            r0 = row0 + g * G
            return pltpu.make_async_copy(
                x_hbm.at[pl.ds(r0, G), :], ibufs[g % 2], sins[g % 2])

        def out_copy(g):
            r0 = row0 + g * G
            return pltpu.make_async_copy(
                obufs[g % 2], out_hbm.at[pl.ds(r0, G), :], souts[g % 2])

        def compute(ibuf, obuf):
            def masked_step(t, accs):
                m = (riota <= t) & (t < riota + N_COLS)
                col = t - riota
                out = []
                for rows, acc in zip(sg_rows, accs):
                    v = plsc.load_gather(ibuf, [rows, col], mask=m)
                    plsc.store_scatter(obuf, [rows, col], acc, mask=m)
                    out.append(acc + jnp.where(m, v, 0.0))
                return tuple(out)

            def step(t, accs):
                col = t - riota
                out = []
                for rows, acc in zip(sg_rows, accs):
                    v = plsc.load_gather(ibuf, [rows, col])
                    plsc.store_scatter(obuf, [rows, col], acc)
                    out.append(acc + v)
                return tuple(out)

            zero = jnp.zeros((L,), jnp.float32)
            accs = tuple(zero for _ in sg_rows)
            accs = lax.fori_loop(0, L, masked_step, accs)
            accs = lax.fori_loop(L, N_COLS, step, accs, unroll=8)
            lax.fori_loop(N_COLS, N_COLS + L - 1, masked_step, accs)

        in_copy(0).start()
        for g in range(N_GROUPS):
            if g + 1 < N_GROUPS:
                in_copy(g + 1).start()
            in_copy(g).wait()
            if g >= 2:
                out_copy(g - 2).wait()
            compute(ibufs[g % 2], obufs[g % 2])
            out_copy(g).start()
        out_copy(N_GROUPS - 2).wait()
        out_copy(N_GROUPS - 1).wait()

    return k(x)


def _tc_excl_cumsum_tail(x):

    def body(x_ref, o_ref):
        r = lax.broadcasted_iota(jnp.int32, (N_COLS, N_COLS), 0)
        c = lax.broadcasted_iota(jnp.int32, (N_COLS, N_COLS), 1)
        tri = (r < c).astype(jnp.float32)
        o_ref[...] = jnp.dot(x_ref[...], tri,
                             preferred_element_type=jnp.float32)

    return pl.pallas_call(
        body,
        grid=(TC_ROWS // TC_BR,),
        in_specs=[pl.BlockSpec((TC_BR, N_COLS),
                               lambda i: (SC_ROWS // TC_BR + i, 0))],
        out_specs=pl.BlockSpec((TC_BR, N_COLS),
                               lambda i: (SC_ROWS // TC_BR + i, 0)),
        out_shape=jax.ShapeDtypeStruct((N_ROWS, N_COLS), jnp.float32),
    )(x)


def kernel(x):
    sc_out = _sc_excl_cumsum(x)
    tc_out = _tc_excl_cumsum_tail(x)
    return lax.dynamic_update_slice(tc_out, sc_out, (0, 0))

# --- scband reference (transcript-rebuilt; emitter-appended) ---
"""Pipeline reference for scband-model-new-73315091744525 (READ-ONLY COPY).

The authoritative reference and input builder live on the scoring server;
editing this copy changes nothing except your own understanding.
"""

import jax, jax.numpy as jnp
import numpy as np

def setup_inputs(seed: int = 0) -> dict:
    key = jax.random.key(seed)
    x = jax.random.normal(key, (16384, 256), dtype=jnp.float32)
    return {"x": x}

def reference(x):
    # Exclusive scan (exclusive cumulative sum) along dim=1:
    # out[b, 0] = 0; out[b, i] = sum_{j<i} x[b, j]
    # Equivalent to inclusive cumsum minus the element itself.
    return jnp.cumsum(x, axis=1) - x

if __name__ == "__main__":
    import jax
    _d = setup_inputs()
    print(jax.jit(kernel)(*tuple(_d.values())))

</pallas_src>

<mosaic_0001>
#map = affine_map<(d0, d1) -> (0, 0)>
module attributes {stable_mosaic.version = 14 : i64} {
  func.func @k(%arg0: i32, %arg1: i32, %arg2: memref<16384x256xf32, #tpu.memory_space<hbm>>, %arg3: memref<6144x256xf32, #tpu.memory_space<hbm>>, %arg4: memref<64x256xf32, #tpu.memory_space<vmem>>, %arg5: memref<64x256xf32, #tpu.memory_space<vmem>>, %arg6: memref<64x256xf32, #tpu.memory_space<vmem>>, %arg7: memref<64x256xf32, #tpu.memory_space<vmem>>, %arg8: memref<!tpu.dma_semaphore, #tpu.memory_space<semaphore_mem>>, %arg9: memref<!tpu.dma_semaphore, #tpu.memory_space<semaphore_mem>>, %arg10: memref<!tpu.dma_semaphore, #tpu.memory_space<semaphore_mem>>, %arg11: memref<!tpu.dma_semaphore, #tpu.memory_space<semaphore_mem>>) attributes {dimension_semantics = [#tpu.dimension_semantics<core_parallel>, #tpu.dimension_semantics<subcore_parallel>], iteration_bounds = array<i64: 2, 16>, scalar_prefetch = 0 : i64, scratch_operands = 8 : i64, tpu.core_type = #tpu.core_type<sc_vector_subcore>, window_params = [{transform_indices = #map}, {transform_indices = #map}]} {
    %mul3A = arith.constant 2 : i32
    %mul3A_0 = arith.muli %arg1, %mul3A : i32
    %add3A = arith.addi %mul3A_0, %arg0 : i32
    %mul3A_1 = arith.constant 192 : i32
    %mul3A_2 = arith.muli %add3A, %mul3A_1 : i32
    %iota3A = tpu.iota {dimensions = array<i32: 0>} : vector<16xi32>
    %add3A_3 = arith.constant 0 : i32
    %add3A_4 = vector.broadcast %add3A_3 : i32 to vector<16xi32>
    %add3A_5 = arith.addi %iota3A, %add3A_4 : vector<16xi32>
    %add3A_6 = arith.constant 16 : i32
    %add3A_7 = vector.broadcast %add3A_6 : i32 to vector<16xi32>
    %add3A_8 = arith.addi %iota3A, %add3A_7 : vector<16xi32>
    %add3A_9 = arith.constant 32 : i32
    %add3A_10 = vector.broadcast %add3A_9 : i32 to vector<16xi32>
    %add3A_11 = arith.addi %iota3A, %add3A_10 : vector<16xi32>
    %add3A_12 = arith.constant 48 : i32
    %add3A_13 = vector.broadcast %add3A_12 : i32 to vector<16xi32>
    %add3A_14 = arith.addi %iota3A, %add3A_13 : vector<16xi32>
    %add3A_15 = arith.constant 0 : i32
    %add3A_16 = arith.addi %mul3A_2, %add3A_15 : i32
    %dma_start3A = arith.constant 0 : i32
    %dma_start3A_17 = tpu.memref_slice %arg2[%add3A_16, %dma_start3A] : memref<16384x256xf32, #tpu.memory_space<hbm>> -> memref<64x256xf32, #tpu.memory_space<hbm>>
    %dma_start3A_18 = arith.constant 0 : i32
    %dma_start3A_19 = tpu.memref_slice %arg2[%add3A_16, %dma_start3A_18] : memref<16384x256xf32, #tpu.memory_space<hbm>> -> memref<64x256xf32, #tpu.memory_space<hbm>>
    tpu.enqueue_dma source(%dma_start3A_19 : memref<64x256xf32, #tpu.memory_space<hbm>>) target(%arg4 : memref<64x256xf32, #tpu.memory_space<vmem>>) target_semaphore(%arg8 : memref<!tpu.dma_semaphore, #tpu.memory_space<semaphore_mem>>)
    %add3A_20 = arith.constant 64 : i32
    %add3A_21 = arith.addi %mul3A_2, %add3A_20 : i32
    %dma_start3A_22 = arith.constant 0 : i32
    %dma_start3A_23 = tpu.memref_slice %arg2[%add3A_21, %dma_start3A_22] : memref<16384x256xf32, #tpu.memory_space<hbm>> -> memref<64x256xf32, #tpu.memory_space<hbm>>
    %dma_start3A_24 = arith.constant 0 : i32
    %dma_start3A_25 = tpu.memref_slice %arg2[%add3A_21, %dma_start3A_24] : memref<16384x256xf32, #tpu.memory_space<hbm>> -> memref<64x256xf32, #tpu.memory_space<hbm>>
    tpu.enqueue_dma source(%dma_start3A_25 : memref<64x256xf32, #tpu.memory_space<hbm>>) target(%arg5 : memref<64x256xf32, #tpu.memory_space<vmem>>) target_semaphore(%arg9 : memref<!tpu.dma_semaphore, #tpu.memory_space<semaphore_mem>>)
    %add3A_26 = arith.constant 0 : i32
    %add3A_27 = arith.addi %mul3A_2, %add3A_26 : i32
    %dma_wait3A = arith.constant 0 : i32
    %dma_wait3A_28 = tpu.memref_slice %arg2[%add3A_27, %dma_wait3A] : memref<16384x256xf32, #tpu.memory_space<hbm>> -> memref<64x256xf32, #tpu.memory_space<hbm>>
    %dma_wait3A_29 = arith.constant 0 : i32
    %dma_wait3A_30 = tpu.memref_slice %arg2[%add3A_27, %dma_wait3A_29] : memref<16384x256xf32, #tpu.memory_space<hbm>> -> memref<64x256xf32, #tpu.memory_space<hbm>>
    tpu.wait_dma2 semaphore(%arg8 : memref<!tpu.dma_semaphore, #tpu.memory_space<semaphore_mem>>) src(%dma_wait3A_30 : memref<64x256xf32, #tpu.memory_space<hbm>>) dst(%arg4 : memref<64x256xf32, #tpu.memory_space<vmem>>)
    %broadcast_in_dim3A = arith.constant 0.000000e+00 : f32
    %broadcast_in_dim3A_31 = vector.broadcast %broadcast_in_dim3A : f32 to vector<16xf32>
    %scan3A = arith.constant 0 : i32
    %scan3A_32 = arith.constant 16 : i32
    %scan3A_33 = arith.addi %scan3A, %scan3A_32 : i32
    %scan3A_34 = arith.constant 1 : i32
    %scan3A_35:4 = scf.for %scan3A_143 = %scan3A to %scan3A_33 step %scan3A_34 iter_args(%scan3A_144 = %broadcast_in_dim3A_31, %scan3A_145 = %broadcast_in_dim3A_31, %scan3A_146 = %broadcast_in_dim3A_31, %scan3A_147 = %broadcast_in_dim3A_31) -> (vector<16xf32>, vector<16xf32>, vector<16xf32>, vector<16xf32>)  : i32 {
      %le3A = vector.broadcast %scan3A_143 : i32 to vector<16xi32>
      %le3A_148 = arith.cmpi sle, %iota3A, %le3A : vector<16xi32>
      %add3A_149 = arith.constant 256 : i32
      %add3A_150 = vector.broadcast %add3A_149 : i32 to vector<16xi32>
      %add3A_151 = arith.addi %iota3A, %add3A_150 : vector<16xi32>
      %lt3A = vector.broadcast %scan3A_143 : i32 to vector<16xi32>
      %lt3A_152 = arith.cmpi slt, %lt3A, %add3A_151 : vector<16xi32>
      %and3A = arith.andi %le3A_148, %lt3A_152 : vector<16xi1>
      %sub3A = vector.broadcast %scan3A_143 : i32 to vector<16xi32>
      %sub3A_153 = arith.subi %sub3A, %iota3A : vector<16xi32>
      %gather3A = tpu.vector_load_idx %arg4[%add3A_5, %sub3A_153] masked %and3A : memref<64x256xf32, #tpu.memory_space<vmem>>[vector<16xi32>, vector<16xi32>], vector<16xf32>, vector<16xi1>
      tpu.vector_store_idx %arg6[%add3A_5, %sub3A_153], %scan3A_144 masked %and3A : memref<64x256xf32, #tpu.memory_space<vmem>>[vector<16xi32>, vector<16xi32>], vector<16xf32>, vector<16xi1>
      %jit3A = arith.constant 0.000000e+00 : f32
      %broadcast_in_dim3A_154 = vector.broadcast %jit3A : f32 to vector<16xf32>
      %select_n3A = arith.select %and3A, %gather3A, %broadcast_in_dim3A_154 : vector<16xi1>, vector<16xf32>
      %add3A_155 = arith.addf %scan3A_144, %select_n3A : vector<16xf32>
      %gather3A_156 = tpu.vector_load_idx %arg4[%add3A_8, %sub3A_153] masked %and3A : memref<64x256xf32, #tpu.memory_space<vmem>>[vector<16xi32>, vector<16xi32>], vector<16xf32>, vector<16xi1>
      tpu.vector_store_idx %arg6[%add3A_8, %sub3A_153], %scan3A_145 masked %and3A : memref<64x256xf32, #tpu.memory_space<vmem>>[vector<16xi32>, vector<16xi32>], vector<16xf32>, vector<16xi1>
      %jit3A_157 = arith.constant 0.000000e+00 : f32
      %broadcast_in_dim3A_158 = vector.broadcast %jit3A_157 : f32 to vector<16xf32>
      %select_n3A_159 = arith.select %and3A, %gather3A_156, %broadcast_in_dim3A_158 : vector<16xi1>, vector<16xf32>
      %add3A_160 = arith.addf %scan3A_145, %select_n3A_159 : vector<16xf32>
      %gather3A_161 = tpu.vector_load_idx %arg4[%add3A_11, %sub3A_153] masked %and3A : memref<64x256xf32, #tpu.memory_space<vmem>>[vector<16xi32>, vector<16xi32>], vector<16xf32>, vector<16xi1>
      tpu.vector_store_idx %arg6[%add3A_11, %sub3A_153], %scan3A_146 masked %and3A : memref<64x256xf32, #tpu.memory_space<vmem>>[vector<16xi32>, vector<16xi32>], vector<16xf32>, vector<16xi1>
      %jit3A_162 = arith.constant 0.000000e+00 : f32
      %broadcast_in_dim3A_163 = vector.broadcast %jit3A_162 : f32 to vector<16xf32>
      %select_n3A_164 = arith.select %and3A, %gather3A_161, %broadcast_in_dim3A_163 : vector<16xi1>, vector<16xf32>
      %add3A_165 = arith.addf %scan3A_146, %select_n3A_164 : vector<16xf32>
      %gather3A_166 = tpu.vector_load_idx %arg4[%add3A_14, %sub3A_153] masked %and3A : memref<64x256xf32, #tpu.memory_space<vmem>>[vector<16xi32>, vector<16xi32>], vector<16xf32>, vector<16xi1>
      tpu.vector_store_idx %arg6[%add3A_14, %sub3A_153], %scan3A_147 masked %and3A : memref<64x256xf32, #tpu.memory_space<vmem>>[vector<16xi32>, vector<16xi32>], vector<16xf32>, vector<16xi1>
      %jit3A_167 = arith.constant 0.000000e+00 : f32
      %broadcast_in_dim3A_168 = vector.broadcast %jit3A_167 : f32 to vector<16xf32>
      %select_n3A_169 = arith.select %and3A, %gather3A_166, %broadcast_in_dim3A_168 : vector<16xi1>, vector<16xf32>
      %add3A_170 = arith.addf %scan3A_147, %select_n3A_169 : vector<16xf32>
      scf.yield %add3A_155, %add3A_160, %add3A_165, %add3A_170 : vector<16xf32>, vector<16xf32>, vector<16xf32>, vector<16xf32>
    }
    %scan3A_36 = arith.constant 16 : i32
    %scan3A_37 = arith.constant 16 : i32
    %scan3A_38 = arith.constant 240 : i32
    %scan3A_39 = arith.addi %scan3A_37, %scan3A_38 : i32
    %scan3A_40 = arith.constant 8 : i32
    %scan3A_41:4 = scf.for %scan3A_143 = %scan3A_37 to %scan3A_39 step %scan3A_40 iter_args(%scan3A_144 = %scan3A_35#0, %scan3A_145 = %scan3A_35#1, %scan3A_146 = %scan3A_35#2, %scan3A_147 = %scan3A_35#3) -> (vector<16xf32>, vector<16xf32>, vector<16xf32>, vector<16xf32>)  : i32 {
      %sub3A = vector.broadcast %scan3A_143 : i32 to vector<16xi32>
      %sub3A_148 = arith.subi %sub3A, %iota3A : vector<16xi32>
      %gather3A = tpu.vector_load_idx %arg4[%add3A_5, %sub3A_148] : memref<64x256xf32, #tpu.memory_space<vmem>>[vector<16xi32>, vector<16xi32>], vector<16xf32>,
      tpu.vector_store_idx %arg6[%add3A_5, %sub3A_148], %scan3A_144 : memref<64x256xf32, #tpu.memory_space<vmem>>[vector<16xi32>, vector<16xi32>], vector<16xf32>,
      %add3A_149 = arith.addf %scan3A_144, %gather3A : vector<16xf32>
      %gather3A_150 = tpu.vector_load_idx %arg4[%add3A_8, %sub3A_148] : memref<64x256xf32, #tpu.memory_space<vmem>>[vector<16xi32>, vector<16xi32>], vector<16xf32>,
      tpu.vector_store_idx %arg6[%add3A_8, %sub3A_148], %scan3A_145 : memref<64x256xf32, #tpu.memory_space<vmem>>[vector<16xi32>, vector<16xi32>], vector<16xf32>,
      %add3A_151 = arith.addf %scan3A_145, %gather3A_150 : vector<16xf32>
      %gather3A_152 = tpu.vector_load_idx %arg4[%add3A_11, %sub3A_148] : memref<64x256xf32, #tpu.memory_space<vmem>>[vector<16xi32>, vector<16xi32>], vector<16xf32>,
      tpu.vector_store_idx %arg6[%add3A_11, %sub3A_148], %scan3A_146 : memref<64x256xf32, #tpu.memory_space<vmem>>[vector<16xi32>, vector<16xi32>], vector<16xf32>,
      %add3A_153 = arith.addf %scan3A_146, %gather3A_152 : vector<16xf32>
      %gather3A_154 = tpu.vector_load_idx %arg4[%add3A_14, %sub3A_148] : memref<64x256xf32, #tpu.memory_space<vmem>>[vector<16xi32>, vector<16xi32>], vector<16xf32>,
      tpu.vector_store_idx %arg6[%add3A_14, %sub3A_148], %scan3A_147 : memref<64x256xf32, #tpu.memory_space<vmem>>[vector<16xi32>, vector<16xi32>], vector<16xf32>,
      %add3A_155 = arith.addf %scan3A_147, %gather3A_154 : vector<16xf32>
      %scan3A_156 = arith.constant 1 : i32
      %scan3A_157 = arith.addi %scan3A_143, %scan3A_156 : i32
      %sub3A_158 = vector.broadcast %scan3A_157 : i32 to vector<16xi32>
      %sub3A_159 = arith.subi %sub3A_158, %iota3A : vector<16xi32>
      %gather3A_160 = tpu.vector_load_idx %arg4[%add3A_5, %sub3A_159] : memref<64x256xf32, #tpu.memory_space<vmem>>[vector<16xi32>, vector<16xi32>], vector<16xf32>,
      tpu.vector_store_idx %arg6[%add3A_5, %sub3A_159], %add3A_149 : memref<64x256xf32, #tpu.memory_space<vmem>>[vector<16xi32>, vector<16xi32>], vector<16xf32>,
      %add3A_161 = arith.addf %add3A_149, %gather3A_160 : vector<16xf32>
      %gather3A_162 = tpu.vector_load_idx %arg4[%add3A_8, %sub3A_159] : memref<64x256xf32, #tpu.memory_space<vmem>>[vector<16xi32>, vector<16xi32>], vector<16xf32>,
      tpu.vector_store_idx %arg6[%add3A_8, %sub3A_159], %add3A_151 : memref<64x256xf32, #tpu.memory_space<vmem>>[vector<16xi32>, vector<16xi32>], vector<16xf32>,
      %add3A_163 = arith.addf %add3A_151, %gather3A_162 : vector<16xf32>
      %gather3A_164 = tpu.vector_load_idx %arg4[%add3A_11, %sub3A_159] : memref<64x256xf32, #tpu.memory_space<vmem>>[vector<16xi32>, vector<16xi32>], vector<16xf32>,
      tpu.vector_store_idx %arg6[%add3A_11, %sub3A_159], %add3A_153 : memref<64x256xf32, #tpu.memory_space<vmem>>[vector<16xi32>, vector<16xi32>], vector<16xf32>,
      %add3A_165 = arith.addf %add3A_153, %gather3A_164 : vector<16xf32>
      %gather3A_166 = tpu.vector_load_idx %arg4[%add3A_14, %sub3A_159] : memref<64x256xf32, #tpu.memory_space<vmem>>[vector<16xi32>, vector<16xi32>], vector<16xf32>,
      tpu.vector_store_idx %arg6[%add3A_14, %sub3A_159], %add3A_155 : memref<64x256xf32, #tpu.memory_space<vmem>>[vector<16xi32>, vector<16xi32>], vector<16xf32>,
      %add3A_167 = arith.addf %add3A_155, %gather3A_166 : vector<16xf32>
      %scan3A_168 = arith.constant 2 : i32
      %scan3A_169 = arith.addi %scan3A_143, %scan3A_168 : i32
      %sub3A_170 = vector.broadcast %scan3A_169 : i32 to vector<16xi32>
      %sub3A_171 = arith.subi %sub3A_170, %iota3A : vector<16xi32>
      %gather3A_172 = tpu.vector_load_idx %arg4[%add3A_5, %sub3A_171] : memref<64x256xf32, #tpu.memory_space<vmem>>[vector<16xi32>, vector<16xi32>], vector<16xf32>,
      tpu.vector_store_idx %arg6[%add3A_5, %sub3A_171], %add3A_161 : memref<64x256xf32, #tpu.memory_space<vmem>>[vector<16xi32>, vector<16xi32>], vector<16xf32>,
      %add3A_173 = arith.addf %add3A_161, %gather3A_172 : vector<16xf32>
      %gather3A_174 = tpu.vector_load_idx %arg4[%add3A_8, %sub3A_171] : memref<64x256xf32, #tpu.memory_space<vmem>>[vector<16xi32>, vector<16xi32>], vector<16xf32>,
      tpu.vector_store_idx %arg6[%add3A_8, %sub3A_171], %add3A_163 : memref<64x256xf32, #tpu.memory_space<vmem>>[vector<16xi32>, vector<16xi32>], vector<16xf32>,
      %add3A_175 = arith.addf %add3A_163, %gather3A_174 : vector<16xf32>
      %gather3A_176 = tpu.vector_load_idx %arg4[%add3A_11, %sub3A_171] : memref<64x256xf32, #tpu.memory_space<vmem>>[vector<16xi32>, vector<16xi32>], vector<16xf32>,
      tpu.vector_store_idx %arg6[%add3A_11, %sub3A_171], %add3A_165 : memref<64x256xf32, #tpu.memory_space<vmem>>[vector<16xi32>, vector<16xi32>], vector<16xf32>,
      %add3A_177 = arith.addf %add3A_165, %gather3A_176 : vector<16xf32>
      %gather3A_178 = tpu.vector_load_idx %arg4[%add3A_14, %sub3A_171] : memref<64x256xf32, #tpu.memory_space<vmem>>[vector<16xi32>, vector<16xi32>], vector<16xf32>,
      tpu.vector_store_idx %arg6[%add3A_14, %sub3A_171], %add3A_167 : memref<64x256xf32, #tpu.memory_space<vmem>>[vector<16xi32>, vector<16xi32>], vector<16xf32>,
      %add3A_179 = arith.addf %add3A_167, %gather3A_178 : vector<16xf32>
      %scan3A_180 = arith.constant 3 : i32
      %scan3A_181 = arith.addi %scan3A_143, %scan3A_180 : i32
      %sub3A_182 = vector.broadcast %scan3A_181 : i32 to vector<16xi32>
      %sub3A_183 = arith.subi %sub3A_182, %iota3A : vector<16xi32>
      %gather3A_184 = tpu.vector_load_idx %arg4[%add3A_5, %sub3A_183] : memref<64x256xf32, #tpu.memory_space<vmem>>[vector<16xi32>, vector<16xi32>], vector<16xf32>,
      tpu.vector_store_idx %arg6[%add3A_5, %sub3A_183], %add3A_173 : memref<64x256xf32, #tpu.memory_space<vmem>>[vector<16xi32>, vector<16xi32>], vector<16xf32>,
      %add3A_185 = arith.addf %add3A_173, %gather3A_184 : vector<16xf32>
      %gather3A_186 = tpu.vector_load_idx %arg4[%add3A_8, %sub3A_183] : memref<64x256xf32, #tpu.memory_space<vmem>>[vector<16xi32>, vector<16xi32>], vector<16xf32>,
      tpu.vector_store_idx %arg6[%add3A_8, %sub3A_183], %add3A_175 : memref<64x256xf32, #tpu.memory_space<vmem>>[vector<16xi32>, vector<16xi32>], vector<16xf32>,
      %add3A_187 = arith.addf %add3A_175, %gather3A_186 : vector<16xf32>
      %gather3A_188 = tpu.vector_load_idx %arg4[%add3A_11, %sub3A_183] : memref<64x256xf32, #tpu.memory_space<vmem>>[vector<16xi32>, vector<16xi32>], vector<16xf32>,
      tpu.vector_store_idx %arg6[%add3A_11, %sub3A_183], %add3A_177 : memref<64x256xf32, #tpu.memory_space<vmem>>[vector<16xi32>, vector<16xi32>], vector<16xf32>,
      %add3A_189 = arith.addf %add3A_177, %gather3A_188 : vector<16xf32>
      %gather3A_190 = tpu.vector_load_idx %arg4[%add3A_14, %sub3A_183] : memref<64x256xf32, #tpu.memory_space<vmem>>[vector<16xi32>, vector<16xi32>], vector<16xf32>,
      tpu.vector_store_idx %arg6[%add3A_14, %sub3A_183], %add3A_179 : memref<64x256xf32, #tpu.memory_space<vmem>>[vector<16xi32>, vector<16xi32>], vector<16xf32>,
      %add3A_191 = arith.addf %add3A_179, %gather3A_190 : vector<16xf32>
      %scan3A_192 = arith.constant 4 : i32
      %scan3A_193 = arith.addi %scan3A_143, %scan3A_192 : i32
      %sub3A_194 = vector.broadcast %scan3A_193 : i32 to vector<16xi32>
      %sub3A_195 = arith.subi %sub3A_194, %iota3A : vector<16xi32>
      %gather3A_196 = tpu.vector_load_idx %arg4[%add3A_5, %sub3A_195] : memref<64x256xf32, #tpu.memory_space<vmem>>[vector<16xi32>, vector<16xi32>], vector<16xf32>,
      tpu.vector_store_idx %arg6[%add3A_5, %sub3A_195], %add3A_185 : memref<64x256xf32, #tpu.memory_space<vmem>>[vector<16xi32>, vector<16xi32>], vector<16xf32>,
      %add3A_197 = arith.addf %add3A_185, %gather3A_196 : vector<16xf32>
      %gather3A_198 = tpu.vector_load_idx %arg4[%add3A_8, %sub3A_195] : memref<64x256xf32, #tpu.memory_space<vmem>>[vector<16xi32>, vector<16xi32>], vector<16xf32>,
      tpu.vector_store_idx %arg6[%add3A_8, %sub3A_195], %add3A_187 : memref<64x256xf32, #tpu.memory_space<vmem>>[vector<16xi32>, vector<16xi32>], vector<16xf32>,
      %add3A_199 = arith.addf %add3A_187, %gather3A_198 : vector<16xf32>
      %gather3A_200 = tpu.vector_load_idx %arg4[%add3A_11, %sub3A_195] : memref<64x256xf32, #tpu.memory_space<vmem>>[vector<16xi32>, vector<16xi32>], vector<16xf32>,
      tpu.vector_store_idx %arg6[%add3A_11, %sub3A_195], %add3A_189 : memref<64x256xf32, #tpu.memory_space<vmem>>[vector<16xi32>, vector<16xi32>], vector<16xf32>,
      %add3A_201 = arith.addf %add3A_189, %gather3A_200 : vector<16xf32>
      %gather3A_202 = tpu.vector_load_idx %arg4[%add3A_14, %sub3A_195] : memref<64x256xf32, #tpu.memory_space<vmem>>[vector<16xi32>, vector<16xi32>], vector<16xf32>,
      tpu.vector_store_idx %arg6[%add3A_14, %sub3A_195], %add3A_191 : memref<64x256xf32, #tpu.memory_space<vmem>>[vector<16xi32>, vector<16xi32>], vector<16xf32>,
      %add3A_203 = arith.addf %add3A_191, %gather3A_202 : vector<16xf32>
      %scan3A_204 = arith.constant 5 : i32
      %scan3A_205 = arith.addi %scan3A_143, %scan3A_204 : i32
      %sub3A_206 = vector.broadcast %scan3A_205 : i32 to vector<16xi32>
      %sub3A_207 = arith.subi %sub3A_206, %iota3A : vector<16xi32>
      %gather3A_208 = tpu.vector_load_idx %arg4[%add3A_5, %sub3A_207] : memref<64x256xf32, #tpu.memory_space<vmem>>[vector<16xi32>, vector<16xi32>], vector<16xf32>,
      tpu.vector_store_idx %arg6[%add3A_5, %sub3A_207], %add3A_197 : memref<64x256xf32, #tpu.memory_space<vmem>>[vector<16xi32>, vector<16xi32>], vector<16xf32>,
      %add3A_209 = arith.addf %add3A_197, %gather3A_208 : vector<16xf32>
      %gather3A_210 = tpu.vector_load_idx %arg4[%add3A_8, %sub3A_207] : memref<64x256xf32, #tpu.memory_space<vmem>>[vector<16xi32>, vector<16xi32>], vector<16xf32>,
      tpu.vector_store_idx %arg6[%add3A_8, %sub3A_207], %add3A_199 : memref<64x256xf32, #tpu.memory_space<vmem>>[vector<16xi32>, vector<16xi32>], vector<16xf32>,
      %add3A_211 = arith.addf %add3A_199, %gather3A_210 : vector<16xf32>
      %gather3A_212 = tpu.vector_load_idx %arg4[%add3A_11, %sub3A_207] : memref<64x256xf32, #tpu.memory_space<vmem>>[vector<16xi32>, vector<16xi32>], vector<16xf32>,
      tpu.vector_store_idx %arg6[%add3A_11, %sub3A_207], %add3A_201 : memref<64x256xf32, #tpu.memory_space<vmem>>[vector<16xi32>, vector<16xi32>], vector<16xf32>,
      %add3A_213 = arith.addf %add3A_201, %gather3A_212 : vector<16xf32>
      %gather3A_214 = tpu.vector_load_idx %arg4[%add3A_14, %sub3A_207] : memref<64x256xf32, #tpu.memory_space<vmem>>[vector<16xi32>, vector<16xi32>], vector<16xf32>,
      tpu.vector_store_idx %arg6[%add3A_14, %sub3A_207], %add3A_203 : memref<64x256xf32, #tpu.memory_space<vmem>>[vector<16xi32>, vector<16xi32>], vector<16xf32>,
      %add3A_215 = arith.addf %add3A_203, %gather3A_214 : vector<16xf32>
      %scan3A_216 = arith.constant 6 : i32
      %scan3A_217 = arith.addi %scan3A_143, %scan3A_216 : i32
      %sub3A_218 = vector.broadcast %scan3A_217 : i32 to vector<16xi32>
      %sub3A_219 = arith.subi %sub3A_218, %iota3A : vector<16xi32>
      %gather3A_220 = tpu.vector_load_idx %arg4[%add3A_5, %sub3A_219] : memref<64x256xf32, #tpu.memory_space<vmem>>[vector<16xi32>, vector<16xi32>], vector<16xf32>,
      tpu.vector_store_idx %arg6[%add3A_5, %sub3A_219], %add3A_209 : memref<64x256xf32, #tpu.memory_space<vmem>>[vector<16xi32>, vector<16xi32>], vector<16xf32>,
      %add3A_221 = arith.addf %add3A_209, %gather3A_220 : vector<16xf32>
      %gather3A_222 = tpu.vector_load_idx %arg4[%add3A_8, %sub3A_219] : memref<64x256xf32, #tpu.memory_space<vmem>>[vector<16xi32>, vector<16xi32>], vector<16xf32>,
      tpu.vector_store_idx %arg6[%add3A_8, %sub3A_219], %add3A_211 : memref<64x256xf32, #tpu.memory_space<vmem>>[vector<16xi32>, vector<16xi32>], vector<16xf32>,
      %add3A_223 = arith.addf %add3A_211, %gather3A_222 : vector<16xf32>
      %gather3A_224 = tpu.vector_load_idx %arg4[%add3A_11, %sub3A_219] : memref<64x256xf32, #tpu.memory_space<vmem>>[vector<16xi32>, vector<16xi32>], vector<16xf32>,
      tpu.vector_store_idx %arg6[%add3A_11, %sub3A_219], %add3A_213 : memref<64x256xf32, #tpu.memory_space<vmem>>[vector<16xi32>, vector<16xi32>], vector<16xf32>,
      %add3A_225 = arith.addf %add3A_213, %gather3A_224 : vector<16xf32>
      %gather3A_226 = tpu.vector_load_idx %arg4[%add3A_14, %sub3A_219] : memref<64x256xf32, #tpu.memory_space<vmem>>[vector<16xi32>, vector<16xi32>], vector<16xf32>,
      tpu.vector_store_idx %arg6[%add3A_14, %sub3A_219], %add3A_215 : memref<64x256xf32, #tpu.memory_space<vmem>>[vector<16xi32>, vector<16xi32>], vector<16xf32>,
      %add3A_227 = arith.addf %add3A_215, %gather3A_226 : vector<16xf32>
      %scan3A_228 = arith.constant 7 : i32
      %scan3A_229 = arith.addi %scan3A_143, %scan3A_228 : i32
      %sub3A_230 = vector.broadcast %scan3A_229 : i32 to vector<16xi32>
      %sub3A_231 = arith.subi %sub3A_230, %iota3A : vector<16xi32>
      %gather3A_232 = tpu.vector_load_idx %arg4[%add3A_5, %sub3A_231] : memref<64x256xf32, #tpu.memory_space<vmem>>[vector<16xi32>, vector<16xi32>], vector<16xf32>,
      tpu.vector_store_idx %arg6[%add3A_5, %sub3A_231], %add3A_221 : memref<64x256xf32, #tpu.memory_space<vmem>>[vector<16xi32>, vector<16xi32>], vector<16xf32>,
      %add3A_233 = arith.addf %add3A_221, %gather3A_232 : vector<16xf32>
      %gather3A_234 = tpu.vector_load_idx %arg4[%add3A_8, %sub3A_231] : memref<64x256xf32, #tpu.memory_space<vmem>>[vector<16xi32>, vector<16xi32>], vector<16xf32>,
      tpu.vector_store_idx %arg6[%add3A_8, %sub3A_231], %add3A_223 : memref<64x256xf32, #tpu.memory_space<vmem>>[vector<16xi32>, vector<16xi32>], vector<16xf32>,
      %add3A_235 = arith.addf %add3A_223, %gather3A_234 : vector<16xf32>
      %gather3A_236 = tpu.vector_load_idx %arg4[%add3A_11, %sub3A_231] : memref<64x256xf32, #tpu.memory_space<vmem>>[vector<16xi32>, vector<16xi32>], vector<16xf32>,
      tpu.vector_store_idx %arg6[%add3A_11, %sub3A_231], %add3A_225 : memref<64x256xf32, #tpu.memory_space<vmem>>[vector<16xi32>, vector<16xi32>], vector<16xf32>,
      %add3A_237 = arith.addf %add3A_225, %gather3A_236 : vector<16xf32>
      %gather3A_238 = tpu.vector_load_idx %arg4[%add3A_14, %sub3A_231] : memref<64x256xf32, #tpu.memory_space<vmem>>[vector<16xi32>, vector<16xi32>], vector<16xf32>,
      tpu.vector_store_idx %arg6[%add3A_14, %sub3A_231], %add3A_227 : memref<64x256xf32, #tpu.memory_space<vmem>>[vector<16xi32>, vector<16xi32>], vector<16xf32>,
      %add3A_239 = arith.addf %add3A_227, %gather3A_238 : vector<16xf32>
      scf.yield %add3A_233, %add3A_235, %add3A_237, %add3A_239 : vector<16xf32>, vector<16xf32>, vector<16xf32>, vector<16xf32>
    }
    %scan3A_42 = arith.constant 240 : i32
    %scan3A_43 = arith.constant 256 : i32
    %scan3A_44 = arith.constant 15 : i32
    %scan3A_45 = arith.addi %scan3A_43, %scan3A_44 : i32
    %scan3A_46 = arith.constant 1 : i32
    %scan3A_47:4 = scf.for %scan3A_143 = %scan3A_43 to %scan3A_45 step %scan3A_46 iter_args(%scan3A_144 = %scan3A_41#0, %scan3A_145 = %scan3A_41#1, %scan3A_146 = %scan3A_41#2, %scan3A_147 = %scan3A_41#3) -> (vector<16xf32>, vector<16xf32>, vector<16xf32>, vector<16xf32>)  : i32 {
      %le3A = vector.broadcast %scan3A_143 : i32 to vector<16xi32>
      %le3A_148 = arith.cmpi sle, %iota3A, %le3A : vector<16xi32>
      %add3A_149 = arith.constant 256 : i32
      %add3A_150 = vector.broadcast %add3A_149 : i32 to vector<16xi32>
      %add3A_151 = arith.addi %iota3A, %add3A_150 : vector<16xi32>
      %lt3A = vector.broadcast %scan3A_143 : i32 to vector<16xi32>
      %lt3A_152 = arith.cmpi slt, %lt3A, %add3A_151 : vector<16xi32>
      %and3A = arith.andi %le3A_148, %lt3A_152 : vector<16xi1>
      %sub3A = vector.broadcast %scan3A_143 : i32 to vector<16xi32>
      %sub3A_153 = arith.subi %sub3A, %iota3A : vector<16xi32>
      %gather3A = tpu.vector_load_idx %arg4[%add3A_5, %sub3A_153] masked %and3A : memref<64x256xf32, #tpu.memory_space<vmem>>[vector<16xi32>, vector<16xi32>], vector<16xf32>, vector<16xi1>
      tpu.vector_store_idx %arg6[%add3A_5, %sub3A_153], %scan3A_144 masked %and3A : memref<64x256xf32, #tpu.memory_space<vmem>>[vector<16xi32>, vector<16xi32>], vector<16xf32>, vector<16xi1>
      %jit3A = arith.constant 0.000000e+00 : f32
      %broadcast_in_dim3A_154 = vector.broadcast %jit3A : f32 to vector<16xf32>
      %select_n3A = arith.select %and3A, %gather3A, %broadcast_in_dim3A_154 : vector<16xi1>, vector<16xf32>
      %add3A_155 = arith.addf %scan3A_144, %select_n3A : vector<16xf32>
      %gather3A_156 = tpu.vector_load_idx %arg4[%add3A_8, %sub3A_153] masked %and3A : memref<64x256xf32, #tpu.memory_space<vmem>>[vector<16xi32>, vector<16xi32>], vector<16xf32>, vector<16xi1>
      tpu.vector_store_idx %arg6[%add3A_8, %sub3A_153], %scan3A_145 masked %and3A : memref<64x256xf32, #tpu.memory_space<vmem>>[vector<16xi32>, vector<16xi32>], vector<16xf32>, vector<16xi1>
      %jit3A_157 = arith.constant 0.000000e+00 : f32
      %broadcast_in_dim3A_158 = vector.broadcast %jit3A_157 : f32 to vector<16xf32>
      %select_n3A_159 = arith.select %and3A, %gather3A_156, %broadcast_in_dim3A_158 : vector<16xi1>, vector<16xf32>
      %add3A_160 = arith.addf %scan3A_145, %select_n3A_159 : vector<16xf32>
      %gather3A_161 = tpu.vector_load_idx %arg4[%add3A_11, %sub3A_153] masked %and3A : memref<64x256xf32, #tpu.memory_space<vmem>>[vector<16xi32>, vector<16xi32>], vector<16xf32>, vector<16xi1>
      tpu.vector_store_idx %arg6[%add3A_11, %sub3A_153], %scan3A_146 masked %and3A : memref<64x256xf32, #tpu.memory_space<vmem>>[vector<16xi32>, vector<16xi32>], vector<16xf32>, vector<16xi1>
      %jit3A_162 = arith.constant 0.000000e+00 : f32
      %broadcast_in_dim3A_163 = vector.broadcast %jit3A_162 : f32 to vector<16xf32>
      %select_n3A_164 = arith.select %and3A, %gather3A_161, %broadcast_in_dim3A_163 : vector<16xi1>, vector<16xf32>
      %add3A_165 = arith.addf %scan3A_146, %select_n3A_164 : vector<16xf32>
      %gather3A_166 = tpu.vector_load_idx %arg4[%add3A_14, %sub3A_153] masked %and3A : memref<64x256xf32, #tpu.memory_space<vmem>>[vector<16xi32>, vector<16xi32>], vector<16xf32>, vector<16xi1>
      tpu.vector_store_idx %arg6[%add3A_14, %sub3A_153], %scan3A_147 masked %and3A : memref<64x256xf32, #tpu.memory_space<vmem>>[vector<16xi32>, vector<16xi32>], vector<16xf32>, vector<16xi1>
      %jit3A_167 = arith.constant 0.000000e+00 : f32
      %broadcast_in_dim3A_168 = vector.broadcast %jit3A_167 : f32 to vector<16xf32>
      %select_n3A_169 = arith.select %and3A, %gather3A_166, %broadcast_in_dim3A_168 : vector<16xi1>, vector<16xf32>
      %add3A_170 = arith.addf %scan3A_147, %select_n3A_169 : vector<16xf32>
      scf.yield %add3A_155, %add3A_160, %add3A_165, %add3A_170 : vector<16xf32>, vector<16xf32>, vector<16xf32>, vector<16xf32>
    }
    %scan3A_48 = arith.constant 15 : i32
    %add3A_49 = arith.constant 0 : i32
    %add3A_50 = arith.addi %mul3A_2, %add3A_49 : i32
    %dma_start3A_51 = arith.constant 0 : i32
    %dma_start3A_52 = tpu.memref_slice %arg3[%add3A_50, %dma_start3A_51] : memref<6144x256xf32, #tpu.memory_space<hbm>> -> memref<64x256xf32, #tpu.memory_space<hbm>>
    %dma_start3A_53 = arith.constant 0 : i32
    %dma_start3A_54 = tpu.memref_slice %arg3[%add3A_50, %dma_start3A_53] : memref<6144x256xf32, #tpu.memory_space<hbm>> -> memref<64x256xf32, #tpu.memory_space<hbm>>
    tpu.enqueue_dma source(%arg6 : memref<64x256xf32, #tpu.memory_space<vmem>>) target(%dma_start3A_54 : memref<64x256xf32, #tpu.memory_space<hbm>>) target_semaphore(%arg10 : memref<!tpu.dma_semaphore, #tpu.memory_space<semaphore_mem>>)
    %add3A_55 = arith.constant 128 : i32
    %add3A_56 = arith.addi %mul3A_2, %add3A_55 : i32
    %dma_start3A_57 = arith.constant 0 : i32
    %dma_start3A_58 = tpu.memref_slice %arg2[%add3A_56, %dma_start3A_57] : memref<16384x256xf32, #tpu.memory_space<hbm>> -> memref<64x256xf32, #tpu.memory_space<hbm>>
    %dma_start3A_59 = arith.constant 0 : i32
    %dma_start3A_60 = tpu.memref_slice %arg2[%add3A_56, %dma_start3A_59] : memref<16384x256xf32, #tpu.memory_space<hbm>> -> memref<64x256xf32, #tpu.memory_space<hbm>>
    tpu.enqueue_dma source(%dma_start3A_60 : memref<64x256xf32, #tpu.memory_space<hbm>>) target(%arg4 : memref<64x256xf32, #tpu.memory_space<vmem>>) target_semaphore(%arg8 : memref<!tpu.dma_semaphore, #tpu.memory_space<semaphore_mem>>)
    %add3A_61 = arith.constant 64 : i32
    %add3A_62 = arith.addi %mul3A_2, %add3A_61 : i32
    %dma_wait3A_63 = arith.constant 0 : i32
    %dma_wait3A_64 = tpu.memref_slice %arg2[%add3A_62, %dma_wait3A_63] : memref<16384x256xf32, #tpu.memory_space<hbm>> -> memref<64x256xf32, #tpu.memory_space<hbm>>
    %dma_wait3A_65 = arith.constant 0 : i32
    %dma_wait3A_66 = tpu.memref_slice %arg2[%add3A_62, %dma_wait3A_65] : memref<16384x256xf32, #tpu.memory_space<hbm>> -> memref<64x256xf32, #tpu.memory_space<hbm>>
    tpu.wait_dma2 semaphore(%arg9 : memref<!tpu.dma_semaphore, #tpu.memory_space<semaphore_mem>>) src(%dma_wait3A_66 : memref<64x256xf32, #tpu.memory_space<hbm>>) dst(%arg5 : memref<64x256xf32, #tpu.memory_space<vmem>>)
    %broadcast_in_dim3A_67 = arith.constant 0.000000e+00 : f32
    %broadcast_in_dim3A_68 = vector.broadcast %broadcast_in_dim3A_67 : f32 to vector<16xf32>
    %scan3A_69 = arith.constant 0 : i32
    %scan3A_70 = arith.constant 16 : i32
    %scan3A_71 = arith.addi %scan3A_69, %scan3A_70 : i32
    %scan3A_72 = arith.constant 1 : i32
    %scan3A_73:4 = scf.for %scan3A_143 = %scan3A_69 to %scan3A_71 step %scan3A_72 iter_args(%scan3A_144 = %broadcast_in_dim3A_68, %scan3A_145 = %broadcast_in_dim3A_68, %scan3A_146 = %broadcast_in_dim3A_68, %scan3A_147 = %broadcast_in_dim3A_68) -> (vector<16xf32>, vector<16xf32>, vector<16xf32>, vector<16xf32>)  : i32 {
      %le3A = vector.broadcast %scan3A_143 : i32 to vector<16xi32>
      %le3A_148 = arith.cmpi sle, %iota3A, %le3A : vector<16xi32>
      %add3A_149 = arith.constant 256 : i32
      %add3A_150 = vector.broadcast %add3A_149 : i32 to vector<16xi32>
      %add3A_151 = arith.addi %iota3A, %add3A_150 : vector<16xi32>
      %lt3A = vector.broadcast %scan3A_143 : i32 to vector<16xi32>
      %lt3A_152 = arith.cmpi slt, %lt3A, %add3A_151 : vector<16xi32>
      %and3A = arith.andi %le3A_148, %lt3A_152 : vector<16xi1>
      %sub3A = vector.broadcast %scan3A_143 : i32 to vector<16xi32>
      %sub3A_153 = arith.subi %sub3A, %iota3A : vector<16xi32>
      %gather3A = tpu.vector_load_idx %arg5[%add3A_5, %sub3A_153] masked %and3A : memref<64x256xf32, #tpu.memory_space<vmem>>[vector<16xi32>, vector<16xi32>], vector<16xf32>, vector<16xi1>
      tpu.vector_store_idx %arg7[%add3A_5, %sub3A_153], %scan3A_144 masked %and3A : memref<64x256xf32, #tpu.memory_space<vmem>>[vector<16xi32>, vector<16xi32>], vector<16xf32>, vector<16xi1>
      %jit3A = arith.constant 0.000000e+00 : f32
      %broadcast_in_dim3A_154 = vector.broadcast %jit3A : f32 to vector<16xf32>
      %select_n3A = arith.select %and3A, %gather3A, %broadcast_in_dim3A_154 : vector<16xi1>, vector<16xf32>
      %add3A_155 = arith.addf %scan3A_144, %select_n3A : vector<16xf32>
      %gather3A_156 = tpu.vector_load_idx %arg5[%add3A_8, %sub3A_153] masked %and3A : memref<64x256xf32, #tpu.memory_space<vmem>>[vector<16xi32>, vector<16xi32>], vector<16xf32>, vector<16xi1>
      tpu.vector_store_idx %arg7[%add3A_8, %sub3A_153], %scan3A_145 masked %and3A : memref<64x256xf32, #tpu.memory_space<vmem>>[vector<16xi32>, vector<16xi32>], vector<16xf32>, vector<16xi1>
      %jit3A_157 = arith.constant 0.000000e+00 : f32
      %broadcast_in_dim3A_158 = vector.broadcast %jit3A_157 : f32 to vector<16xf32>
      %select_n3A_159 = arith.select %and3A, %gather3A_156, %broadcast_in_dim3A_158 : vector<16xi1>, vector<16xf32>
      %add3A_160 = arith.addf %scan3A_145, %select_n3A_159 : vector<16xf32>
      %gather3A_161 = tpu.vector_load_idx %arg5[%add3A_11, %sub3A_153] masked %and3A : memref<64x256xf32, #tpu.memory_space<vmem>>[vector<16xi32>, vector<16xi32>], vector<16xf32>, vector<16xi1>
      tpu.vector_store_idx %arg7[%add3A_11, %sub3A_153], %scan3A_146 masked %and3A : memref<64x256xf32, #tpu.memory_space<vmem>>[vector<16xi32>, vector<16xi32>], vector<16xf32>, vector<16xi1>
      %jit3A_162 = arith.constant 0.000000e+00 : f32
      %broadcast_in_dim3A_163 = vector.broadcast %jit3A_162 : f32 to vector<16xf32>
      %select_n3A_164 = arith.select %and3A, %gather3A_161, %broadcast_in_dim3A_163 : vector<16xi1>, vector<16xf32>
      %add3A_165 = arith.addf %scan3A_146, %select_n3A_164 : vector<16xf32>
      %gather3A_166 = tpu.vector_load_idx %arg5[%add3A_14, %sub3A_153] masked %and3A : memref<64x256xf32, #tpu.memory_space<vmem>>[vector<16xi32>, vector<16xi32>], vector<16xf32>, vector<16xi1>
      tpu.vector_store_idx %arg7[%add3A_14, %sub3A_153], %scan3A_147 masked %and3A : memref<64x256xf32, #tpu.memory_space<vmem>>[vector<16xi32>, vector<16xi32>], vector<16xf32>, vector<16xi1>
      %jit3A_167 = arith.constant 0.000000e+00 : f32
      %broadcast_in_dim3A_168 = vector.broadcast %jit3A_167 : f32 to vector<16xf32>
      %select_n3A_169 = arith.select %and3A, %gather3A_166, %broadcast_in_dim3A_168 : vector<16xi1>, vector<16xf32>
      %add3A_170 = arith.addf %scan3A_147, %select_n3A_169 : vector<16xf32>
      scf.yield %add3A_155, %add3A_160, %add3A_165, %add3A_170 : vector<16xf32>, vector<16xf32>, vector<16xf32>, vector<16xf32>
    }
    %scan3A_74 = arith.constant 16 : i32
    %scan3A_75 = arith.constant 16 : i32
    %scan3A_76 = arith.constant 240 : i32
    %scan3A_77 = arith.addi %scan3A_75, %scan3A_76 : i32
    %scan3A_78 = arith.constant 8 : i32
    %scan3A_79:4 = scf.for %scan3A_143 = %scan3A_75 to %scan3A_77 step %scan3A_78 iter_args(%scan3A_144 = %scan3A_73#0, %scan3A_145 = %scan3A_73#1, %scan3A_146 = %scan3A_73#2, %scan3A_147 = %scan3A_73#3) -> (vector<16xf32>, vector<16xf32>, vector<16xf32>, vector<16xf32>)  : i32 {
      %sub3A = vector.broadcast %scan3A_143 : i32 to vector<16xi32>
      %sub3A_148 = arith.subi %sub3A, %iota3A : vector<16xi32>
      %gather3A = tpu.vector_load_idx %arg5[%add3A_5, %sub3A_148] : memref<64x256xf32, #tpu.memory_space<vmem>>[vector<16xi32>, vector<16xi32>], vector<16xf32>,
      tpu.vector_store_idx %arg7[%add3A_5, %sub3A_148], %scan3A_144 : memref<64x256xf32, #tpu.memory_space<vmem>>[vector<16xi32>, vector<16xi32>], vector<16xf32>,
      %add3A_149 = arith.addf %scan3A_144, %gather3A : vector<16xf32>
      %gather3A_150 = tpu.vector_load_idx %arg5[%add3A_8, %sub3A_148] : memref<64x256xf32, #tpu.memory_space<vmem>>[vector<16xi32>, vector<16xi32>], vector<16xf32>,
      tpu.vector_store_idx %arg7[%add3A_8, %sub3A_148], %scan3A_145 : memref<64x256xf32, #tpu.memory_space<vmem>>[vector<16xi32>, vector<16xi32>], vector<16xf32>,
      %add3A_151 = arith.addf %scan3A_145, %gather3A_150 : vector<16xf32>
      %gather3A_152 = tpu.vector_load_idx %arg5[%add3A_11, %sub3A_148] : memref<64x256xf32, #tpu.memory_space<vmem>>[vector<16xi32>, vector<16xi32>], vector<16xf32>,
      tpu.vector_store_idx %arg7[%add3A_11, %sub3A_148], %scan3A_146 : memref<64x256xf32, #tpu.memory_space<vmem>>[vector<16xi32>, vector<16xi32>], vector<16xf32>,
      %add3A_153 = arith.addf %scan3A_146, %gather3A_152 : vector<16xf32>
      %gather3A_154 = tpu.vector_load_idx %arg5[%add3A_14, %sub3A_148] : memref<64x256xf32, #tpu.memory_space<vmem>>[vector<16xi32>, vector<16xi32>], vector<16xf32>,
      tpu.vector_store_idx %arg7[%add3A_14, %sub3A_148], %scan3A_147 : memref<64x256xf32, #tpu.memory_space<vmem>>[vector<16xi32>, vector<16xi32>], vector<16xf32>,
      %add3A_155 = arith.addf %scan3A_147, %gather3A_154 : vector<16xf32>
      %scan3A_156 = arith.constant 1 : i32
      %scan3A_157 = arith.addi %scan3A_143, %scan3A_156 : i32
      %sub3A_158 = vector.broadcast %scan3A_157 : i32 to vector<16xi32>
      %sub3A_159 = arith.subi %sub3A_158, %iota3A : vector<16xi32>
      %gather3A_160 = tpu.vector_load_idx %arg5[%add3A_5, %sub3A_159] : memref<64x256xf32, #tpu.memory_space<vmem>>[vector<16xi32>, vector<16xi32>], vector<16xf32>,
      tpu.vector_store_idx %arg7[%add3A_5, %sub3A_159], %add3A_149 : memref<64x256xf32, #tpu.memory_space<vmem>>[vector<16xi32>, vector<16xi32>], vector<16xf32>,
      %add3A_161 = arith.addf %add3A_149, %gather3A_160 : vector<16xf32>
      %gather3A_162 = tpu.vector_load_idx %arg5[%add3A_8, %sub3A_159] : memref<64x256xf32, #tpu.memory_space<vmem>>[vector<16xi32>, vector<16xi32>], vector<16xf32>,
      tpu.vector_store_idx %arg7[%add3A_8, %sub3A_159], %add3A_151 : memref<64x256xf32, #tpu.memory_space<vmem>>[vector<16xi32>, vector<16xi32>], vector<16xf32>,
      %add3A_163 = arith.addf %add3A_151, %gather3A_162 : vector<16xf32>
      %gather3A_164 = tpu.vector_load_idx %arg5[%add3A_11, %sub3A_159] : memref<64x256xf32, #tpu.memory_space<vmem>>[vector<16xi32>, vector<16xi32>], vector<16xf32>,
      tpu.vector_store_idx %arg7[%add3A_11, %sub3A_159], %add3A_153 : memref<64x256xf32, #tpu.memory_space<vmem>>[vector<16xi32>, vector<16xi32>], vector<16xf32>,
      %add3A_165 = arith.addf %add3A_153, %gather3A_164 : vector<16xf32>
      %gather3A_166 = tpu.vector_load_idx %arg5[%add3A_14, %sub3A_159] : memref<64x256xf32, #tpu.memory_space<vmem>>[vector<16xi32>, vector<16xi32>], vector<16xf32>,
      tpu.vector_store_idx %arg7[%add3A_14, %sub3A_159], %add3A_155 : memref<64x256xf32, #tpu.memory_space<vmem>>[vector<16xi32>, vector<16xi32>], vector<16xf32>,
      %add3A_167 = arith.addf %add3A_155, %gather3A_166 : vector<16xf32>
      %scan3A_168 = arith.constant 2 : i32
      %scan3A_169 = arith.addi %scan3A_143, %scan3A_168 : i32
      %sub3A_170 = vector.broadcast %scan3A_169 : i32 to vector<16xi32>
      %sub3A_171 = arith.subi %sub3A_170, %iota3A : vector<16xi32>
      %gather3A_172 = tpu.vector_load_idx %arg5[%add3A_5, %sub3A_171] : memref<64x256xf32, #tpu.memory_space<vmem>>[vector<16xi32>, vector<16xi32>], vector<16xf32>,
      tpu.vector_store_idx %arg7[%add3A_5, %sub3A_171], %add3A_161 : memref<64x256xf32, #tpu.memory_space<vmem>>[vector<16xi32>, vector<16xi32>], vector<16xf32>,
      %add3A_173 = arith.addf %add3A_161, %gather3A_172 : vector<16xf32>
      %gather3A_174 = tpu.vector_load_idx %arg5[%add3A_8, %sub3A_171] : memref<64x256xf32, #tpu.memory_space<vmem>>[vector<16xi32>, vector<16xi32>], vector<16xf32>,
      tpu.vector_store_idx %arg7[%add3A_8, %sub3A_171], %add3A_163 : memref<64x256xf32, #tpu.memory_space<vmem>>[vector<16xi32>, vector<16xi32>], vector<16xf32>,
      %add3A_175 = arith.addf %add3A_163, %gather3A_174 : vector<16xf32>
      %gather3A_176 = tpu.vector_load_idx %arg5[%add3A_11, %sub3A_171] : memref<64x256xf32, #tpu.memory_space<vmem>>[vector<16xi32>, vector<16xi32>], vector<16xf32>,
      tpu.vector_store_idx %arg7[%add3A_11, %sub3A_171], %add3A_165 : memref<64x256xf32, #tpu.memory_space<vmem>>[vector<16xi32>, vector<16xi32>], vector<16xf32>,
      %add3A_177 = arith.addf %add3A_165, %gather3A_176 : vector<16xf32>
      %gather3A_178 = tpu.vector_load_idx %arg5[%add3A_14, %sub3A_171] : memref<64x256xf32, #tpu.memory_space<vmem>>[vector<16xi32>, vector<16xi32>], vector<16xf32>,
      tpu.vector_store_idx %arg7[%add3A_14, %sub3A_171], %add3A_167 : memref<64x256xf32, #tpu.memory_space<vmem>>[vector<16xi32>, vector<16xi32>], vector<16xf32>,
      %add3A_179 = arith.addf %add3A_167, %gather3A_178 : vector<16xf32>
      %scan3A_180 = arith.constant 3 : i32
      %scan3A_181 = arith.addi %scan3A_143, %scan3A_180 : i32
      %sub3A_182 = vector.broadcast %scan3A_181 : i32 to vector<16xi32>
      %sub3A_183 = arith.subi %sub3A_182, %iota3A : vector<16xi32>
      %gather3A_184 = tpu.vector_load_idx %arg5[%add3A_5, %sub3A_183] : memref<64x256xf32, #tpu.memory_space<vmem>>[vector<16xi32>, vector<16xi32>], vector<16xf32>,
      tpu.vector_store_idx %arg7[%add3A_5, %sub3A_183], %add3A_173 : memref<64x256xf32, #tpu.memory_space<vmem>>[vector<16xi32>, vector<16xi32>], vector<16xf32>,
      %add3A_185 = arith.addf %add3A_173, %gather3A_184 : vector<16xf32>
      %gather3A_186 = tpu.vector_load_idx %arg5[%add3A_8, %sub3A_183] : memref<64x256xf32, #tpu.memory_space<vmem>>[vector<16xi32>, vector<16xi32>], vector<16xf32>,
      tpu.vector_store_idx %arg7[%add3A_8, %sub3A_183], %add3A_175 : memref<64x256xf32, #tpu.memory_space<vmem>>[vector<16xi32>, vector<16xi32>], vector<16xf32>,
      %add3A_187 = arith.addf %add3A_175, %gather3A_186 : vector<16xf32>
      %gather3A_188 = tpu.vector_load_idx %arg5[%add3A_11, %sub3A_183] : memref<64x256xf32, #tpu.memory_space<vmem>>[vector<16xi32>, vector<16xi32>], vector<16xf32>,
      tpu.vector_store_idx %arg7[%add3A_11, %sub3A_183], %add3A_177 : memref<64x256xf32, #tpu.memory_space<vmem>>[vector<16xi32>, vector<16xi32>], vector<16xf32>,
      %add3A_189 = arith.addf %add3A_177, %gather3A_188 : vector<16xf32>
      %gather3A_190 = tpu.vector_load_idx %arg5[%add3A_14, %sub3A_183] : memref<64x256xf32, #tpu.memory_space<vmem>>[vector<16xi32>, vector<16xi32>], vector<16xf32>,
      tpu.vector_store_idx %arg7[%add3A_14, %sub3A_183], %add3A_179 : memref<64x256xf32, #tpu.memory_space<vmem>>[vector<16xi32>, vector<16xi32>], vector<16xf32>,
      %add3A_191 = arith.addf %add3A_179, %gather3A_190 : vector<16xf32>
      %scan3A_192 = arith.constant 4 : i32
      %scan3A_193 = arith.addi %scan3A_143, %scan3A_192 : i32
      %sub3A_194 = vector.broadcast %scan3A_193 : i32 to vector<16xi32>
      %sub3A_195 = arith.subi %sub3A_194, %iota3A : vector<16xi32>
      %gather3A_196 = tpu.vector_load_idx %arg5[%add3A_5, %sub3A_195] : memref<64x256xf32, #tpu.memory_space<vmem>>[vector<16xi32>, vector<16xi32>], vector<16xf32>,
      tpu.vector_store_idx %arg7[%add3A_5, %sub3A_195], %add3A_185 : memref<64x256xf32, #tpu.memory_space<vmem>>[vector<16xi32>, vector<16xi32>], vector<16xf32>,
      %add3A_197 = arith.addf %add3A_185, %gather3A_196 : vector<16xf32>
      %gather3A_198 = tpu.vector_load_idx %arg5[%add3A_8, %sub3A_195] : memref<64x256xf32, #tpu.memory_space<vmem>>[vector<16xi32>, vector<16xi32>], vector<16xf32>,
      tpu.vector_store_idx %arg7[%add3A_8, %sub3A_195], %add3A_187 : memref<64x256xf32, #tpu.memory_space<vmem>>[vector<16xi32>, vector<16xi32>], vector<16xf32>,
      %add3A_199 = arith.addf %add3A_187, %gather3A_198 : vector<16xf32>
      %gather3A_200 = tpu.vector_load_idx %arg5[%add3A_11, %sub3A_195] : memref<64x256xf32, #tpu.memory_space<vmem>>[vector<16xi32>, vector<16xi32>], vector<16xf32>,
      tpu.vector_store_idx %arg7[%add3A_11, %sub3A_195], %add3A_189 : memref<64x256xf32, #tpu.memory_space<vmem>>[vector<16xi32>, vector<16xi32>], vector<16xf32>,
      %add3A_201 = arith.addf %add3A_189, %gather3A_200 : vector<16xf32>
      %gather3A_202 = tpu.vector_load_idx %arg5[%add3A_14, %sub3A_195] : memref<64x256xf32, #tpu.memory_space<vmem>>[vector<16xi32>, vector<16xi32>], vector<16xf32>,
      tpu.vector_store_idx %arg7[%add3A_14, %sub3A_195], %add3A_191 : memref<64x256xf32, #tpu.memory_space<vmem>>[vector<16xi32>, vector<16xi32>], vector<16xf32>,
      %add3A_203 = arith.addf %add3A_191, %gather3A_202 : vector<16xf32>
      %scan3A_204 = arith.constant 5 : i32
      %scan3A_205 = arith.addi %scan3A_143, %scan3A_204 : i32
      %sub3A_206 = vector.broadcast %scan3A_205 : i32 to vector<16xi32>
      %sub3A_207 = arith.subi %sub3A_206, %iota3A : vector<16xi32>
      %gather3A_208 = tpu.vector_load_idx %arg5[%add3A_5, %sub3A_207] : memref<64x256xf32, #tpu.memory_space<vmem>>[vector<16xi32>, vector<16xi32>], vector<16xf32>,
      tpu.vector_store_idx %arg7[%add3A_5, %sub3A_207], %add3A_197 : memref<64x256xf32, #tpu.memory_space<vmem>>[vector<16xi32>, vector<16xi32>], vector<16xf32>,
      %add3A_209 = arith.addf %add3A_197, %gather3A_208 : vector<16xf32>
      %gather3A_210 = tpu.vector_load_idx %arg5[%add3A_8, %sub3A_207] : memref<64x256xf32, #tpu.memory_space<vmem>>[vector<16xi32>, vector<16xi32>], vector<16xf32>,
      tpu.vector_store_idx %arg7[%add3A_8, %sub3A_207], %add3A_199 : memref<64x256xf32, #tpu.memory_space<vmem>>[vector<16xi32>, vector<16xi32>], vector<16xf32>,
      %add3A_211 = arith.addf %add3A_199, %gather3A_210 : vector<16xf32>
      %gather3A_212 = tpu.vector_load_idx %arg5[%add3A_11, %sub3A_207] : memref<64x256xf32, #tpu.memory_space<vmem>>[vector<16xi32>, vector<16xi32>], vector<16xf32>,
      tpu.vector_store_idx %arg7[%add3A_11, %sub3A_207], %add3A_201 : memref<64x256xf32, #tpu.memory_space<vmem>>[vector<16xi32>, vector<16xi32>], vector<16xf32>,
      %add3A_213 = arith.addf %add3A_201, %gather3A_212 : vector<16xf32>
      %gather3A_214 = tpu.vector_load_idx %arg5[%add3A_14, %sub3A_207] : memref<64x256xf32, #tpu.memory_space<vmem>>[vector<16xi32>, vector<16xi32>], vector<16xf32>,
      tpu.vector_store_idx %arg7[%add3A_14, %sub3A_207], %add3A_203 : memref<64x256xf32, #tpu.memory_space<vmem>>[vector<16xi32>, vector<16xi32>], vector<16xf32>,
      %add3A_215 = arith.addf %add3A_203, %gather3A_214 : vector<16xf32>
      %scan3A_216 = arith.constant 6 : i32
      %scan3A_217 = arith.addi %scan3A_143, %scan3A_216 : i32
      %sub3A_218 = vector.broadcast %scan3A_217 : i32 to vector<16xi32>
      %sub3A_219 = arith.subi %sub3A_218, %iota3A : vector<16xi32>
      %gather3A_220 = tpu.vector_load_idx %arg5[%add3A_5, %sub3A_219] : memref<64x256xf32, #tpu.memory_space<vmem>>[vector<16xi32>, vector<16xi32>], vector<16xf32>,
      tpu.vector_store_idx %arg7[%add3A_5, %sub3A_219], %add3A_209 : memref<64x256xf32, #tpu.memory_space<vmem>>[vector<16xi32>, vector<16xi32>], vector<16xf32>,
      %add3A_221 = arith.addf %add3A_209, %gather3A_220 : vector<16xf32>
      %gather3A_222 = tpu.vector_load_idx %arg5[%add3A_8, %sub3A_219] : memref<64x256xf32, #tpu.memory_space<vmem>>[vector<16xi32>, vector<16xi32>], vector<16xf32>,
      tpu.vector_store_idx %arg7[%add3A_8, %sub3A_219], %add3A_211 : memref<64x256xf32, #tpu.memory_space<vmem>>[vector<16xi32>, vector<16xi32>], vector<16xf32>,
      %add3A_223 = arith.addf %add3A_211, %gather3A_222 : vector<16xf32>
      %gather3A_224 = tpu.vector_load_idx %arg5[%add3A_11, %sub3A_219] : memref<64x256xf32, #tpu.memory_space<vmem>>[vector<16xi32>, vector<16xi32>], vector<16xf32>,
      tpu.vector_store_idx %arg7[%add3A_11, %sub3A_219], %add3A_213 : memref<64x256xf32, #tpu.memory_space<vmem>>[vector<16xi32>, vector<16xi32>], vector<16xf32>,
      %add3A_225 = arith.addf %add3A_213, %gather3A_224 : vector<16xf32>
      %gather3A_226 = tpu.vector_load_idx %arg5[%add3A_14, %sub3A_219] : memref<64x256xf32, #tpu.memory_space<vmem>>[vector<16xi32>, vector<16xi32>], vector<16xf32>,
      tpu.vector_store_idx %arg7[%add3A_14, %sub3A_219], %add3A_215 : memref<64x256xf32, #tpu.memory_space<vmem>>[vector<16xi32>, vector<16xi32>], vector<16xf32>,
      %add3A_227 = arith.addf %add3A_215, %gather3A_226 : vector<16xf32>
      %scan3A_228 = arith.constant 7 : i32
      %scan3A_229 = arith.addi %scan3A_143, %scan3A_228 : i32
      %sub3A_230 = vector.broadcast %scan3A_229 : i32 to vector<16xi32>
      %sub3A_231 = arith.subi %sub3A_230, %iota3A : vector<16xi32>
      %gather3A_232 = tpu.vector_load_idx %arg5[%add3A_5, %sub3A_231] : memref<64x256xf32, #tpu.memory_space<vmem>>[vector<16xi32>, vector<16xi32>], vector<16xf32>,
      tpu.vector_store_idx %arg7[%add3A_5, %sub3A_231], %add3A_221 : memref<64x256xf32, #tpu.memory_space<vmem>>[vector<16xi32>, vector<16xi32>], vector<16xf32>,
      %add3A_233 = arith.addf %add3A_221, %gather3A_232 : vector<16xf32>
      %gather3A_234 = tpu.vector_load_idx %arg5[%add3A_8, %sub3A_231] : memref<64x256xf32, #tpu.memory_space<vmem>>[vector<16xi32>, vector<16xi32>], vector<16xf32>,
      tpu.vector_store_idx %arg7[%add3A_8, %sub3A_231], %add3A_223 : memref<64x256xf32, #tpu.memory_space<vmem>>[vector<16xi32>, vector<16xi32>], vector<16xf32>,
      %add3A_235 = arith.addf %add3A_223, %gather3A_234 : vector<16xf32>
      %gather3A_236 = tpu.vector_load_idx %arg5[%add3A_11, %sub3A_231] : memref<64x256xf32, #tpu.memory_space<vmem>>[vector<16xi32>, vector<16xi32>], vector<16xf32>,
      tpu.vector_store_idx %arg7[%add3A_11, %sub3A_231], %add3A_225 : memref<64x256xf32, #tpu.memory_space<vmem>>[vector<16xi32>, vector<16xi32>], vector<16xf32>,
      %add3A_237 = arith.addf %add3A_225, %gather3A_236 : vector<16xf32>
      %gather3A_238 = tpu.vector_load_idx %arg5[%add3A_14, %sub3A_231] : memref<64x256xf32, #tpu.memory_space<vmem>>[vector<16xi32>, vector<16xi32>], vector<16xf32>,
      tpu.vector_store_idx %arg7[%add3A_14, %sub3A_231], %add3A_227 : memref<64x256xf32, #tpu.memory_space<vmem>>[vector<16xi32>, vector<16xi32>], vector<16xf32>,
      %add3A_239 = arith.addf %add3A_227, %gather3A_238 : vector<16xf32>
      scf.yield %add3A_233, %add3A_235, %add3A_237, %add3A_239 : vector<16xf32>, vector<16xf32>, vector<16xf32>, vector<16xf32>
    }
    %scan3A_80 = arith.constant 240 : i32
    %scan3A_81 = arith.constant 256 : i32
    %scan3A_82 = arith.constant 15 : i32
    %scan3A_83 = arith.addi %scan3A_81, %scan3A_82 : i32
    %scan3A_84 = arith.constant 1 : i32
    %scan3A_85:4 = scf.for %scan3A_143 = %scan3A_81 to %scan3A_83 step %scan3A_84 iter_args(%scan3A_144 = %scan3A_79#0, %scan3A_145 = %scan3A_79#1, %scan3A_146 = %scan3A_79#2, %scan3A_147 = %scan3A_79#3) -> (vector<16xf32>, vector<16xf32>, vector<16xf32>, vector<16xf32>)  : i32 {
      %le3A = vector.broadcast %scan3A_143 : i32 to vector<16xi32>
      %le3A_148 = arith.cmpi sle, %iota3A, %le3A : vector<16xi32>
      %add3A_149 = arith.constant 256 : i32
      %add3A_150 = vector.broadcast %add3A_149 : i32 to vector<16xi32>
      %add3A_151 = arith.addi %iota3A, %add3A_150 : vector<16xi32>
      %lt3A = vector.broadcast %scan3A_143 : i32 to vector<16xi32>
      %lt3A_152 = arith.cmpi slt, %lt3A, %add3A_151 : vector<16xi32>
      %and3A = arith.andi %le3A_148, %lt3A_152 : vector<16xi1>
      %sub3A = vector.broadcast %scan3A_143 : i32 to vector<16xi32>
      %sub3A_153 = arith.subi %sub3A, %iota3A : vector<16xi32>
      %gather3A = tpu.vector_load_idx %arg5[%add3A_5, %sub3A_153] masked %and3A : memref<64x256xf32, #tpu.memory_space<vmem>>[vector<16xi32>, vector<16xi32>], vector<16xf32>, vector<16xi1>
      tpu.vector_store_idx %arg7[%add3A_5, %sub3A_153], %scan3A_144 masked %and3A : memref<64x256xf32, #tpu.memory_space<vmem>>[vector<16xi32>, vector<16xi32>], vector<16xf32>, vector<16xi1>
      %jit3A = arith.constant 0.000000e+00 : f32
      %broadcast_in_dim3A_154 = vector.broadcast %jit3A : f32 to vector<16xf32>
      %select_n3A = arith.select %and3A, %gather3A, %broadcast_in_dim3A_154 : vector<16xi1>, vector<16xf32>
      %add3A_155 = arith.addf %scan3A_144, %select_n3A : vector<16xf32>
      %gather3A_156 = tpu.vector_load_idx %arg5[%add3A_8, %sub3A_153] masked %and3A : memref<64x256xf32, #tpu.memory_space<vmem>>[vector<16xi32>, vector<16xi32>], vector<16xf32>, vector<16xi1>
      tpu.vector_store_idx %arg7[%add3A_8, %sub3A_153], %scan3A_145 masked %and3A : memref<64x256xf32, #tpu.memory_space<vmem>>[vector<16xi32>, vector<16xi32>], vector<16xf32>, vector<16xi1>
      %jit3A_157 = arith.constant 0.000000e+00 : f32
      %broadcast_in_dim3A_158 = vector.broadcast %jit3A_157 : f32 to vector<16xf32>
      %select_n3A_159 = arith.select %and3A, %gather3A_156, %broadcast_in_dim3A_158 : vector<16xi1>, vector<16xf32>
      %add3A_160 = arith.addf %scan3A_145, %select_n3A_159 : vector<16xf32>
      %gather3A_161 = tpu.vector_load_idx %arg5[%add3A_11, %sub3A_153] masked %and3A : memref<64x256xf32, #tpu.memory_space<vmem>>[vector<16xi32>, vector<16xi32>], vector<16xf32>, vector<16xi1>
      tpu.vector_store_idx %arg7[%add3A_11, %sub3A_153], %scan3A_146 masked %and3A : memref<64x256xf32, #tpu.memory_space<vmem>>[vector<16xi32>, vector<16xi32>], vector<16xf32>, vector<16xi1>
      %jit3A_162 = arith.constant 0.000000e+00 : f32
      %broadcast_in_dim3A_163 = vector.broadcast %jit3A_162 : f32 to vector<16xf32>
      %select_n3A_164 = arith.select %and3A, %gather3A_161, %broadcast_in_dim3A_163 : vector<16xi1>, vector<16xf32>
      %add3A_165 = arith.addf %scan3A_146, %select_n3A_164 : vector<16xf32>
      %gather3A_166 = tpu.vector_load_idx %arg5[%add3A_14, %sub3A_153] masked %and3A : memref<64x256xf32, #tpu.memory_space<vmem>>[vector<16xi32>, vector<16xi32>], vector<16xf32>, vector<16xi1>
      tpu.vector_store_idx %arg7[%add3A_14, %sub3A_153], %scan3A_147 masked %and3A : memref<64x256xf32, #tpu.memory_space<vmem>>[vector<16xi32>, vector<16xi32>], vector<16xf32>, vector<16xi1>
      %jit3A_167 = arith.constant 0.000000e+00 : f32
      %broadcast_in_dim3A_168 = vector.broadcast %jit3A_167 : f32 to vector<16xf32>
      %select_n3A_169 = arith.select %and3A, %gather3A_166, %broadcast_in_dim3A_168 : vector<16xi1>, vector<16xf32>
      %add3A_170 = arith.addf %scan3A_147, %select_n3A_169 : vector<16xf32>
      scf.yield %add3A_155, %add3A_160, %add3A_165, %add3A_170 : vector<16xf32>, vector<16xf32>, vector<16xf32>, vector<16xf32>
    }
    %scan3A_86 = arith.constant 15 : i32
    %add3A_87 = arith.constant 64 : i32
    %add3A_88 = arith.addi %mul3A_2, %add3A_87 : i32
    %dma_start3A_89 = arith.constant 0 : i32
    %dma_start3A_90 = tpu.memref_slice %arg3[%add3A_88, %dma_start3A_89] : memref<6144x256xf32, #tpu.memory_space<hbm>> -> memref<64x256xf32, #tpu.memory_space<hbm>>
    %dma_start3A_91 = arith.constant 0 : i32
    %dma_start3A_92 = tpu.memref_slice %arg3[%add3A_88, %dma_start3A_91] : memref<6144x256xf32, #tpu.memory_space<hbm>> -> memref<64x256xf32, #tpu.memory_space<hbm>>
    tpu.enqueue_dma source(%arg7 : memref<64x256xf32, #tpu.memory_space<vmem>>) target(%dma_start3A_92 : memref<64x256xf32, #tpu.memory_space<hbm>>) target_semaphore(%arg11 : memref<!tpu.dma_semaphore, #tpu.memory_space<semaphore_mem>>)
    %add3A_93 = arith.constant 128 : i32
    %add3A_94 = arith.addi %mul3A_2, %add3A_93 : i32
    %dma_wait3A_95 = arith.constant 0 : i32
    %dma_wait3A_96 = tpu.memref_slice %arg2[%add3A_94, %dma_wait3A_95] : memref<16384x256xf32, #tpu.memory_space<hbm>> -> memref<64x256xf32, #tpu.memory_space<hbm>>
    %dma_wait3A_97 = arith.constant 0 : i32
    %dma_wait3A_98 = tpu.memref_slice %arg2[%add3A_94, %dma_wait3A_97] : memref<16384x256xf32, #tpu.memory_space<hbm>> -> memref<64x256xf32, #tpu.memory_space<hbm>>
    tpu.wait_dma2 semaphore(%arg8 : memref<!tpu.dma_semaphore, #tpu.memory_space<semaphore_mem>>) src(%dma_wait3A_98 : memref<64x256xf32, #tpu.memory_space<hbm>>) dst(%arg4 : memref<64x256xf32, #tpu.memory_space<vmem>>)
    %add3A_99 = arith.constant 0 : i32
    %add3A_100 = arith.addi %mul3A_2, %add3A_99 : i32
    %dma_wait3A_101 = arith.constant 0 : i32
    %dma_wait3A_102 = tpu.memref_slice %arg3[%add3A_100, %dma_wait3A_101] : memref<6144x256xf32, #tpu.memory_space<hbm>> -> memref<64x256xf32, #tpu.memory_space<hbm>>
    %dma_wait3A_103 = arith.constant 0 : i32
    %dma_wait3A_104 = tpu.memref_slice %arg3[%add3A_100, %dma_wait3A_103] : memref<6144x256xf32, #tpu.memory_space<hbm>> -> memref<64x256xf32, #tpu.memory_space<hbm>>
    tpu.wait_dma2 semaphore(%arg10 : memref<!tpu.dma_semaphore, #tpu.memory_space<semaphore_mem>>) src(%arg6 : memref<64x256xf32, #tpu.memory_space<vmem>>) dst(%dma_wait3A_104 : memref<64x256xf32, #tpu.memory_space<hbm>>)
    %broadcast_in_dim3A_105 = arith.constant 0.000000e+00 : f32
    %broadcast_in_dim3A_106 = vector.broadcast %broadcast_in_dim3A_105 : f32 to vector<16xf32>
    %scan3A_107 = arith.constant 0 : i32
    %scan3A_108 = arith.constant 16 : i32
    %scan3A_109 = arith.addi %scan3A_107, %scan3A_108 : i32
    %scan3A_110 = arith.constant 1 : i32
    %scan3A_111:4 = scf.for %scan3A_143 = %scan3A_107 to %scan3A_109 step %scan3A_110 iter_args(%scan3A_144 = %broadcast_in_dim3A_106, %scan3A_145 = %broadcast_in_dim3A_106, %scan3A_146 = %broadcast_in_dim3A_106, %scan3A_147 = %broadcast_in_dim3A_106) -> (vector<16xf32>, vector<16xf32>, vector<16xf32>, vector<16xf32>)  : i32 {
      %le3A = vector.broadcast %scan3A_143 : i32 to vector<16xi32>
      %le3A_148 = arith.cmpi sle, %iota3A, %le3A : vector<16xi32>
      %add3A_149 = arith.constant 256 : i32
      %add3A_150 = vector.broadcast %add3A_149 : i32 to vector<16xi32>
      %add3A_151 = arith.addi %iota3A, %add3A_150 : vector<16xi32>
      %lt3A = vector.broadcast %scan3A_143 : i32 to vector<16xi32>
      %lt3A_152 = arith.cmpi slt, %lt3A, %add3A_151 : vector<16xi32>
      %and3A = arith.andi %le3A_148, %lt3A_152 : vector<16xi1>
      %sub3A = vector.broadcast %scan3A_143 : i32 to vector<16xi32>
      %sub3A_153 = arith.subi %sub3A, %iota3A : vector<16xi32>
      %gather3A = tpu.vector_load_idx %arg4[%add3A_5, %sub3A_153] masked %and3A : memref<64x256xf32, #tpu.memory_space<vmem>>[vector<16xi32>, vector<16xi32>], vector<16xf32>, vector<16xi1>
      tpu.vector_store_idx %arg6[%add3A_5, %sub3A_153], %scan3A_144 masked %and3A : memref<64x256xf32, #tpu.memory_space<vmem>>[vector<16xi32>, vector<16xi32>], vector<16xf32>, vector<16xi1>
      %jit3A = arith.constant 0.000000e+00 : f32
      %broadcast_in_dim3A_154 = vector.broadcast %jit3A : f32 to vector<16xf32>
      %select_n3A = arith.select %and3A, %gather3A, %broadcast_in_dim3A_154 : vector<16xi1>, vector<16xf32>
      %add3A_155 = arith.addf %scan3A_144, %select_n3A : vector<16xf32>
      %gather3A_156 = tpu.vector_load_idx %arg4[%add3A_8, %sub3A_153] masked %and3A : memref<64x256xf32, #tpu.memory_space<vmem>>[vector<16xi32>, vector<16xi32>], vector<16xf32>, vector<16xi1>
      tpu.vector_store_idx %arg6[%add3A_8, %sub3A_153], %scan3A_145 masked %and3A : memref<64x256xf32, #tpu.memory_space<vmem>>[vector<16xi32>, vector<16xi32>], vector<16xf32>, vector<16xi1>
      %jit3A_157 = arith.constant 0.000000e+00 : f32
      %broadcast_in_dim3A_158 = vector.broadcast %jit3A_157 : f32 to vector<16xf32>
      %select_n3A_159 = arith.select %and3A, %gather3A_156, %broadcast_in_dim3A_158 : vector<16xi1>, vector<16xf32>
      %add3A_160 = arith.addf %scan3A_145, %select_n3A_159 : vector<16xf32>
      %gather3A_161 = tpu.vector_load_idx %arg4[%add3A_11, %sub3A_153] masked %and3A : memref<64x256xf32, #tpu.memory_space<vmem>>[vector<16xi32>, vector<16xi32>], vector<16xf32>, vector<16xi1>
      tpu.vector_store_idx %arg6[%add3A_11, %sub3A_153], %scan3A_146 masked %and3A : memref<64x256xf32, #tpu.memory_space<vmem>>[vector<16xi32>, vector<16xi32>], vector<16xf32>, vector<16xi1>
      %jit3A_162 = arith.constant 0.000000e+00 : f32
      %broadcast_in_dim3A_163 = vector.broadcast %jit3A_162 : f32 to vector<16xf32>
      %select_n3A_164 = arith.select %and3A, %gather3A_161, %broadcast_in_dim3A_163 : vector<16xi1>, vector<16xf32>
      %add3A_165 = arith.addf %scan3A_146, %select_n3A_164 : vector<16xf32>
      %gather3A_166 = tpu.vector_load_idx %arg4[%add3A_14, %sub3A_153] masked %and3A : memref<64x256xf32, #tpu.memory_space<vmem>>[vector<16xi32>, vector<16xi32>], vector<16xf32>, vector<16xi1>
      tpu.vector_store_idx %arg6[%add3A_14, %sub3A_153], %scan3A_147 masked %and3A : memref<64x256xf32, #tpu.memory_space<vmem>>[vector<16xi32>, vector<16xi32>], vector<16xf32>, vector<16xi1>
      %jit3A_167 = arith.constant 0.000000e+00 : f32
      %broadcast_in_dim3A_168 = vector.broadcast %jit3A_167 : f32 to vector<16xf32>
      %select_n3A_169 = arith.select %and3A, %gather3A_166, %broadcast_in_dim3A_168 : vector<16xi1>, vector<16xf32>
      %add3A_170 = arith.addf %scan3A_147, %select_n3A_169 : vector<16xf32>
      scf.yield %add3A_155, %add3A_160, %add3A_165, %add3A_170 : vector<16xf32>, vector<16xf32>, vector<16xf32>, vector<16xf32>
    }
    %scan3A_112 = arith.constant 16 : i32
    %scan3A_113 = arith.constant 16 : i32
    %scan3A_114 = arith.constant 240 : i32
    %scan3A_115 = arith.addi %scan3A_113, %scan3A_114 : i32
    %scan3A_116 = arith.constant 8 : i32
    %scan3A_117:4 = scf.for %scan3A_143 = %scan3A_113 to %scan3A_115 step %scan3A_116 iter_args(%scan3A_144 = %scan3A_111#0, %scan3A_145 = %scan3A_111#1, %scan3A_146 = %scan3A_111#2, %scan3A_147 = %scan3A_111#3) -> (vector<16xf32>, vector<16xf32>, vector<16xf32>, vector<16xf32>)  : i32 {
      %sub3A = vector.broadcast %scan3A_143 : i32 to vector<16xi32>
      %sub3A_148 = arith.subi %sub3A, %iota3A : vector<16xi32>
      %gather3A = tpu.vector_load_idx %arg4[%add3A_5, %sub3A_148] : memref<64x256xf32, #tpu.memory_space<vmem>>[vector<16xi32>, vector<16xi32>], vector<16xf32>,
      tpu.vector_store_idx %arg6[%add3A_5, %sub3A_148], %scan3A_144 : memref<64x256xf32, #tpu.memory_space<vmem>>[vector<16xi32>, vector<16xi32>], vector<16xf32>,
      %add3A_149 = arith.addf %scan3A_144, %gather3A : vector<16xf32>
      %gather3A_150 = tpu.vector_load_idx %arg4[%add3A_8, %sub3A_148] : memref<64x256xf32, #tpu.memory_space<vmem>>[vector<16xi32>, vector<16xi32>], vector<16xf32>,
      tpu.vector_store_idx %arg6[%add3A_8, %sub3A_148], %scan3A_145 : memref<64x256xf32, #tpu.memory_space<vmem>>[vector<16xi32>, vector<16xi32>], vector<16xf32>,
      %add3A_151 = arith.addf %scan3A_145, %gather3A_150 : vector<16xf32>
      %gather3A_152 = tpu.vector_load_idx %arg4[%add3A_11, %sub3A_148] : memref<64x256xf32, #tpu.memory_space<vmem>>[vector<16xi32>, vector<16xi32>], vector<16xf32>,
      tpu.vector_store_idx %arg6[%add3A_11, %sub3A_148], %scan3A_146 : memref<64x256xf32, #tpu.memory_space<vmem>>[vector<16xi32>, vector<16xi32>], vector<16xf32>,
      %add3A_153 = arith.addf %scan3A_146, %gather3A_152 : vector<16xf32>
      %gather3A_154 = tpu.vector_load_idx %arg4[%add3A_14, %sub3A_148] : memref<64x256xf32, #tpu.memory_space<vmem>>[vector<16xi32>, vector<16xi32>], vector<16xf32>,
      tpu.vector_store_idx %arg6[%add3A_14, %sub3A_148], %scan3A_147 : memref<64x256xf32, #tpu.memory_space<vmem>>[vector<16xi32>, vector<16xi32>], vector<16xf32>,
      %add3A_155 = arith.addf %scan3A_147, %gather3A_154 : vector<16xf32>
      %scan3A_156 = arith.constant 1 : i32
      %scan3A_157 = arith.addi %scan3A_143, %scan3A_156 : i32
      %sub3A_158 = vector.broadcast %scan3A_157 : i32 to vector<16xi32>
      %sub3A_159 = arith.subi %sub3A_158, %iota3A : vector<16xi32>
      %gather3A_160 = tpu.vector_load_idx %arg4[%add3A_5, %sub3A_159] : memref<64x256xf32, #tpu.memory_space<vmem>>[vector<16xi32>, vector<16xi32>], vector<16xf32>,
      tpu.vector_store_idx %arg6[%add3A_5, %sub3A_159], %add3A_149 : memref<64x256xf32, #tpu.memory_space<vmem>>[vector<16xi32>, vector<16xi32>], vector<16xf32>,
      %add3A_161 = arith.addf %add3A_149, %gather3A_160 : vector<16xf32>
      %gather3A_162 = tpu.vector_load_idx %arg4[%add3A_8, %sub3A_159] : memref<64x256xf32, #tpu.memory_space<vmem>>[vector<16xi32>, vector<16xi32>], vector<16xf32>,
      tpu.vector_store_idx %arg6[%add3A_8, %sub3A_159], %add3A_151 : memref<64x256xf32, #tpu.memory_space<vmem>>[vector<16xi32>, vector<16xi32>], vector<16xf32>,
      %add3A_163 = arith.addf %add3A_151, %gather3A_162 : vector<16xf32>
      %gather3A_164 = tpu.vector_load_idx %arg4[%add3A_11, %sub3A_159] : memref<64x256xf32, #tpu.memory_space<vmem>>[vector<16xi32>, vector<16xi32>], vector<16xf32>,
      tpu.vector_store_idx %arg6[%add3A_11, %sub3A_159], %add3A_153 : memref<64x256xf32, #tpu.memory_space<vmem>>[vector<16xi32>, vector<16xi32>], vector<16xf32>,
      %add3A_165 = arith.addf %add3A_153, %gather3A_164 : vector<16xf32>
      %gather3A_166 = tpu.vector_load_idx %arg4[%add3A_14, %sub3A_159] : memref<64x256xf32, #tpu.memory_space<vmem>>[vector<16xi32>, vector<16xi32>], vector<16xf32>,
      tpu.vector_store_idx %arg6[%add3A_14, %sub3A_159], %add3A_155 : memref<64x256xf32, #tpu.memory_space<vmem>>[vector<16xi32>, vector<16xi32>], vector<16xf32>,
      %add3A_167 = arith.addf %add3A_155, %gather3A_166 : vector<16xf32>
      %scan3A_168 = arith.constant 2 : i32
      %scan3A_169 = arith.addi %scan3A_143, %scan3A_168 : i32
      %sub3A_170 = vector.broadcast %scan3A_169 : i32 to vector<16xi32>
      %sub3A_171 = arith.subi %sub3A_170, %iota3A : vector<16xi32>
      %gather3A_172 = tpu.vector_load_idx %arg4[%add3A_5, %sub3A_171] : memref<64x256xf32, #tpu.memory_space<vmem>>[vector<16xi32>, vector<16xi32>], vector<16xf32>,
      tpu.vector_store_idx %arg6[%add3A_5, %sub3A_171], %add3A_161 : memref<64x256xf32, #tpu.memory_space<vmem>>[vector<16xi32>, vector<16xi32>], vector<16xf32>,
      %add3A_173 = arith.addf %add3A_161, %gather3A_172 : vector<16xf32>
      %gather3A_174 = tpu.vector_load_idx %arg4[%add3A_8, %sub3A_171] : memref<64x256xf32, #tpu.memory_space<vmem>>[vector<16xi32>, vector<16xi32>], vector<16xf32>,
      tpu.vector_store_idx %arg6[%add3A_8, %sub3A_171], %add3A_163 : memref<64x256xf32, #tpu.memory_space<vmem>>[vector<16xi32>, vector<16xi32>], vector<16xf32>,
      %add3A_175 = arith.addf %add3A_163, %gather3A_174 : vector<16xf32>
      %gather3A_176 = tpu.vector_load_idx %arg4[%add3A_11, %sub3A_171] : memref<64x256xf32, #tpu.memory_space<vmem>>[vector<16xi32>, vector<16xi32>], vector<16xf32>,
      tpu.vector_store_idx %arg6[%add3A_11, %sub3A_171], %add3A_165 : memref<64x256xf32, #tpu.memory_space<vmem>>[vector<16xi32>, vector<16xi32>], vector<16xf32>,
      %add3A_177 = arith.addf %add3A_165, %gather3A_176 : vector<16xf32>
      %gather3A_178 = tpu.vector_load_idx %arg4[%add3A_14, %sub3A_171] : memref<64x256xf32, #tpu.memory_space<vmem>>[vector<16xi32>, vector<16xi32>], vector<16xf32>,
      tpu.vector_store_idx %arg6[%add3A_14, %sub3A_171], %add3A_167 : memref<64x256xf32, #tpu.memory_space<vmem>>[vector<16xi32>, vector<16xi32>], vector<16xf32>,
      %add3A_179 = arith.addf %add3A_167, %gather3A_178 : vector<16xf32>
      %scan3A_180 = arith.constant 3 : i32
      %scan3A_181 = arith.addi %scan3A_143, %scan3A_180 : i32
      %sub3A_182 = vector.broadcast %scan3A_181 : i32 to vector<16xi32>
      %sub3A_183 = arith.subi %sub3A_182, %iota3A : vector<16xi32>
      %gather3A_184 = tpu.vector_load_idx %arg4[%add3A_5, %sub3A_183] : memref<64x256xf32, #tpu.memory_space<vmem>>[vector<16xi32>, vector<16xi32>], vector<16xf32>,
      tpu.vector_store_idx %arg6[%add3A_5, %sub3A_183], %add3A_173 : memref<64x256xf32, #tpu.memory_space<vmem>>[vector<16xi32>, vector<16xi32>], vector<16xf32>,
      %add3A_185 = arith.addf %add3A_173, %gather3A_184 : vector<16xf32>
      %gather3A_186 = tpu.vector_load_idx %arg4[%add3A_8, %sub3A_183] : memref<64x256xf32, #tpu.memory_space<vmem>>[vector<16xi32>, vector<16xi32>], vector<16xf32>,
      tpu.vector_store_idx %arg6[%add3A_8, %sub3A_183], %add3A_175 : memref<64x256xf32, #tpu.memory_space<vmem>>[vector<16xi32>, vector<16xi32>], vector<16xf32>,
      %add3A_187 = arith.addf %add3A_175, %gather3A_186 : vector<16xf32>
      %gather3A_188 = tpu.vector_load_idx %arg4[%add3A_11, %sub3A_183] : memref<64x256xf32, #tpu.memory_space<vmem>>[vector<16xi32>, vector<16xi32>], vector<16xf32>,
      tpu.vector_store_idx %arg6[%add3A_11, %sub3A_183], %add3A_177 : memref<64x256xf32, #tpu.memory_space<vmem>>[vector<16xi32>, vector<16xi32>], vector<16xf32>,
      %add3A_189 = arith.addf %add3A_177, %gather3A_188 : vector<16xf32>
      %gather3A_190 = tpu.vector_load_idx %arg4[%add3A_14, %sub3A_183] : memref<64x256xf32, #tpu.memory_space<vmem>>[vector<16xi32>, vector<16xi32>], vector<16xf32>,
      tpu.vector_store_idx %arg6[%add3A_14, %sub3A_183], %add3A_179 : memref<64x256xf32, #tpu.memory_space<vmem>>[vector<16xi32>, vector<16xi32>], vector<16xf32>,
      %add3A_191 = arith.addf %add3A_179, %gather3A_190 : vector<16xf32>
      %scan3A_192 = arith.constant 4 : i32
      %scan3A_193 = arith.addi %scan3A_143, %scan3A_192 : i32
      %sub3A_194 = vector.broadcast %scan3A_193 : i32 to vector<16xi32>
      %sub3A_195 = arith.subi %sub3A_194, %iota3A : vector<16xi32>
      %gather3A_196 = tpu.vector_load_idx %arg4[%add3A_5, %sub3A_195] : memref<64x256xf32, #tpu.memory_space<vmem>>[vector<16xi32>, vector<16xi32>], vector<16xf32>,
      tpu.vector_store_idx %arg6[%add3A_5, %sub3A_195], %add3A_185 : memref<64x256xf32, #tpu.memory_space<vmem>>[vector<16xi32>, vector<16xi32>], vector<16xf32>,
      %add3A_197 = arith.addf %add3A_185, %gather3A_196 : vector<16xf32>
      %gather3A_198 = tpu.vector_load_idx %arg4[%add3A_8, %sub3A_195] : memref<64x256xf32, #tpu.memory_space<vmem>>[vector<16xi32>, vector<16xi32>], vector<16xf32>,
      tpu.vector_store_idx %arg6[%add3A_8, %sub3A_195], %add3A_187 : memref<64x256xf32, #tpu.memory_space<vmem>>[vector<16xi32>, vector<16xi32>], vector<16xf32>,
      %add3A_199 = arith.addf %add3A_187, %gather3A_198 : vector<16xf32>
      %gather3A_200 = tpu.vector_load_idx %arg4[%add3A_11, %sub3A_195] : memref<64x256xf32, #tpu.memory_space<vmem>>[vector<16xi32>, vector<16xi32>], vector<16xf32>,
      tpu.vector_store_idx %arg6[%add3A_11, %sub3A_195], %add3A_189 : memref<64x256xf32, #tpu.memory_space<vmem>>[vector<16xi32>, vector<16xi32>], vector<16xf32>,
      %add3A_201 = arith.addf %add3A_189, %gather3A_200 : vector<16xf32>
      %gather3A_202 = tpu.vector_load_idx %arg4[%add3A_14, %sub3A_195] : memref<64x256xf32, #tpu.memory_space<vmem>>[vector<16xi32>, vector<16xi32>], vector<16xf32>,
      tpu.vector_store_idx %arg6[%add3A_14, %sub3A_195], %add3A_191 : memref<64x256xf32, #tpu.memory_space<vmem>>[vector<16xi32>, vector<16xi32>], vector<16xf32>,
      %add3A_203 = arith.addf %add3A_191, %gather3A_202 : vector<16xf32>
      %scan3A_204 = arith.constant 5 : i32
      %scan3A_205 = arith.addi %scan3A_143, %scan3A_204 : i32
      %sub3A_206 = vector.broadcast %scan3A_205 : i32 to vector<16xi32>
      %sub3A_207 = arith.subi %sub3A_206, %iota3A : vector<16xi32>
      %gather3A_208 = tpu.vector_load_idx %arg4[%add3A_5, %sub3A_207] : memref<64x256xf32, #tpu.memory_space<vmem>>[vector<16xi32>, vector<16xi32>], vector<16xf32>,
      tpu.vector_store_idx %arg6[%add3A_5, %sub3A_207], %add3A_197 : memref<64x256xf32, #tpu.memory_space<vmem>>[vector<16xi32>, vector<16xi32>], vector<16xf32>,
      %add3A_209 = arith.addf %add3A_197, %gather3A_208 : vector<16xf32>
      %gather3A_210 = tpu.vector_load_idx %arg4[%add3A_8, %sub3A_207] : memref<64x256xf32, #tpu.memory_space<vmem>>[vector<16xi32>, vector<16xi32>], vector<16xf32>,
      tpu.vector_store_idx %arg6[%add3A_8, %sub3A_207], %add3A_199 : memref<64x256xf32, #tpu.memory_space<vmem>>[vector<16xi32>, vector<16xi32>], vector<16xf32>,
      %add3A_211 = arith.addf %add3A_199, %gather3A_210 : vector<16xf32>
      %gather3A_212 = tpu.vector_load_idx %arg4[%add3A_11, %sub3A_207] : memref<64x256xf32, #tpu.memory_space<vmem>>[vector<16xi32>, vector<16xi32>], vector<16xf32>,
      tpu.vector_store_idx %arg6[%add3A_11, %sub3A_207], %add3A_201 : memref<64x256xf32, #tpu.memory_space<vmem>>[vector<16xi32>, vector<16xi32>], vector<16xf32>,
      %add3A_213 = arith.addf %add3A_201, %gather3A_212 : vector<16xf32>
      %gather3A_214 = tpu.vector_load_idx %arg4[%add3A_14, %sub3A_207] : memref<64x256xf32, #tpu.memory_space<vmem>>[vector<16xi32>, vector<16xi32>], vector<16xf32>,
      tpu.vector_store_idx %arg6[%add3A_14, %sub3A_207], %add3A_203 : memref<64x256xf32, #tpu.memory_space<vmem>>[vector<16xi32>, vector<16xi32>], vector<16xf32>,
      %add3A_215 = arith.addf %add3A_203, %gather3A_214 : vector<16xf32>
      %scan3A_216 = arith.constant 6 : i32
      %scan3A_217 = arith.addi %scan3A_143, %scan3A_216 : i32
      %sub3A_218 = vector.broadcast %scan3A_217 : i32 to vector<16xi32>
      %sub3A_219 = arith.subi %sub3A_218, %iota3A : vector<16xi32>
      %gather3A_220 = tpu.vector_load_idx %arg4[%add3A_5, %sub3A_219] : memref<64x256xf32, #tpu.memory_space<vmem>>[vector<16xi32>, vector<16xi32>], vector<16xf32>,
      tpu.vector_store_idx %arg6[%add3A_5, %sub3A_219], %add3A_209 : memref<64x256xf32, #tpu.memory_space<vmem>>[vector<16xi32>, vector<16xi32>], vector<16xf32>,
      %add3A_221 = arith.addf %add3A_209, %gather3A_220 : vector<16xf32>
      %gather3A_222 = tpu.vector_load_idx %arg4[%add3A_8, %sub3A_219] : memref<64x256xf32, #tpu.memory_space<vmem>>[vector<16xi32>, vector<16xi32>], vector<16xf32>,
      tpu.vector_store_idx %arg6[%add3A_8, %sub3A_219], %add3A_211 : memref<64x256xf32, #tpu.memory_space<vmem>>[vector<16xi32>, vector<16xi32>], vector<16xf32>,
      %add3A_223 = arith.addf %add3A_211, %gather3A_222 : vector<16xf32>
      %gather3A_224 = tpu.vector_load_idx %arg4[%add3A_11, %sub3A_219] : memref<64x256xf32, #tpu.memory_space<vmem>>[vector<16xi32>, vector<16xi32>], vector<16xf32>,
      tpu.vector_store_idx %arg6[%add3A_11, %sub3A_219], %add3A_213 : memref<64x256xf32, #tpu.memory_space<vmem>>[vector<16xi32>, vector<16xi32>], vector<16xf32>,
      %add3A_225 = arith.addf %add3A_213, %gather3A_224 : vector<16xf32>
      %gather3A_226 = tpu.vector_load_idx %arg4[%add3A_14, %sub3A_219] : memref<64x256xf32, #tpu.memory_space<vmem>>[vector<16xi32>, vector<16xi32>], vector<16xf32>,
      tpu.vector_store_idx %arg6[%add3A_14, %sub3A_219], %add3A_215 : memref<64x256xf32, #tpu.memory_space<vmem>>[vector<16xi32>, vector<16xi32>], vector<16xf32>,
      %add3A_227 = arith.addf %add3A_215, %gather3A_226 : vector<16xf32>
      %scan3A_228 = arith.constant 7 : i32
      %scan3A_229 = arith.addi %scan3A_143, %scan3A_228 : i32
      %sub3A_230 = vector.broadcast %scan3A_229 : i32 to vector<16xi32>
      %sub3A_231 = arith.subi %sub3A_230, %iota3A : vector<16xi32>
      %gather3A_232 = tpu.vector_load_idx %arg4[%add3A_5, %sub3A_231] : memref<64x256xf32, #tpu.memory_space<vmem>>[vector<16xi32>, vector<16xi32>], vector<16xf32>,
      tpu.vector_store_idx %arg6[%add3A_5, %sub3A_231], %add3A_221 : memref<64x256xf32, #tpu.memory_space<vmem>>[vector<16xi32>, vector<16xi32>], vector<16xf32>,
      %add3A_233 = arith.addf %add3A_221, %gather3A_232 : vector<16xf32>
      %gather3A_234 = tpu.vector_load_idx %arg4[%add3A_8, %sub3A_231] : memref<64x256xf32, #tpu.memory_space<vmem>>[vector<16xi32>, vector<16xi32>], vector<16xf32>,
      tpu.vector_store_idx %arg6[%add3A_8, %sub3A_231], %add3A_223 : memref<64x256xf32, #tpu.memory_space<vmem>>[vector<16xi32>, vector<16xi32>], vector<16xf32>,
      %add3A_235 = arith.addf %add3A_223, %gather3A_234 : vector<16xf32>
      %gather3A_236 = tpu.vector_load_idx %arg4[%add3A_11, %sub3A_231] : memref<64x256xf32, #tpu.memory_space<vmem>>[vector<16xi32>, vector<16xi32>], vector<16xf32>,
      tpu.vector_store_idx %arg6[%add3A_11, %sub3A_231], %add3A_225 : memref<64x256xf32, #tpu.memory_space<vmem>>[vector<16xi32>, vector<16xi32>], vector<16xf32>,
      %add3A_237 = arith.addf %add3A_225, %gather3A_236 : vector<16xf32>
      %gather3A_238 = tpu.vector_load_idx %arg4[%add3A_14, %sub3A_231] : memref<64x256xf32, #tpu.memory_space<vmem>>[vector<16xi32>, vector<16xi32>], vector<16xf32>,
      tpu.vector_store_idx %arg6[%add3A_14, %sub3A_231], %add3A_227 : memref<64x256xf32, #tpu.memory_space<vmem>>[vector<16xi32>, vector<16xi32>], vector<16xf32>,
      %add3A_239 = arith.addf %add3A_227, %gather3A_238 : vector<16xf32>
      scf.yield %add3A_233, %add3A_235, %add3A_237, %add3A_239 : vector<16xf32>, vector<16xf32>, vector<16xf32>, vector<16xf32>
    }
    %scan3A_118 = arith.constant 240 : i32
    %scan3A_119 = arith.constant 256 : i32
    %scan3A_120 = arith.constant 15 : i32
    %scan3A_121 = arith.addi %scan3A_119, %scan3A_120 : i32
    %scan3A_122 = arith.constant 1 : i32
    %scan3A_123:4 = scf.for %scan3A_143 = %scan3A_119 to %scan3A_121 step %scan3A_122 iter_args(%scan3A_144 = %scan3A_117#0, %scan3A_145 = %scan3A_117#1, %scan3A_146 = %scan3A_117#2, %scan3A_147 = %scan3A_117#3) -> (vector<16xf32>, vector<16xf32>, vector<16xf32>, vector<16xf32>)  : i32 {
      %le3A = vector.broadcast %scan3A_143 : i32 to vector<16xi32>
      %le3A_148 = arith.cmpi sle, %iota3A, %le3A : vector<16xi32>
      %add3A_149 = arith.constant 256 : i32
      %add3A_150 = vector.broadcast %add3A_149 : i32 to vector<16xi32>
      %add3A_151 = arith.addi %iota3A, %add3A_150 : vector<16xi32>
      %lt3A = vector.broadcast %scan3A_143 : i32 to vector<16xi32>
      %lt3A_152 = arith.cmpi slt, %lt3A, %add3A_151 : vector<16xi32>
      %and3A = arith.andi %le3A_148, %lt3A_152 : vector<16xi1>
      %sub3A = vector.broadcast %scan3A_143 : i32 to vector<16xi32>
      %sub3A_153 = arith.subi %sub3A, %iota3A : vector<16xi32>
      %gather3A = tpu.vector_load_idx %arg4[%add3A_5, %sub3A_153] masked %and3A : memref<64x256xf32, #tpu.memory_space<vmem>>[vector<16xi32>, vector<16xi32>], vector<16xf32>, vector<16xi1>
      tpu.vector_store_idx %arg6[%add3A_5, %sub3A_153], %scan3A_144 masked %and3A : memref<64x256xf32, #tpu.memory_space<vmem>>[vector<16xi32>, vector<16xi32>], vector<16xf32>, vector<16xi1>
      %jit3A = arith.constant 0.000000e+00 : f32
      %broadcast_in_dim3A_154 = vector.broadcast %jit3A : f32 to vector<16xf32>
      %select_n3A = arith.select %and3A, %gather3A, %broadcast_in_dim3A_154 : vector<16xi1>, vector<16xf32>
      %add3A_155 = arith.addf %scan3A_144, %select_n3A : vector<16xf32>
      %gather3A_156 = tpu.vector_load_idx %arg4[%add3A_8, %sub3A_153] masked %and3A : memref<64x256xf32, #tpu.memory_space<vmem>>[vector<16xi32>, vector<16xi32>], vector<16xf32>, vector<16xi1>
      tpu.vector_store_idx %arg6[%add3A_8, %sub3A_153], %scan3A_145 masked %and3A : memref<64x256xf32, #tpu.memory_space<vmem>>[vector<16xi32>, vector<16xi32>], vector<16xf32>, vector<16xi1>
      %jit3A_157 = arith.constant 0.000000e+00 : f32
      %broadcast_in_dim3A_158 = vector.broadcast %jit3A_157 : f32 to vector<16xf32>
      %select_n3A_159 = arith.select %and3A, %gather3A_156, %broadcast_in_dim3A_158 : vector<16xi1>, vector<16xf32>
      %add3A_160 = arith.addf %scan3A_145, %select_n3A_159 : vector<16xf32>
      %gather3A_161 = tpu.vector_load_idx %arg4[%add3A_11, %sub3A_153] masked %and3A : memref<64x256xf32, #tpu.memory_space<vmem>>[vector<16xi32>, vector<16xi32>], vector<16xf32>, vector<16xi1>
      tpu.vector_store_idx %arg6[%add3A_11, %sub3A_153], %scan3A_146 masked %and3A : memref<64x256xf32, #tpu.memory_space<vmem>>[vector<16xi32>, vector<16xi32>], vector<16xf32>, vector<16xi1>
      %jit3A_162 = arith.constant 0.000000e+00 : f32
      %broadcast_in_dim3A_163 = vector.broadcast %jit3A_162 : f32 to vector<16xf32>
      %select_n3A_164 = arith.select %and3A, %gather3A_161, %broadcast_in_dim3A_163 : vector<16xi1>, vector<16xf32>
      %add3A_165 = arith.addf %scan3A_146, %select_n3A_164 : vector<16xf32>
      %gather3A_166 = tpu.vector_load_idx %arg4[%add3A_14, %sub3A_153] masked %and3A : memref<64x256xf32, #tpu.memory_space<vmem>>[vector<16xi32>, vector<16xi32>], vector<16xf32>, vector<16xi1>
      tpu.vector_store_idx %arg6[%add3A_14, %sub3A_153], %scan3A_147 masked %and3A : memref<64x256xf32, #tpu.memory_space<vmem>>[vector<16xi32>, vector<16xi32>], vector<16xf32>, vector<16xi1>
      %jit3A_167 = arith.constant 0.000000e+00 : f32
      %broadcast_in_dim3A_168 = vector.broadcast %jit3A_167 : f32 to vector<16xf32>
      %select_n3A_169 = arith.select %and3A, %gather3A_166, %broadcast_in_dim3A_168 : vector<16xi1>, vector<16xf32>
      %add3A_170 = arith.addf %scan3A_147, %select_n3A_169 : vector<16xf32>
      scf.yield %add3A_155, %add3A_160, %add3A_165, %add3A_170 : vector<16xf32>, vector<16xf32>, vector<16xf32>, vector<16xf32>
    }
    %scan3A_124 = arith.constant 15 : i32
    %add3A_125 = arith.constant 128 : i32
    %add3A_126 = arith.addi %mul3A_2, %add3A_125 : i32
    %dma_start3A_127 = arith.constant 0 : i32
    %dma_start3A_128 = tpu.memref_slice %arg3[%add3A_126, %dma_start3A_127] : memref<6144x256xf32, #tpu.memory_space<hbm>> -> memref<64x256xf32, #tpu.memory_space<hbm>>
    %dma_start3A_129 = arith.constant 0 : i32
    %dma_start3A_130 = tpu.memref_slice %arg3[%add3A_126, %dma_start3A_129] : memref<6144x256xf32, #tpu.memory_space<hbm>> -> memref<64x256xf32, #tpu.memory_space<hbm>>
    tpu.enqueue_dma source(%arg6 : memref<64x256xf32, #tpu.memory_space<vmem>>) target(%dma_start3A_130 : memref<64x256xf32, #tpu.memory_space<hbm>>) target_semaphore(%arg10 : memref<!tpu.dma_semaphore, #tpu.memory_space<semaphore_mem>>)
    %add3A_131 = arith.constant 64 : i32
    %add3A_132 = arith.addi %mul3A_2, %add3A_131 : i32
    %dma_wait3A_133 = arith.constant 0 : i32
    %dma_wait3A_134 = tpu.memref_slice %arg3[%add3A_132, %dma_wait3A_133] : memref<6144x256xf32, #tpu.memory_space<hbm>> -> memref<64x256xf32, #tpu.memory_space<hbm>>
    %dma_wait3A_135 = arith.constant 0 : i32
    %dma_wait3A_136 = tpu.memref_slice %arg3[%add3A_132, %dma_wait3A_135] : memref<6144x256xf32, #tpu.memory_space<hbm>> -> memref<64x256xf32, #tpu.memory_space<hbm>>
    tpu.wait_dma2 semaphore(%arg11 : memref<!tpu.dma_semaphore, #tpu.memory_space<semaphore_mem>>) src(%arg7 : memref<64x256xf32, #tpu.memory_space<vmem>>) dst(%dma_wait3A_136 : memref<64x256xf32, #tpu.memory_space<hbm>>)
    %add3A_137 = arith.constant 128 : i32
    %add3A_138 = arith.addi %mul3A_2, %add3A_137 : i32
    %dma_wait3A_139 = arith.constant 0 : i32
    %dma_wait3A_140 = tpu.memref_slice %arg3[%add3A_138, %dma_wait3A_139] : memref<6144x256xf32, #tpu.memory_space<hbm>> -> memref<64x256xf32, #tpu.memory_space<hbm>>
    %dma_wait3A_141 = arith.constant 0 : i32
    %dma_wait3A_142 = tpu.memref_slice %arg3[%add3A_138, %dma_wait3A_141] : memref<6144x256xf32, #tpu.memory_space<hbm>> -> memref<64x256xf32, #tpu.memory_space<hbm>>
    tpu.wait_dma2 semaphore(%arg10 : memref<!tpu.dma_semaphore, #tpu.memory_space<semaphore_mem>>) src(%arg6 : memref<64x256xf32, #tpu.memory_space<vmem>>) dst(%dma_wait3A_142 : memref<64x256xf32, #tpu.memory_space<hbm>>)
    return
  }
}

module attributes {stable_mosaic.version = 14 : i64} {
  func.func @body(%arg0: i32, %arg1: memref<1024x256xf32, #tpu.memory_space<vmem>>, %arg2: memref<1024x256xf32, #tpu.memory_space<vmem>>) attributes {dimension_semantics = [#tpu.dimension_semantics<arbitrary>], iteration_bounds = array<i64: 10>, scalar_prefetch = 0 : i64, scratch_operands = 0 : i64, tpu.core_type = #tpu.core_type<tc>, window_params = [{transform_indices = @transform_0, window_bounds = array<i64: 1024, 256>}, {transform_indices = @transform_1, window_bounds = array<i64: 1024, 256>}]} {
    %iota3A = tpu.iota {dimensions = array<i32: 0>} : vector<256x256xi32>
    %iota3A_0 = tpu.iota {dimensions = array<i32: 1>} : vector<256x256xi32>
    %lt3A = arith.cmpi slt, %iota3A, %iota3A_0 : vector<256x256xi32>
    %convert_element_type3A = arith.extui %lt3A : vector<256x256xi1> to vector<256x256xi32>
    %convert_element_type3A_1 = arith.sitofp %convert_element_type3A : vector<256x256xi32> to vector<256x256xf32>
    %get3A = arith.constant 0 : index
    %get3A_2 = arith.constant 0 : index
    %get3A_3 = vector.load %arg1[%get3A, %get3A_2] : memref<1024x256xf32, #tpu.memory_space<vmem>>, vector<1024x256xf32>
    %dot_general3A = arith.constant dense<0.000000e+00> : vector<1024x256xf32>
    %dot_general3A_4 = tpu.matmul %get3A_3, %convert_element_type3A_1, %dot_general3A {dimension_numbers = #tpu.dot_dimension_numbers<[1], [0], [0], [1], [0, 0, 1, 1], [], []>, transpose_lhs_hint = false} : vector<1024x256xf32>, vector<256x256xf32>, vector<1024x256xf32> -> vector<1024x256xf32>
    %swap3A = arith.constant 0 : index
    %swap3A_5 = arith.constant 0 : index
    %swap3A_6 = vector.load %arg2[%swap3A, %swap3A_5] : memref<1024x256xf32, #tpu.memory_space<vmem>>, vector<1024x256xf32>
    tpu.vector_store %arg2[%swap3A, %swap3A_5], %dot_general3A_4 {strides = array<i32>} : memref<1024x256xf32, #tpu.memory_space<vmem>>, vector<1024x256xf32>,
    return
  }
  func.func @transform_0(%arg0: i32) -> (i32, i32) {
    %add3A = arith.constant 6 : i32
    %add3A_0 = arith.addi %add3A, %arg0 : i32
    %c0_i32 = arith.constant 0 : i32
    %c0_i32_1 = arith.constant 0 : i32
    return %add3A_0, %c0_i32 : i32, i32
  }
  func.func @transform_1(%arg0: i32) -> (i32, i32) {
    %add3A = arith.constant 6 : i32
    %add3A_0 = arith.addi %add3A, %arg0 : i32
    %c0_i32 = arith.constant 0 : i32
    %c0_i32_1 = arith.constant 0 : i32
    return %add3A_0, %c0_i32 : i32, i32
  }
}

</mosaic_0001>

<sc_bundles>
// kernel: kernel.4.cloned.1.call-start
scs
__scs_entry_jumppad:
0x0: {  	(pc) =	sbr.rel $0x88, $3  }
0x1: {  	(tag) =	ssettag $0x0;
	lr =	simm.s32 $0x1  }
0x2: {  	[smem:$0x3FA0] =	sst lr;
	_ =	strace $0xD0000000  }
0x3: {  	_ = 	snop  }
0x4: {  	_ = 	snop  }
0x5: {  	_ = 	snop  }
0x6: {  	_ = 	snop  }
0x7: {  	_ = 	snop  }
__scs_overlays_trampoline_lowered:
0x8: {  	[smem:$0x3FAF] =	sst s0  }
0x9: {  	[smem:$0x3FB0] =	sst s1  }
0xa: {  	[smem:$0x3FB1] =	sst s2  }
0xb: {  	[smem:$0x3FB2] =	sst s3  }
0xc: {  	[smem:$0x3FB3] =	sst s4  }
0xd: {  	[smem:$0x3FB4] =	sst s5  }
0xe: {  	[smem:$0x3FB5] =	sst s6  }
0xf: {  	[smem:$0x3FB6] =	sst s7  }
0x10: {  	[smem:$0x3FB7] =	sst s8  }
0x11: {  	[smem:$0x3FB8] =	sst s9;
	s0 =	simm.s32 @!p0 $0x0  }
0x12: {  	s1 =	sld [smem:$0x3F9E];
	s0 =	simm.s32 @p0 $0x1  }
0x13: {  	[smem:$0x3FB9] =	sst s0;
	s0 =	simm.s32 @!p1 $0x0  }
0x14: {  	s2 =	sld [smem:$0x3F9D];
	s0 =	simm.s32 @p1 $0x1  }
0x15: {  	[smem:$0x3FBA] =	sst s0;
	s0 =	simm.s32 @!p2 $0x0  }
0x16: {  	s3 =	sld [smem:$0x3FDB];
	s0 =	simm.s32 @p2 $0x1  }
0x17: {  	s4 =	simm.s32 $0x1BF5;
	[smem:$0x3FBC] =	sst s0  }
0x18: {  	s0 =	sld [smem:$0x3F9F];
	_ =	swait.ge [sflag:s4], $0x0  }
0x19: {  	s7 =	sld [smem:$0x3FA0]  }
0x1a: {  	s8 =	sadd.s32 $0xFFFFE003, lr  }
0x1b: {  	s9 =	sadd.s32 $0xFFFFFEF7, lr;
	s5 =	simm.s32 $0xFFFFFFFF;
	p2 =	slt.u32 s8, $0xFFFFF086  }
0x1c: {  	p1 =	slt.u32 s9, $0xF7A;
	s5 =	simm.s32 @!p2 $0x0  }
0x1d: {  	s5 =	simm.s32 @p1 $0x1;
	p0 =	seq.s32 s7, s2  }
0x1e: {  	s7 =	smul.u32 @!p0 $0xF7A, s2;
	p2 =	seq.s32 @!p0 s5, $0x0  }
0x1f: {  	s9 =	smul.u32 $0xF7A, s1;
	s8 =	simm.s32 @!p0 $0x1BF5;
	p2 =	por !p2, p0  }
0x20: {  	[sflag:s8] =	ssyncset.s32 @!p0 $0xFFFFF086;
	s6 =	sadd.s32 @!p0 s3, s7;
	s7 =	simm.s32 @!p0 $0x108  }
0x21: {  	s3 =	sadd.s32 s3, s9;
	s6 =	sadd.s32 @!p0 $0x88, s6;
	s7 =	simm.s32 @p2 $0x1082  }
0x22: {  	[simem:s7], [sflag:s8] =	dma.local @!p0 [hbm:s6], $0xF7A  }
0x23: {  	s9 =	sor.u32 $0xD0000000, s2;
	s6 =	simm.s32 $0x108;
	_ =	swait.ge @!p0 [sflag:s8], $0x0  }
0x24: {  	s3 =	sadd.s32 $0x88, s3;
	s6 =	simm.s32 @!p1 $0x1082;
	[sflag:s4] =	ssyncset.s32 $0xFFFFF086  }
0x25: {  	[simem:s6], [sflag:s4] =	dma.local [hbm:s3], $0xF7A  }
0x26: {  	[smem:$0x3FA0] =	sst s1;
	(tag) =	ssettag s2;
	_ =	strace s9  }
0x27: {  	s1 =	sld [smem:$0x3FB0]  }
0x28: {  	s2 =	sld [smem:$0x3FB1]  }
0x29: {  	s4 =	sld [smem:$0x3FB3]  }
0x2a: {  	p0 =	seq.s32 s5, $0x0;
	s5 =	sld [smem:$0x3FB4]  }
0x2b: {  	s6 =	sld [smem:$0x3FB5]  }
0x2c: {  	s7 =	sld [smem:$0x3FB6]  }
0x2d: {  	s3 =	simm.s32 $0x108;
	s8 =	sld [smem:$0x3FB7]  }
0x2e: {  	s3 =	simm.s32 @!p0 $0x1082;
	s9 =	sld [smem:$0x3FB8]  }
0x2f: {  	lr =	sadd.s32 s0, s3;
	s0 =	sld [smem:$0x3FAF]  }
0x30: {  	s3 =	sld [smem:$0x3FB2]  }
0x31: {  	[smem:$0x3FBB] =	sst s10  }
0x32: {  	s10 =	sld [smem:$0x3FB9];
	_ =	sdelay $0x3  }
0x33: {  	p0 =	seq.s32 s10, $0x1;
	s10 =	sld [smem:$0x3FBB];
	_ =	sdelay $0x3  }
0x34: {  	[smem:$0x3FBB] =	sst s10  }
0x35: {  	s10 =	sld [smem:$0x3FBA];
	_ =	sdelay $0x3  }
0x36: {  	p1 =	seq.s32 s10, $0x1;
	s10 =	sld [smem:$0x3FBB];
	_ =	sdelay $0x3  }
0x37: {  	[smem:$0x3FBB] =	sst s10  }
0x38: {  	s10 =	sld [smem:$0x3FBC]  }
0x39: {  	_ = 	snop;
	(pc) =	sbr.ind lr, $3  }
0x3a: {  	_ = 	snop  }
0x3b: {  	_ = 	snop  }
0x3c: {  	p2 =	seq.s32 s10, $0x1;
	s10 =	sld [smem:$0x3FBB]  }
0x3d: {  	_ =	shalt  }
0x3e: {  	_ =	shalt  }
0x3f: {  	_ =	shalt  }
0x40: {  	_ =	shalt  }
0x41: {  	_ =	shalt  }
0x42: {  	_ =	shalt  }
0x43: {  	_ =	shalt  }
0x44: {  	_ =	shalt  }
0x45: {  	_ =	shalt  }
0x46: {  	_ =	shalt  }
0x47: {  	_ =	shalt  }
0x48: {  	_ =	shalt  }
0x49: {  	_ =	shalt  }
0x4a: {  	_ =	shalt  }
0x4b: {  	_ =	shalt  }
0x4c: {  	_ =	shalt  }
0x4d: {  	_ =	shalt  }
0x4e: {  	_ =	shalt  }
0x4f: {  	_ =	shalt  }
0x50: {  	_ =	shalt  }
0x51: {  	_ =	shalt  }
0x52: {  	_ =	shalt  }
0x53: {  	_ =	shalt  }
0x54: {  	_ =	shalt  }
0x55: {  	_ =	shalt  }
0x56: {  	_ =	shalt  }
0x57: {  	_ =	shalt  }
0x58: {  	_ =	shalt  }
0x59: {  	_ =	shalt  }
0x5a: {  	_ =	shalt  }
0x5b: {  	_ =	shalt  }
0x5c: {  	_ =	shalt  }
0x5d: {  	_ =	shalt  }
0x5e: {  	_ =	shalt  }
0x5f: {  	_ =	shalt  }
0x60: {  	_ =	shalt  }
0x61: {  	_ =	shalt  }
0x62: {  	_ =	shalt  }
0x63: {  	_ =	shalt  }
0x64: {  	_ =	shalt  }
0x65: {  	_ =	shalt  }
0x66: {  	_ =	shalt  }
0x67: {  	_ =	shalt  }
0x68: {  	_ =	shalt  }
0x69: {  	_ =	shalt  }
0x6a: {  	_ =	shalt  }
0x6b: {  	_ =	shalt  }
0x6c: {  	_ =	shalt  }
0x6d: {  	_ =	shalt  }
0x6e: {  	_ =	shalt  }
0x6f: {  	_ =	shalt  }
0x70: {  	_ =	shalt  }
0x71: {  	_ =	shalt  }
0x72: {  	_ =	shalt  }
0x73: {  	_ =	shalt  }
0x74: {  	_ =	shalt  }
0x75: {  	_ =	shalt  }
0x76: {  	_ =	shalt  }
0x77: {  	_ =	shalt  }
0x78: {  	_ =	shalt  }
0x79: {  	_ =	shalt  }
0x7a: {  	_ =	shalt  }
0x7b: {  	_ =	shalt  }
0x7c: {  	_ =	shalt  }
0x7d: {  	_ =	shalt  }
0x7e: {  	_ =	shalt  }
0x7f: {  	_ =	shalt  }
0x80: {  	_ =	shalt  }
0x81: {  	_ =	shalt  }
0x82: {  	_ =	shalt  }
0x83: {  	_ =	shalt  }
0x84: {  	_ =	shalt  }
0x85: {  	_ =	shalt  }
0x86: {  	_ =	shalt  }
0x87: {  	_ =	shalt  }
.Lfunc_end0:
.L_simem_size_0:
called_computation_lowered:
.L_overlay_start_0:
0x88: {  	s2 =	sld [smem:$0x3FD9]  }
0x89: {  	s3 =	sld [smem:$0x3FFE];
	_ =	sdelay $0x1  }
0x8a: {  	s1 =	srdreg.scid  }
0x8b: {  	s0 =	sand.u32 $0x1, s1  }
0x8c: {  	s17 =	sshll.u32 s0, $0xA;
	s2 =	sadd.s32 s3, s2  }
0x8d: {  	s2 =	sadd.s32 s2, s17  }
0x8e: {  	[smem:$0x3FC7] =	sst s2  }
0x8f: {  	_ = 	snop  }
0x90: {  	s2 =	sld [smem:$0x3FC9];
	(tm) =	ssettm $0x1  }
0x91: {  	s18 =	sld [smem:$0x3FFB];
	_ =	sdelay $0x3  }
0x92: {  	_ =	strace s18  }
0x93: {  	s3 =	sld [smem:$0x3FFC];
	_ =	sdelay $0x3  }
0x94: {  	_ =	strace s3  }
0x95: {  	s3 =	sld [smem:$0x3FFD];
	_ =	sdelay $0x3  }
0x96: {  	_ =	strace s3  }
0x97: {  	_ =	strace $0x8FFFFFFF  }
0x98: {  	s19 =	sld [smem:$0x3FDB];
	_ =	sdelay $0x1  }
0x99: {  	s4 =	simm.s32 $_scs_section_size  }
0x9a: {  	s5 =	simm.s32 $_size__tile_overlayer_lowered;
	s6 =	simm.s32 $_tile_overlayer_lowered  }
0x9b: {  	s22 =	simm.s32 $0x1BFF;
	s21 =	sshll.u32 s6, $0x1;
	s3 =	sadd.s32 s4, s19  }
0x9c: {  	s7 =	simm.s32 $0x0;
	s20 =	sshll.u32 s5, $0x1;
	s5 =	sadd.s32 s21, s3  }
0x9d: {  	[timem:s7], [sflag:s22] =	dma.local [hbm:s5], s20  }
0x9e: {  	_ =	swait.ge [sflag:s22], s20  }
0x9f: {  	s4 =	ssub.s32 $0x0, s20;
	[sflag:s22] =	ssyncset.done $0x0  }
0xa0: {  	[sflag:s22] =	ssyncadd.s32 s4;
	_ =	sdelay $0x1  }
0xa1: {  	s23 =	simm.s32 $0x1B8B  }
0xa2: {  	_ =	swait.ge [sflag:s23], $0x1  }
0xa3: {  	[sflag:s23] =	ssyncset.done $0x0  }
0xa4: {  	s25 =	simm.s32 $0x1B8E;
	s24 =	sld [smem:$0x3FFE];
	[sflag:s23] =	ssyncadd.s32 $0xFFFFFFFF  }
0xa5: {  	s26 =	simm.s32 $execute0_lowered;
	[smem:$0x3FD2] =	sst s25  }
0xa6: {  	s5 =	sshll.u32 s26, $0x1;
	_ =	strace $0x80000046;
	[dreg:$0x1] =	wrdreg $0xFFFFFFFF  }
0xa7: {  	s28 =	simm.s32 $_size_execute0_lowered;
	s3 =	sadd.s32 s3, s5;
	[dreg:$0x0] =	wrdreg $0x0  }
0xa8: {  	s5 =	sshll.u32 s28, $0x1;
	[dreg:$0x2] =	wrdreg s3  }
0xa9: {  	[dreg:$0x3] =	wrdreg s5  }
0xaa: {  	[dreg:$0x4] =	wrdreg $0xC0  }
0xab: {  	_ =	task [dreg:s7], $0x5FFFF  }
0xac: {  	[dreg:$0x1] =	wrdreg $0xFFFFFFFF  }
0xad: {  	[dreg:$0x0] =	wrdreg $0x60  }
0xae: {  	[dreg:$0x2] =	wrdreg s2  }
0xaf: {  	[dreg:$0x3] =	wrdreg s24  }
0xb0: {  	[dreg:$0x4] =	wrdreg $0x9  }
0xb1: {  	_ =	task.clear_ibuf [dreg:s7], $0x5FFFF;
	_ =	strace $0x90000046  }
0xb2: {  	s29 =	simm.s32 $0x9;
	_ =	strace $0x80000048  }
0xb3: {  	_ =	swait.ge [sflag:s29], $0x1  }
0xb4: {  	[sflag:s29] =	ssyncadd.s32 $0xFFFFFFFF  }
0xb5: {  	_ =	strace $0x90000048  }
0xb6: {  	_ =	sfence  }
0xb7: {  	s30 =	sld [smem:$0x0];
	_ =	sdelay $0x2  }
0xb8: {  	s31 =	sshll.u32 s1, $0xD;
	s1 =	sshrl.u32 s1, $0x2  }
0xb9: {  	s3 =	sand.u32 $0x4000, s31;
	s1 =	sadd.s32 s1, s30  }
0xba: {  	s0 =	sor.u32 s3, s0;
	s1 =	sshll.u32 s1, $0x11  }
0xbb: {  	s0 =	sor.u32 s1, s0  }
0xbc: {  	s0 =	sadd.s32 $0x8F2B, s0  }
0xbd: {  	[sflag:s0] =	ssyncadd.remote.s32 $0x1  }
0xbe: {  	_ =	sfence.sel $0xFFFF  }
0xbf: {  	[dreg:$0x0] =	wrdreg $0xFFFFFFFF;
	(pc) =	sbr.abs _section_cstart, $3  }
0xc0: {  	[dreg:$0x1] =	wrdreg $0xFFFFFFFF  }
0xc1: {  	_ =	task.clear_ibuf [dreg:s7], $0x2FFFF;
	_ =	strace $0x9FFFFFFF  }
0xc2: {  	(tm) =	ssettm $0x7FFFFFFF  }
0xc3: {  	_ =	shalt  }
tec
execute0_lowered:
.L_overlay_start_1:
0x0: {  	(tag) =	ssettag $0x1  }
0x1: {  	v0 =	vimm.s32 $0xB80;
	vm14 =	vcmask $0x300  }
0x2: {  	vm13 =	vcmask $0x704;
	vm12 =	vcmask $0xB08;
	vm11 =	vcmask $0xF0C  }
0x3: {  	vm10 =	vcmask $0x1310;
	vm9 =	vcmask $0x1714;
	vm8 =	vcmask $0x1B18  }
0x4: {  	vm7 =	vcmask $0x1F1C;
	vm6 =	vcmask $0x2320;
	vm5 =	vcmask $0x2724  }
0x5: {  	vm4 =	vcmask $0x2B28;
	vm3 =	vcmask $0x2F2C;
	vm2 =	vcmask $0x3330  }
0x6: {  	v2 =	vlaneseq.u32;
	vm1 =	vcmask $0x3734;
	vm0 =	vcmask $0x3B38  }
0x7: {  	v4 =	vimm.s32 $0x1B80;
	v5 =	vimm.s32 $0x2B80;
	v6 =	vimm.s32 $0x3B80  }
0x8: {  	v0 =	vsel vm14, $0x0, v0;
	v4 =	vsel vm14, $0x1000, v4;
	v5 =	vsel vm14, $0x2000, v5  }
0x9: {  	v6 =	vsel vm14, $0x3000, v6;
	v0 =	vsel vm13, $0x80, v0;
	v4 =	vsel vm13, $0x1080, v4  }
0xa: {  	v5 =	vsel vm13, $0x2080, v5;
	v6 =	vsel vm13, $0x3080, v6;
	v0 =	vsel vm12, $0x100, v0  }
0xb: {  	v4 =	vsel vm12, $0x1100, v4;
	v5 =	vsel vm12, $0x2100, v5;
	v6 =	vsel vm12, $0x3100, v6  }
0xc: {  	v0 =	vsel vm11, $0x180, v0;
	v4 =	vsel vm11, $0x1180, v4;
	v5 =	vsel vm11, $0x2180, v5  }
0xd: {  	v6 =	vsel vm11, $0x3180, v6;
	v0 =	vsel vm10, $0x200, v0;
	v4 =	vsel vm10, $0x1200, v4  }
0xe: {  	v5 =	vsel vm10, $0x2200, v5;
	v6 =	vsel vm10, $0x3200, v6;
	v0 =	vsel vm9, $0x280, v0  }
0xf: {  	v4 =	vsel vm9, $0x1280, v4;
	v5 =	vsel vm9, $0x2280, v5;
	v6 =	vsel vm9, $0x3280, v6  }
0x10: {  	v0 =	vsel vm8, $0x300, v0;
	v4 =	vsel vm8, $0x1300, v4;
	v5 =	vsel vm8, $0x2300, v5  }
0x11: {  	s6 =	rddreg [dreg:$0x0];
	s1 =	srdreg.scid;
	v6 =	vsel vm8, $0x3300, v6;
	v0 =	vsel vm7, $0x380, v0;
	v4 =	vsel vm7, $0x1380, v4  }
0x12: {  	s0 =	stileid.u32;
	s3 =	rddreg [dreg:$0x1];
	s2 =	simm.s32 $0x0;
	v5 =	vsel vm7, $0x2380, v5;
	v6 =	vsel vm7, $0x3380, v6;
	v0 =	vsel vm6, $0x800, v0  }
0x13: {  	s12 =	simm.s32 $0x8000;
	s13 =	simm.s32 $0x2;
	s14 =	simm.s32 $0xC000;
	v4 =	vsel vm6, $0x1800, v4;
	v5 =	vsel vm6, $0x2800, v5;
	v6 =	vsel vm6, $0x3800, v6  }
0x14: {  	s15 =	simm.s32 $0x3;
	s4 =	sand.u32 $0x1, s1;
	s5 =	sshll.u32 s0, $0x1;
	v0 =	vsel vm5, $0x880, v0;
	v4 =	vsel vm5, $0x1880, v4;
	v5 =	vsel vm5, $0x2880, v5  }
0x15: {  	s16 =	simm.s32 $0x4;
	s17 =	simm.s32 $0x0;
	s5 =	sor.u32 s4, s5;
	v6 =	vsel vm5, $0x3880, v6;
	v0 =	vsel vm4, $0x900, v0;
	v4 =	vsel vm4, $0x1900, v4  }
0x16: {  	s1 =	rddreg [dreg:$0x2];
	s4 =	ssub.s32 $0x2, s4;
	s7 =	smul.u32 $0xC000, s5;
	v5 =	vsel vm4, $0x2900, v5;
	v6 =	vsel vm4, $0x3900, v6;
	v0 =	vsel vm3, $0x980, v0  }
0x17: {  	[smem:$0x7FF] =	sst s2;
	s5 =	smul.u32 $0x1800, s5;
	s31 =	sshrl.u32 s4, $0x1;
	v4 =	vsel vm3, $0x1980, v4;
	v5 =	vsel vm3, $0x2980, v5;
	v6 =	vsel vm3, $0x3980, v6  }
0x18: {  	s8 =	sadd.s32 $0x600, s3;
	_ =	strace $0x80000047;
	s9 =	ssub.s32 s4, s31;
	v1 =	vsel vm2, $0xA00, v0;
	v0 =	vadd.s32 $0xFFFFFFFF, v2;
	v4 =	vsel vm2, $0x1A00, v4  }
0x19: {  	s7 =	sshrl.u32 s7, $0x3;
	s3 =	sadd.s32 s6, s5;
	s5 =	sadd.s32 s8, s5;
	v5 =	vsel vm2, $0x2A00, v5;
	v6 =	vsel vm2, $0x3A00, v6;
	v3 =	vsel vm1, $0xA80, v1  }
0x1a: {  	s9 =	smax.u32 s9, $0x1;
	s10 =	sadd.s32 $0x800, s7;
	s11 =	sadd.s32 $0x1000, s7;
	v1 =	vor.u32 $0x100, v2;
	v2 =	vmul.u32 $0xFFFFFFFF, v2;
	v4 =	vsel vm1, $0x1A80, v4  }
0x1b: {  	s4 =	sadd.s32 s6, s10;
	s6 =	sadd.s32 s6, s11;
	s7 =	sadd.s32 s8, s10;
	v5 =	vsel vm1, $0x2A80, v5;
	v6 =	vsel vm1, $0x3A80, v6;
	v3 =	vsel vm0, $0xB00, v3  }
0x1c: {  	s8 =	sadd.s32 s8, s11;
	s10 =	simm.s32 $0x4000;
	s11 =	simm.s32 $0x1;
	v4 =	vsel vm0, $0x1B00, v4;
	v5 =	vsel vm0, $0x2B00, v5;
	v6 =	vsel vm0, $0x3B00, v6  }
.LBB2_1:
0x1d: {  	v7 =	vmov s2;
	v8 =	vadd.s32 s2, v2  }
0x1e: {  	vm0 =	vgt.s32 v7, v0;
	v9 =	vshll.u32 v8, $0x3  }
0x1f: {  	vm1 =	vlt.u32 v7, v1;
	v7 =	vand.u32 $0x7F, v8;
	v8 =	vand.u32 $0xFFFFFC00, v9  }
0x20: {  	[tilespmem:s2], [sflag:$0x1] =	stream.linear.gather [hbm4b:s3+s2], $0x4000, $0x38;
	vm1 =	vmand vm0, vm1;
	v8 =	vor.u32 v7, v8;
	[tilespmem:$0x10000] =	vst v63  }
0x21: {  	s18 =	simm.s32 $0x1;
	vm0 =	vmmov vm1;
	v9 =	vadd.s32 v3, v8  }
0x22: {  	[tilespmem:s10], [sflag:$0x2] =	stream.linear.gather [hbm4b:s4+s2], $0x4000, $0x38;
	v10 =	vadd.s32 v4, v8;
	[tilespmem:$0x10000] =	vst v63  }
0x23: {  	v13 =	vadd.s32 s18, v2;
	_ =	swait.ge [sflag:s11], $0x4000;
	v12 =	vadd.s32 v5, v8  }
0x24: {  	v14 =	vmov s18;
	v15 =	vshll.u32 v13, $0x3;
	[sflag:s11] =	ssyncset.done $0x0  }
0x25: {  	vm2 =	vlt.u32 v14, v1;
	v7 =	vimm.f32 $0.0e+00;
	v16 =	vadd.s32 v6, v8;
	[sflag:s11] =	ssyncadd.s32 $0xFFFFC000  }
0x26: {  	v8 =	vand.u32 $0x7F, v13;
	v11 =	vld.idx.msk [tilespmem:v9+s2+$0x0], vm1;
	[tilespmem:v9+s12+$0x0] =	vst.idx.msk vm1, v7;
	vm1 =	vgt.s32 v14, v0;
	v9 =	vand.u32 $0xFFFFFC00, v15  }
0x27: {  	s31 =	simm.s32 $0x2;
	vm3 =	vmmov vm0;
	v13 =	vld.idx.msk [tilespmem:v10+s2+$0x0], vm0;
	v9 =	vor.u32 v8, v9;
	[tilespmem:v10+s12+$0x0] =	vst.idx.msk vm0, v7;
	vm4 =	vmand vm1, vm2  }
0x28: {  	v10 =	vmov s31;
	v18 =	vadd.s32 v3, v9;
	v19 =	vld.idx.msk [tilespmem:v12+s2+$0x0], vm0;
	vm1 =	vmmov vm4  }
0x29: {  	[tilespmem:v12+s12+$0x0] =	vst.idx.msk vm0, v7;
	vm2 =	vgt.s32 v10, v0;
	vm5 =	vlt.u32 v10, v1;
	v10 =	vadd.s32 s31, v2  }
0x2a: {  	v17 =	vadd.s32 v4, v9;
	v15 =	vadd.s32 v5, v9;
	v14 =	vadd.s32 v6, v9;
	v12 =	vld.idx.msk [tilespmem:v16+s2+$0x0], vm0  }
0x2b: {  	v8 =	vnsel vm3, $0x0, v11;
	v11 =	vand.u32 $0x7F, v10;
	v10 =	vshll.u32 v10, $0x3  }
0x2c: {  	vm2 =	vmand vm2, vm5;
	v8 =	vadd.f32 v8, v7;
	v10 =	vand.u32 $0xFFFFFC00, v10  }
0x2d: {  	[tilespmem:v16+s12+$0x0] =	vst.idx.msk vm0, v7;
	vm6 =	vmmov vm1;
	v9 =	vnsel vm3, $0x0, v13;
	v10 =	vor.u32 v11, v10  }
0x2e: {  	vm5 =	vmmov vm1;
	v16 =	vld.idx.msk [tilespmem:v18+s2+$0x0], vm4;
	v11 =	vadd.f32 v9, v7;
	[tilespmem:v18+s12+$0x0] =	vst.idx.msk vm4, v8;
	vm4 =	vmmov vm1  }
0x2f: {  	v9 =	vnsel vm3, $0x0, v19;
	v18 =	vnsel vm3, $0x0, v12;
	vm3 =	vmmov vm1;
	_ =	sdelay $0x1  }
0x30: {  	v13 =	vadd.s32 v3, v10  }
0x31: {  	s18 =	simm.s32 $0x3;
	vm0 =	vmmov vm1;
	v9 =	vadd.f32 v9, v7;
	v12 =	vmov v13  }
.LBB2_2:
0x32: {  	p0 =	sne.s32 s18, $0xF;
	v16 =	vnsel vm0, $0x0, v16;
	v19 =	vld.idx.msk [tilespmem:v17+s2+$0x0], vm1;
	[tilespmem:v17+s12+$0x0] =	vst.idx.msk vm1, v11;
	v7 =	vadd.f32 v18, v7;
	vm1 =	vmmov vm2  }
0x33: {  	v8 =	vadd.f32 v16, v8;
	v18 =	vld.idx.msk [tilespmem:v15+s2+$0x0], vm6;
	[tilespmem:v15+s12+$0x0] =	vst.idx.msk vm4, v9;
	vm4 =	vmmov vm2;
	vm6 =	vmmov vm2  }
0x34: {  	v15 =	vmov s18;
	v20 =	vld.idx.msk [tilespmem:v14+s2+$0x0], vm5;
	[tilespmem:v14+s12+$0x0] =	vst.idx.msk vm3, v7;
	vm3 =	vmmov vm2;
	vm5 =	vmmov vm2  }
0x35: {  	vm7 =	vgt.s32 v15, v0;
	vm8 =	vlt.u32 v15, v1;
	v14 =	vadd.s32 s18, v2;
	v16 =	vld.idx.msk [tilespmem:v13+s2+$0x0], vm2  }
.Ltmp0:
0x36: {  	v17 =	vadd.s32 v4, v10;
	v13 =	vand.u32 $0x7F, v14;
	v14 =	vshll.u32 v14, $0x3;
	(pc) =	sbr.rel @p0 .LBB2_2-.Ltmp0, $4  }
0x37: {  	v15 =	vadd.s32 v5, v10;
	vm2 =	vmand vm7, vm8;
	v21 =	vand.u32 $0xFFFFFC00, v14  }
0x38: {  	v14 =	vadd.s32 v6, v10;
	v10 =	vor.u32 v13, v21;
	v19 =	vnsel vm0, $0x0, v19  }
0x39: {  	v13 =	vadd.s32 v3, v10;
	v11 =	vadd.f32 v19, v11;
	v18 =	vnsel vm0, $0x0, v18  }
0x3a: {  	s18 =	sadd.s32 $0x1, s18;
	v9 =	vadd.f32 v18, v9;
	v18 =	vnsel vm0, $0x0, v20;
	vm0 =	vmmov vm1;
	[tilespmem:v12+s12+$0x0] =	vst.idx.msk vm1, v8;
	v12 =	vmovc v13  }
0x3b: {  	_ =	sdelay $0x4  }
0x3c: {  	v19 =	vld.idx.msk [tilespmem:v17+s2+$0x0], vm1  }
0x3d: {  	[tilespmem:v17+s12+$0x0] =	vst.idx.msk vm1, v11;
	v7 =	vadd.f32 v18, v7  }
0x3e: {  	v17 =	vld.idx.msk [tilespmem:v15+s2+$0x0], vm6;
	[tilespmem:v15+s12+$0x0] =	vst.idx.msk vm4, v9;
	v15 =	vadd.s32 v4, v10  }
0x3f: {  	v16 =	vnsel vm0, $0x0, v16;
	s18 =	simm.s32 $0x10;
	v18 =	vld.idx.msk [tilespmem:v14+s2+$0x0], vm5;
	[tilespmem:v14+s12+$0x0] =	vst.idx.msk vm3, v7  }
0x40: {  	v8 =	vadd.f32 v16, v8;
	v16 =	vadd.s32 s18, v2;
	v14 =	vadd.s32 v5, v10;
	v13 =	vld.idx.msk [tilespmem:v13+s2+$0x0], vm2  }
0x41: {  	v10 =	vadd.s32 v6, v10;
	v20 =	vshll.u32 v16, $0x3;
	v19 =	vnsel vm0, $0x0, v19  }
0x42: {  	[tilespmem:v12+s12+$0x0] =	vst.idx.msk vm2, v8;
	v12 =	vand.u32 $0x7F, v16;
	v16 =	vand.u32 $0xFFFFFC00, v20;
	v11 =	vadd.f32 v19, v11  }
0x43: {  	vm14 =	vmmov vm2;
	v12 =	vor.u32 v12, v16;
	v17 =	vnsel vm0, $0x0, v17;
	v19 =	vld.idx.msk [tilespmem:v15+s2+$0x0], vm2  }
0x44: {  	vm15 =	vmmov vm14;
	v9 =	vadd.f32 v17, v9;
	[tilespmem:v15+s12+$0x0] =	vst.idx.msk vm2, v11;
	v15 =	vadd.s32 v3, v12  }
0x45: {  	v16 =	vnsel vm0, $0x0, v18;
	v13 =	vnsel vm15, $0x0, v13  }
0x46: {  	s24 =	simm.s32 $0x11;
	v7 =	vadd.f32 v16, v7;
	v17 =	vld.idx.msk [tilespmem:v14+s2+$0x0], vm2;
	[tilespmem:v14+s12+$0x0] =	vst.idx.msk vm2, v9;
	v14 =	vadd.s32 v4, v12  }
0x47: {  	v18 =	vadd.s32 s24, v2;
	v8 =	vadd.f32 v13, v8;
	v13 =	vld.idx.msk [tilespmem:v10+s2+$0x0], vm2  }
0x48: {  	v16 =	vadd.s32 v5, v12;
	[tilespmem:v10+s12+$0x0] =	vst.idx.msk vm2, v7;
	v10 =	vnsel vm15, $0x0, v19;
	v19 =	vshll.u32 v18, $0x3  }
0x49: {  	v10 =	vadd.f32 v10, v11;
	v11 =	vld.idx.msk [tilespmem:v15+s2+$0x0], $0xffff;
	[tilespmem:v15+s12+$0x0] =	vst.idx.msk $0xffff, v8;
	v15 =	vand.u32 $0x7F, v18;
	v18 =	vand.u32 $0xFFFFFC00, v19  }
0x4a: {  	v12 =	vadd.s32 v6, v12;
	v15 =	vor.u32 v15, v18  }
0x4b: {  	v17 =	vnsel vm15, $0x0, v17;
	v19 =	vld.idx.msk [tilespmem:v14+s2+$0x0], $0xffff;
	[tilespmem:v14+s12+$0x0] =	vst.idx.msk $0xffff, v10;
	v14 =	vadd.s32 v3, v15  }
0x4c: {  	v9 =	vadd.f32 v17, v9;
	v13 =	vnsel vm15, $0x0, v13  }
0x4d: {  	v17 =	vld.idx.msk [tilespmem:v16+s2+$0x0], $0xffff;
	v7 =	vadd.f32 v13, v7  }
0x4e: {  	s25 =	simm.s32 $0x12;
	v13 =	vadd.s32 v4, v15;
	[tilespmem:v16+s12+$0x0] =	vst.idx.msk $0xffff, v9;
	v8 =	vadd.f32 v11, v8  }
0x4f: {  	v16 =	vld.idx.msk [tilespmem:v12+s2+$0x0], $0xffff;
	[tilespmem:v12+s12+$0x0] =	vst.idx.msk $0xffff, v7;
	v11 =	vadd.s32 v5, v15;
	v12 =	vadd.s32 s25, v2  }
0x50: {  	v62 =	vand.u32 $0x7F, v12;
	v12 =	vshll.u32 v12, $0x3;
	v18 =	vld.idx.msk [tilespmem:v14+s2+$0x0], $0xffff;
	[tilespmem:v14+s12+$0x0] =	vst.idx.msk $0xffff, v8;
	v14 =	vadd.s32 v6, v15  }
0x51: {  	v10 =	vadd.f32 v19, v10;
	v12 =	vand.u32 $0xFFFFFC00, v12  }
0x52: {  	v9 =	vadd.f32 v17, v9;
	v12 =	vor.u32 v62, v12  }
0x53: {  	v15 =	vld.idx.msk [tilespmem:v13+s2+$0x0], $0xffff;
	[tilespmem:v13+s12+$0x0] =	vst.idx.msk $0xffff, v10;
	v13 =	vadd.s32 v3, v12  }
0x54: {  	v17 =	vld.idx.msk [tilespmem:v11+s2+$0x0], $0xffff;
	v7 =	vadd.f32 v16, v7;
	[tilespmem:v11+s12+$0x0] =	vst.idx.msk $0xffff, v9;
	v11 =	vadd.s32 v4, v12  }
0x55: {  	s26 =	simm.s32 $0x13;
	v16 =	vld.idx.msk [tilespmem:v14+s2+$0x0], $0xffff  }
0x56: {  	v8 =	vadd.f32 v18, v8;
	[tilespmem:v14+s12+$0x0] =	vst.idx.msk $0xffff, v7;
	v14 =	vadd.s32 v5, v12;
	v18 =	vadd.s32 s26, v2  }
0x57: {  	v12 =	vadd.s32 v6, v12;
	v19 =	vshll.u32 v18, $0x3  }
0x58: {  	v10 =	vadd.f32 v15, v10;
	v15 =	vld.idx.msk [tilespmem:v13+s2+$0x0], $0xffff;
	[tilespmem:v13+s12+$0x0] =	vst.idx.msk $0xffff, v8;
	v13 =	vand.u32 $0x7F, v18;
	v18 =	vand.u32 $0xFFFFFC00, v19  }
0x59: {  	v19 =	vld.idx.msk [tilespmem:v11+s2+$0x0], $0xffff;
	v13 =	vor.u32 v13, v18;
	v9 =	vadd.f32 v17, v9  }
0x5a: {  	[tilespmem:v11+s12+$0x0] =	vst.idx.msk $0xffff, v10;
	v11 =	vadd.s32 v3, v13  }
0x5b: {  	v17 =	vld.idx.msk [tilespmem:v14+s2+$0x0], $0xffff;
	v7 =	vadd.f32 v16, v7;
	[tilespmem:v14+s12+$0x0] =	vst.idx.msk $0xffff, v9;
	v14 =	vadd.s32 v4, v13  }
0x5c: {  	s28 =	simm.s32 $0x14;
	v16 =	vld.idx.msk [tilespmem:v12+s2+$0x0], $0xffff  }
0x5d: {  	v8 =	vadd.f32 v15, v8;
	[tilespmem:v12+s12+$0x0] =	vst.idx.msk $0xffff, v7;
	v12 =	vadd.s32 v5, v13;
	v15 =	vadd.s32 s28, v2  }
0x5e: {  	v10 =	vadd.f32 v19, v10;
	v19 =	vshll.u32 v15, $0x3  }
0x5f: {  	v18 =	vld.idx.msk [tilespmem:v11+s2+$0x0], $0xffff;
	[tilespmem:v11+s12+$0x0] =	vst.idx.msk $0xffff, v8;
	v11 =	vadd.s32 v6, v13;
	v13 =	vand.u32 $0x7F, v15;
	v15 =	vand.u32 $0xFFFFFC00, v19  }
0x60: {  	v19 =	vld.idx.msk [tilespmem:v14+s2+$0x0], $0xffff;
	v13 =	vor.u32 v13, v15;
	v9 =	vadd.f32 v17, v9  }
0x61: {  	[tilespmem:v14+s12+$0x0] =	vst.idx.msk $0xffff, v10;
	v14 =	vadd.s32 v3, v13  }
0x62: {  	s29 =	simm.s32 $0x15;
	v7 =	vadd.f32 v16, v7;
	v15 =	vld.idx.msk [tilespmem:v12+s2+$0x0], $0xffff;
	[tilespmem:v12+s12+$0x0] =	vst.idx.msk $0xffff, v9;
	v12 =	vadd.s32 v4, v13  }
0x63: {  	v17 =	vadd.s32 s29, v2  }
0x64: {  	v16 =	vld.idx.msk [tilespmem:v11+s2+$0x0], $0xffff;
	v8 =	vadd.f32 v18, v8;
	[tilespmem:v11+s12+$0x0] =	vst.idx.msk $0xffff, v7;
	v11 =	vadd.s32 v5, v13  }
0x65: {  	v10 =	vadd.f32 v19, v10;
	v19 =	vshll.u32 v17, $0x3  }
0x66: {  	v13 =	vadd.s32 v6, v13;
	v18 =	vld.idx.msk [tilespmem:v14+s2+$0x0], $0xffff;
	[tilespmem:v14+s12+$0x0] =	vst.idx.msk $0xffff, v8;
	v14 =	vand.u32 $0x7F, v17;
	v17 =	vand.u32 $0xFFFFFC00, v19  }
0x67: {  	v19 =	vld.idx.msk [tilespmem:v12+s2+$0x0], $0xffff;
	v14 =	vor.u32 v14, v17;
	v9 =	vadd.f32 v15, v9  }
0x68: {  	[tilespmem:v12+s12+$0x0] =	vst.idx.msk $0xffff, v10;
	v12 =	vadd.s32 v3, v14  }
0x69: {  	s30 =	simm.s32 $0x16;
	v15 =	vld.idx.msk [tilespmem:v11+s2+$0x0], $0xffff;
	v7 =	vadd.f32 v16, v7;
	[tilespmem:v11+s12+$0x0] =	vst.idx.msk $0xffff, v9;
	v11 =	vadd.s32 v4, v14  }
0x6a: {  	v17 =	vadd.s32 s30, v2  }
0x6b: {  	v16 =	vld.idx.msk [tilespmem:v13+s2+$0x0], $0xffff;
	v8 =	vadd.f32 v18, v8;
	[tilespmem:v13+s12+$0x0] =	vst.idx.msk $0xffff, v7;
	v13 =	vadd.s32 v5, v14  }
0x6c: {  	v10 =	vadd.f32 v19, v10;
	v19 =	vshll.u32 v17, $0x3  }
0x6d: {  	v18 =	vld.idx.msk [tilespmem:v12+s2+$0x0], $0xffff;
	[tilespmem:v12+s12+$0x0] =	vst.idx.msk $0xffff, v8;
	v12 =	vadd.s32 v6, v14;
	v14 =	vand.u32 $0x7F, v17;
	v17 =	vand.u32 $0xFFFFFC00, v19  }
0x6e: {  	v19 =	vld.idx.msk [tilespmem:v11+s2+$0x0], $0xffff;
	v14 =	vor.u32 v14, v17;
	v9 =	vadd.f32 v15, v9  }
0x6f: {  	[tilespmem:v11+s12+$0x0] =	vst.idx.msk $0xffff, v10;
	v11 =	vadd.s32 v3, v14  }
0x70: {  	s31 =	simm.s32 $0x17;
	v7 =	vadd.f32 v16, v7;
	v15 =	vld.idx.msk [tilespmem:v13+s2+$0x0], $0xffff;
	[tilespmem:v13+s12+$0x0] =	vst.idx.msk $0xffff, v9;
	v13 =	vadd.s32 v4, v14  }
0x71: {  	v17 =	vadd.s32 s31, v2  }
0x72: {  	v16 =	vld.idx.msk [tilespmem:v12+s2+$0x0], $0xffff;
	v8 =	vadd.f32 v18, v8;
	[tilespmem:v12+s12+$0x0] =	vst.idx.msk $0xffff, v7;
	v12 =	vadd.s32 v5, v14  }
0x73: {  	v10 =	vadd.f32 v19, v10;
	v19 =	vshll.u32 v17, $0x3  }
0x74: {  	v18 =	vld.idx.msk [tilespmem:v11+s2+$0x0], $0xffff;
	[tilespmem:v11+s12+$0x0] =	vst.idx.msk $0xffff, v8;
	v11 =	vadd.s32 v6, v14;
	v14 =	vand.u32 $0x7F, v17;
	v17 =	vand.u32 $0xFFFFFC00, v19  }
0x75: {  	v19 =	vld.idx.msk [tilespmem:v13+s2+$0x0], $0xffff;
	v14 =	vor.u32 v14, v17;
	v9 =	vadd.f32 v15, v9  }
0x76: {  	[tilespmem:v13+s12+$0x0] =	vst.idx.msk $0xffff, v10;
	v13 =	vadd.s32 v3, v14  }
0x77: {  	v15 =	vld.idx.msk [tilespmem:v12+s2+$0x0], $0xffff;
	[tilespmem:v12+s12+$0x0] =	vst.idx.msk $0xffff, v9;
	v12 =	vadd.s32 v4, v14  }
0x78: {  	s18 =	simm.s32 $0x18;
	v7 =	vadd.f32 v16, v7  }
0x79: {  	v17 =	vadd.s32 s18, v2;
	v16 =	vld.idx.msk [tilespmem:v11+s2+$0x0], $0xffff;
	v8 =	vadd.f32 v18, v8  }
0x7a: {  	[tilespmem:v11+s12+$0x0] =	vst.idx.msk $0xffff, v7;
	v11 =	vadd.s32 v5, v14;
	v18 =	vshll.u32 v17, $0x3;
	v19 =	vadd.f32 v19, v10  }
0x7b: {  	v10 =	vand.u32 $0x7F, v17;
	v17 =	vand.u32 $0xFFFFFC00, v18;
	v63 =	vld.idx.msk [tilespmem:v13+s2+$0x0], $0xffff;
	[tilespmem:v13+s12+$0x0] =	vst.idx.msk $0xffff, v8;
	v13 =	vadd.s32 v6, v14  }
0x7c: {  	v18 =	vor.u32 v10, v17;
	v17 =	vld.idx.msk [tilespmem:v12+s2+$0x0], $0xffff  }
0x7d: {  	v9 =	vadd.f32 v15, v9;
	v15 =	vadd.s32 v3, v18  }
0x7e: {  	[tilespmem:v12+s12+$0x0] =	vst.idx.msk $0xffff, v19  }
0x7f: {  	s19 =	simm.s32 $0x19;
	v22 =	vadd.s32 v4, v18;
	v21 =	vld.idx.msk [tilespmem:v11+s2+$0x0], $0xffff;
	v10 =	vadd.f32 v16, v7;
	[tilespmem:v11+s12+$0x0] =	vst.idx.msk $0xffff, v9  }
0x80: {  	v11 =	vadd.s32 s19, v2;
	v14 =	vld.idx.msk [tilespmem:v13+s2+$0x0], $0xffff;
	v8 =	vadd.f32 v63, v8  }
0x81: {  	[tilespmem:v13+s12+$0x0] =	vst.idx.msk $0xffff, v10;
	v13 =	vshll.u32 v11, $0x3;
	v7 =	vadd.f32 v17, v19;
	v17 =	vadd.s32 v5, v18  }
0x82: {  	v11 =	vand.u32 $0x7F, v11;
	v12 =	vld.idx.msk [tilespmem:v15+s2+$0x0], $0xffff;
	[tilespmem:v15+s12+$0x0] =	vst.idx.msk $0xffff, v8;
	v15 =	vand.u32 $0xFFFFFC00, v13  }
0x83: {  	v16 =	vadd.s32 v6, v18;
	v11 =	vor.u32 v11, v15  }
0x84: {  	s20 =	simm.s32 $0x20;
	v13 =	vld.idx.msk [tilespmem:v22+s2+$0x0], $0xffff;
	v9 =	vadd.f32 v21, v9;
	[tilespmem:v22+s12+$0x0] =	vst.idx.msk $0xffff, v7;
	v15 =	vadd.s32 v3, v11  }
.LBB2_4:
0x85: {  	p0 =	slt.u32 s20, $0xF8  }
0x86: {  	v18 =	vld.idx.msk [tilespmem:v17+s2+$0x0], $0xffff;
	v10 =	vadd.f32 v14, v10;
	s19 =	simm.s32 $0x100;
	s21 =	smov.u32 s20;
	s20 =	sadd.s32 $0x8, s20  }
0x87: {  	v14 =	vadd.s32 v4, v11;
	[tilespmem:v17+s12+$0x0] =	vst.idx.msk $0xffff, v9  }
0x88: {  	s22 =	sadd.s32 $0x2, s18;
	v17 =	vld.idx.msk [tilespmem:v16+s2+$0x0], $0xffff  }
0x89: {  	v8 =	vadd.f32 v12, v8;
	v12 =	vadd.s32 v5, v11;
	[tilespmem:v16+s12+$0x0] =	vst.idx.msk $0xffff, v10;
	v16 =	vadd.s32 s22, v2  }
0x8a: {  	v19 =	vld.idx.msk [tilespmem:v15+s2+$0x0], $0xffff;
	v20 =	vand.u32 $0x7F, v16;
	v16 =	vshll.u32 v16, $0x3  }
0x8b: {  	v11 =	vadd.s32 v6, v11;
	v7 =	vadd.f32 v13, v7;
	[tilespmem:v15+s12+$0x0] =	vst.idx.msk $0xffff, v8;
	v13 =	vand.u32 $0xFFFFFC00, v16  }
0x8c: {  	v15 =	vld.idx.msk [tilespmem:v14+s2+$0x0], $0xffff;
	v13 =	vor.u32 v20, v13  }
0x8d: {  	v9 =	vadd.f32 v18, v9;
	[tilespmem:v14+s12+$0x0] =	vst.idx.msk $0xffff, v7;
	v14 =	vadd.s32 v3, v13  }
0x8e: {  	v16 =	vld.idx.msk [tilespmem:v12+s2+$0x0], $0xffff  }
0x8f: {  	v10 =	vadd.f32 v17, v10;
	[tilespmem:v12+s12+$0x0] =	vst.idx.msk $0xffff, v9;
	v12 =	vadd.s32 v4, v13  }
0x90: {  	s22 =	sadd.s32 $0x3, s18;
	v8 =	vadd.f32 v19, v8;
	v17 =	vld.idx.msk [tilespmem:v11+s2+$0x0], $0xffff  }
0x91: {  	v18 =	vadd.s32 s22, v2;
	[tilespmem:v11+s12+$0x0] =	vst.idx.msk $0xffff, v10;
	v11 =	vadd.s32 v5, v13  }
0x92: {  	v19 =	vshll.u32 v18, $0x3;
	v7 =	vadd.f32 v15, v7;
	v15 =	vld.idx.msk [tilespmem:v14+s2+$0x0], $0xffff  }
0x93: {  	v13 =	vadd.s32 v6, v13;
	[tilespmem:v14+s12+$0x0] =	vst.idx.msk $0xffff, v8;
	v14 =	vand.u32 $0x7F, v18;
	v18 =	vand.u32 $0xFFFFFC00, v19  }
0x94: {  	v9 =	vadd.f32 v16, v9;
	v16 =	vld.idx.msk [tilespmem:v12+s2+$0x0], $0xffff;
	v14 =	vor.u32 v14, v18  }
0x95: {  	[tilespmem:v12+s12+$0x0] =	vst.idx.msk $0xffff, v7;
	v12 =	vadd.s32 v3, v14  }
0x96: {  	v10 =	vadd.f32 v17, v10;
	v17 =	vld.idx.msk [tilespmem:v11+s2+$0x0], $0xffff  }
0x97: {  	[tilespmem:v11+s12+$0x0] =	vst.idx.msk $0xffff, v9;
	v11 =	vadd.s32 v4, v14  }
0x98: {  	s22 =	sadd.s32 $0x4, s18;
	v8 =	vadd.f32 v15, v8;
	v15 =	vld.idx.msk [tilespmem:v13+s2+$0x0], $0xffff  }
0x99: {  	v18 =	vadd.s32 s22, v2;
	[tilespmem:v13+s12+$0x0] =	vst.idx.msk $0xffff, v10;
	v13 =	vadd.s32 v5, v14  }
0x9a: {  	v19 =	vshll.u32 v18, $0x3;
	v7 =	vadd.f32 v16, v7;
	v16 =	vld.idx.msk [tilespmem:v12+s2+$0x0], $0xffff  }
0x9b: {  	[tilespmem:v12+s12+$0x0] =	vst.idx.msk $0xffff, v8;
	v12 =	vadd.s32 v6, v14;
	v14 =	vand.u32 $0x7F, v18;
	v18 =	vand.u32 $0xFFFFFC00, v19  }
0x9c: {  	v9 =	vadd.f32 v17, v9;
	v17 =	vld.idx.msk [tilespmem:v11+s2+$0x0], $0xffff;
	v14 =	vor.u32 v14, v18  }
0x9d: {  	[tilespmem:v11+s12+$0x0] =	vst.idx.msk $0xffff, v7;
	v11 =	vadd.s32 v3, v14  }
0x9e: {  	v10 =	vadd.f32 v15, v10;
	v15 =	vld.idx.msk [tilespmem:v13+s2+$0x0], $0xffff  }
0x9f: {  	[tilespmem:v13+s12+$0x0] =	vst.idx.msk $0xffff, v9;
	v13 =	vadd.s32 v4, v14  }
0xa0: {  	s22 =	sadd.s32 $0x5, s18;
	v8 =	vadd.f32 v16, v8;
	v16 =	vld.idx.msk [tilespmem:v12+s2+$0x0], $0xffff  }
0xa1: {  	v18 =	vadd.s32 s22, v2;
	[tilespmem:v12+s12+$0x0] =	vst.idx.msk $0xffff, v10;
	v12 =	vadd.s32 v5, v14  }
0xa2: {  	v19 =	vshll.u32 v18, $0x3;
	v7 =	vadd.f32 v17, v7;
	v17 =	vld.idx.msk [tilespmem:v11+s2+$0x0], $0xffff  }
0xa3: {  	[tilespmem:v11+s12+$0x0] =	vst.idx.msk $0xffff, v8;
	v11 =	vadd.s32 v6, v14;
	v14 =	vand.u32 $0x7F, v18;
	v18 =	vand.u32 $0xFFFFFC00, v19  }
0xa4: {  	v9 =	vadd.f32 v15, v9;
	v15 =	vld.idx.msk [tilespmem:v13+s2+$0x0], $0xffff;
	v14 =	vor.u32 v14, v18  }
0xa5: {  	[tilespmem:v13+s12+$0x0] =	vst.idx.msk $0xffff, v7;
	v13 =	vadd.s32 v3, v14  }
0xa6: {  	v10 =	vadd.f32 v16, v10;
	v16 =	vld.idx.msk [tilespmem:v12+s2+$0x0], $0xffff  }
0xa7: {  	[tilespmem:v12+s12+$0x0] =	vst.idx.msk $0xffff, v9;
	v12 =	vadd.s32 v4, v14  }
0xa8: {  	s22 =	sadd.s32 $0x6, s18;
	v8 =	vadd.f32 v17, v8;
	v17 =	vld.idx.msk [tilespmem:v11+s2+$0x0], $0xffff  }
0xa9: {  	v18 =	vadd.s32 s22, v2;
	[tilespmem:v11+s12+$0x0] =	vst.idx.msk $0xffff, v10;
	v11 =	vadd.s32 v5, v14  }
0xaa: {  	v19 =	vshll.u32 v18, $0x3;
	v7 =	vadd.f32 v15, v7;
	v15 =	vld.idx.msk [tilespmem:v13+s2+$0x0], $0xffff  }
0xab: {  	[tilespmem:v13+s12+$0x0] =	vst.idx.msk $0xffff, v8;
	v13 =	vadd.s32 v6, v14;
	v14 =	vand.u32 $0x7F, v18;
	v18 =	vand.u32 $0xFFFFFC00, v19  }
0xac: {  	v9 =	vadd.f32 v16, v9;
	v16 =	vld.idx.msk [tilespmem:v12+s2+$0x0], $0xffff;
	v14 =	vor.u32 v14, v18  }
0xad: {  	[tilespmem:v12+s12+$0x0] =	vst.idx.msk $0xffff, v7;
	v12 =	vadd.s32 v3, v14  }
0xae: {  	v10 =	vadd.f32 v17, v10;
	v17 =	vld.idx.msk [tilespmem:v11+s2+$0x0], $0xffff  }
0xaf: {  	[tilespmem:v11+s12+$0x0] =	vst.idx.msk $0xffff, v9;
	v11 =	vadd.s32 v4, v14  }
0xb0: {  	s22 =	sadd.s32 $0x7, s18;
	s18 =	smov.u32 s21;
	v8 =	vadd.f32 v15, v8;
	v15 =	vld.idx.msk [tilespmem:v13+s2+$0x0], $0xffff  }
0xb1: {  	v18 =	vadd.s32 s22, v2;
	[tilespmem:v13+s12+$0x0] =	vst.idx.msk $0xffff, v10;
	v13 =	vadd.s32 v5, v14  }
0xb2: {  	v19 =	vshll.u32 v18, $0x3;
	v7 =	vadd.f32 v16, v7;
	v16 =	vld.idx.msk [tilespmem:v12+s2+$0x0], $0xffff  }
0xb3: {  	[tilespmem:v12+s12+$0x0] =	vst.idx.msk $0xffff, v8;
	v12 =	vadd.s32 v6, v14;
	v14 =	vand.u32 $0x7F, v18;
	v18 =	vand.u32 $0xFFFFFC00, v19  }
0xb4: {  	v9 =	vadd.f32 v17, v9;
	v17 =	vld.idx.msk [tilespmem:v11+s2+$0x0], $0xffff;
	v14 =	vor.u32 v14, v18  }
0xb5: {  	[tilespmem:v11+s12+$0x0] =	vst.idx.msk $0xffff, v7;
	v11 =	vadd.s32 v3, v14  }
0xb6: {  	v10 =	vadd.f32 v15, v10;
	v15 =	vld.idx.msk [tilespmem:v13+s2+$0x0], $0xffff  }
0xb7: {  	[tilespmem:v13+s12+$0x0] =	vst.idx.msk $0xffff, v9;
	v13 =	vadd.s32 v4, v14  }
0xb8: {  	v8 =	vadd.f32 v16, v8;
	v16 =	vld.idx.msk [tilespmem:v12+s2+$0x0], $0xffff  }
0xb9: {  	v18 =	vadd.s32 s18, v2;
	[tilespmem:v12+s12+$0x0] =	vst.idx.msk $0xffff, v10;
	v12 =	vadd.s32 v5, v14  }
0xba: {  	v19 =	vshll.u32 v18, $0x3;
	v7 =	vadd.f32 v17, v7;
	v17 =	vld.idx.msk [tilespmem:v11+s2+$0x0], $0xffff  }
0xbb: {  	v18 =	vand.u32 $0x7F, v18;
	v19 =	vand.u32 $0xFFFFFC00, v19;
	[tilespmem:v11+s12+$0x0] =	vst.idx.msk $0xffff, v8;
	v11 =	vadd.s32 v6, v14  }
0xbc: {  	v18 =	vor.u32 v18, v19;
	v9 =	vadd.f32 v15, v9;
	v15 =	vld.idx.msk [tilespmem:v13+s2+$0x0], $0xffff  }
0xbd: {  	v19 =	vadd.s32 v3, v18;
	[tilespmem:v13+s12+$0x0] =	vst.idx.msk $0xffff, v7  }
0xbe: {  	v20 =	vld.idx.msk [tilespmem:v12+s2+$0x0], $0xffff  }
0xbf: {  	v21 =	vadd.s32 v4, v18;
	v10 =	vadd.f32 v16, v10;
	[tilespmem:v12+s12+$0x0] =	vst.idx.msk $0xffff, v9  }
0xc0: {  	s21 =	sadd.s32 $0x1, s18;
	v8 =	vadd.f32 v17, v8;
	v14 =	vld.idx.msk [tilespmem:v11+s2+$0x0], $0xffff  }
.Ltmp1:
0xc1: {  	v13 =	vadd.s32 s21, v2;
	v17 =	vadd.s32 v5, v18;
	[tilespmem:v11+s12+$0x0] =	vst.idx.msk $0xffff, v10;
	(pc) =	sbr.rel @p0 .LBB2_4-.Ltmp1, $4  }
0xc2: {  	v11 =	vshll.u32 v13, $0x3;
	v7 =	vadd.f32 v15, v7;
	v12 =	vld.idx.msk [tilespmem:v19+s2+$0x0], $0xffff  }
0xc3: {  	v16 =	vadd.s32 v6, v18;
	v15 =	vand.u32 $0x7F, v13;
	v11 =	vand.u32 $0xFFFFFC00, v11;
	[tilespmem:v19+s12+$0x0] =	vst.idx.msk $0xffff, v8  }
0xc4: {  	v11 =	vor.u32 v15, v11;
	v9 =	vadd.f32 v20, v9;
	v13 =	vld.idx.msk [tilespmem:v21+s2+$0x0], $0xffff  }
0xc5: {  	v15 =	vadd.s32 v3, v11;
	[tilespmem:v21+s12+$0x0] =	vst.idx.msk $0xffff, v7  }
0xc6: {  	_ =	sdelay $0x3  }
0xc7: {  	v18 =	vld.idx.msk [tilespmem:v17+s2+$0x0], $0xffff;
	v10 =	vadd.f32 v14, v10;
	[tilespmem:v17+s12+$0x0] =	vst.idx.msk $0xffff, v9  }
0xc8: {  	v14 =	vadd.s32 v4, v11;
	s20 =	sadd.s32 $0x2, s18;
	v17 =	vld.idx.msk [tilespmem:v16+s2+$0x0], $0xffff  }
0xc9: {  	v8 =	vadd.f32 v12, v8;
	v12 =	vadd.s32 v5, v11;
	[tilespmem:v16+s12+$0x0] =	vst.idx.msk $0xffff, v10;
	v16 =	vadd.s32 s20, v2  }
0xca: {  	v20 =	vand.u32 $0x7F, v16;
	v16 =	vshll.u32 v16, $0x3  }
0xcb: {  	v11 =	vadd.s32 v6, v11;
	v19 =	vld.idx.msk [tilespmem:v15+s2+$0x0], $0xffff;
	v7 =	vadd.f32 v13, v7;
	v13 =	vand.u32 $0xFFFFFC00, v16  }
0xcc: {  	[tilespmem:v15+s12+$0x0] =	vst.idx.msk $0xffff, v8;
	v13 =	vor.u32 v20, v13;
	v9 =	vadd.f32 v18, v9  }
0xcd: {  	v15 =	vld.idx.msk [tilespmem:v14+s2+$0x0], $0xffff;
	[tilespmem:v14+s12+$0x0] =	vst.idx.msk $0xffff, v7;
	v14 =	vadd.s32 v3, v13  }
0xce: {  	s24 =	sadd.s32 $0x3, s18;
	v16 =	vld.idx.msk [tilespmem:v12+s2+$0x0], $0xffff;
	v10 =	vadd.f32 v17, v10;
	[tilespmem:v12+s12+$0x0] =	vst.idx.msk $0xffff, v9;
	v12 =	vadd.s32 v4, v13  }
0xcf: {  	v18 =	vadd.s32 s24, v2  }
0xd0: {  	v17 =	vld.idx.msk [tilespmem:v11+s2+$0x0], $0xffff;
	v8 =	vadd.f32 v19, v8;
	[tilespmem:v11+s12+$0x0] =	vst.idx.msk $0xffff, v10;
	v11 =	vadd.s32 v5, v13  }
0xd1: {  	v19 =	vshll.u32 v18, $0x3;
	v13 =	vadd.s32 v6, v13  }
0xd2: {  	v7 =	vadd.f32 v15, v7;
	v15 =	vld.idx.msk [tilespmem:v14+s2+$0x0], $0xffff;
	[tilespmem:v14+s12+$0x0] =	vst.idx.msk $0xffff, v8;
	v14 =	vand.u32 $0x7F, v18;
	v18 =	vand.u32 $0xFFFFFC00, v19  }
0xd3: {  	v9 =	vadd.f32 v16, v9;
	v19 =	vld.idx.msk [tilespmem:v12+s2+$0x0], $0xffff;
	v14 =	vor.u32 v14, v18  }
0xd4: {  	[tilespmem:v12+s12+$0x0] =	vst.idx.msk $0xffff, v7;
	v12 =	vadd.s32 v3, v14  }
0xd5: {  	v16 =	vld.idx.msk [tilespmem:v11+s2+$0x0], $0xffff;
	v10 =	vadd.f32 v17, v10;
	[tilespmem:v11+s12+$0x0] =	vst.idx.msk $0xffff, v9;
	v11 =	vadd.s32 v4, v14  }
0xd6: {  	s25 =	sadd.s32 $0x4, s18;
	v17 =	vld.idx.msk [tilespmem:v13+s2+$0x0], $0xffff  }
0xd7: {  	[tilespmem:v13+s12+$0x0] =	vst.idx.msk $0xffff, v10;
	v13 =	vadd.s32 v5, v14;
	v8 =	vadd.f32 v15, v8;
	v15 =	vadd.s32 s25, v2  }
0xd8: {  	v7 =	vadd.f32 v19, v7;
	v19 =	vshll.u32 v15, $0x3  }
0xd9: {  	v18 =	vld.idx.msk [tilespmem:v12+s2+$0x0], $0xffff;
	[tilespmem:v12+s12+$0x0] =	vst.idx.msk $0xffff, v8;
	v12 =	vadd.s32 v6, v14;
	v14 =	vand.u32 $0x7F, v15;
	v15 =	vand.u32 $0xFFFFFC00, v19  }
0xda: {  	v9 =	vadd.f32 v16, v9;
	v19 =	vld.idx.msk [tilespmem:v11+s2+$0x0], $0xffff;
	v14 =	vor.u32 v14, v15  }
0xdb: {  	[tilespmem:v11+s12+$0x0] =	vst.idx.msk $0xffff, v7;
	v11 =	vadd.s32 v3, v14  }
0xdc: {  	s26 =	sadd.s32 $0x5, s18;
	v10 =	vadd.f32 v17, v10;
	v15 =	vld.idx.msk [tilespmem:v13+s2+$0x0], $0xffff;
	[tilespmem:v13+s12+$0x0] =	vst.idx.msk $0xffff, v9;
	v13 =	vadd.s32 v4, v14  }
0xdd: {  	v17 =	vadd.s32 s26, v2  }
0xde: {  	v16 =	vld.idx.msk [tilespmem:v12+s2+$0x0], $0xffff;
	v8 =	vadd.f32 v18, v8;
	[tilespmem:v12+s12+$0x0] =	vst.idx.msk $0xffff, v10;
	v12 =	vadd.s32 v5, v14  }
0xdf: {  	v7 =	vadd.f32 v19, v7;
	v19 =	vshll.u32 v17, $0x3  }
0xe0: {  	v18 =	vld.idx.msk [tilespmem:v11+s2+$0x0], $0xffff;
	[tilespmem:v11+s12+$0x0] =	vst.idx.msk $0xffff, v8;
	v11 =	vadd.s32 v6, v14;
	v14 =	vand.u32 $0x7F, v17;
	v17 =	vand.u32 $0xFFFFFC00, v19  }
0xe1: {  	v9 =	vadd.f32 v15, v9;
	v19 =	vld.idx.msk [tilespmem:v13+s2+$0x0], $0xffff;
	v14 =	vor.u32 v14, v17  }
0xe2: {  	[tilespmem:v13+s12+$0x0] =	vst.idx.msk $0xffff, v7;
	v13 =	vadd.s32 v3, v14  }
0xe3: {  	v15 =	vld.idx.msk [tilespmem:v12+s2+$0x0], $0xffff;
	[tilespmem:v12+s12+$0x0] =	vst.idx.msk $0xffff, v9;
	v12 =	vadd.s32 v4, v14  }
0xe4: {  	s28 =	sadd.s32 $0x6, s18;
	v10 =	vadd.f32 v16, v10  }
0xe5: {  	v17 =	vadd.s32 s28, v2;
	v16 =	vld.idx.msk [tilespmem:v11+s2+$0x0], $0xffff;
	v8 =	vadd.f32 v18, v8  }
0xe6: {  	[tilespmem:v11+s12+$0x0] =	vst.idx.msk $0xffff, v10;
	v11 =	vadd.s32 v5, v14;
	v7 =	vadd.f32 v19, v7;
	v19 =	vshll.u32 v17, $0x3  }
0xe7: {  	v18 =	vld.idx.msk [tilespmem:v13+s2+$0x0], $0xffff;
	[tilespmem:v13+s12+$0x0] =	vst.idx.msk $0xffff, v8;
	v13 =	vadd.s32 v6, v14;
	v14 =	vand.u32 $0x7F, v17;
	v17 =	vand.u32 $0xFFFFFC00, v19  }
0xe8: {  	v19 =	vld.idx.msk [tilespmem:v12+s2+$0x0], $0xffff;
	v14 =	vor.u32 v14, v17  }
0xe9: {  	v9 =	vadd.f32 v15, v9;
	[tilespmem:v12+s12+$0x0] =	vst.idx.msk $0xffff, v7;
	v12 =	vadd.s32 v3, v14  }
0xea: {  	s29 =	sadd.s32 $0x7, s18;
	v10 =	vadd.f32 v16, v10  }
0xeb: {  	v17 =	vadd.s32 s29, v2;
	v15 =	vld.idx.msk [tilespmem:v11+s2+$0x0], $0xffff;
	[tilespmem:v11+s12+$0x0] =	vst.idx.msk $0xffff, v9;
	v11 =	vadd.s32 v4, v14  }
0xec: {  	v16 =	vld.idx.msk [tilespmem:v13+s2+$0x0], $0xffff;
	v8 =	vadd.f32 v18, v8;
	[tilespmem:v13+s12+$0x0] =	vst.idx.msk $0xffff, v10;
	v13 =	vadd.s32 v5, v14  }
0xed: {  	v7 =	vadd.f32 v19, v7;
	v19 =	vshll.u32 v17, $0x3  }
0xee: {  	v18 =	vld.idx.msk [tilespmem:v12+s2+$0x0], $0xffff;
	[tilespmem:v12+s12+$0x0] =	vst.idx.msk $0xffff, v8;
	v12 =	vadd.s32 v6, v14;
	v14 =	vand.u32 $0x7F, v17;
	v17 =	vand.u32 $0xFFFFFC00, v19  }
0xef: {  	v14 =	vor.u32 v14, v17  }
0xf0: {  	v19 =	vld.idx.msk [tilespmem:v11+s2+$0x0], $0xffff;
	v9 =	vadd.f32 v15, v9;
	[tilespmem:v11+s12+$0x0] =	vst.idx.msk $0xffff, v7;
	v11 =	vadd.s32 v3, v14  }
0xf1: {  	v15 =	vld.idx.msk [tilespmem:v13+s2+$0x0], $0xffff  }
0xf2: {  	v10 =	vadd.f32 v16, v10;
	[tilespmem:v13+s12+$0x0] =	vst.idx.msk $0xffff, v9;
	v13 =	vadd.s32 v4, v14  }
0xf3: {  	v8 =	vadd.f32 v18, v8  }
0xf4: {  	v16 =	vld.idx.msk [tilespmem:v12+s2+$0x0], $0xffff;
	[tilespmem:v12+s12+$0x0] =	vst.idx.msk $0xffff, v10;
	v12 =	vadd.s32 v5, v14;
	v18 =	vadd.s32 s19, v2  }
0xf5: {  	v7 =	vadd.f32 v19, v7;
	v17 =	vld.idx.msk [tilespmem:v11+s2+$0x0], $0xffff;
	[tilespmem:v11+s12+$0x0] =	vst.idx.msk $0xffff, v8;
	v11 =	vadd.s32 v6, v14;
	v14 =	vmov s19  }
0xf6: {  	v19 =	vshll.u32 v18, $0x3;
	v9 =	vadd.f32 v15, v9;
	vm0 =	vgt.s32 v14, v0  }
0xf7: {  	v15 =	vld.idx.msk [tilespmem:v13+s2+$0x0], $0xffff;
	[tilespmem:v13+s12+$0x0] =	vst.idx.msk $0xffff, v7;
	vm1 =	vlt.u32 v14, v1;
	v13 =	vand.u32 $0x7F, v18;
	v14 =	vand.u32 $0xFFFFFC00, v19  }
0xf8: {  	vm0 =	vmand vm0, vm1;
	v13 =	vor.u32 v13, v14  }
0xf9: {  	v18 =	vld.idx.msk [tilespmem:v12+s2+$0x0], $0xffff;
	[tilespmem:v12+s12+$0x0] =	vst.idx.msk $0xffff, v9;
	v12 =	vadd.s32 v3, v13  }
0xfa: {  	vm1 =	vmmov vm0;
	v14 =	vld.idx.msk [tilespmem:v11+s2+$0x0], $0xffff  }
0xfb: {  	v10 =	vadd.f32 v16, v10;
	v16 =	vadd.s32 v4, v13;
	_ =	sdelay $0x1  }
0xfc: {  	s30 =	simm.s32 $0x101;
	[tilespmem:v11+s12+$0x0] =	vst.idx.msk $0xffff, v10;
	v8 =	vadd.f32 v17, v8;
	v17 =	vadd.s32 v5, v13  }
0xfd: {  	v11 =	vadd.f32 v15, v7;
	v15 =	vld.idx.msk [tilespmem:v12+s2+$0x0], vm0;
	v18 =	vadd.f32 v18, v9;
	v9 =	vadd.s32 s30, v2  }
0xfe: {  	v13 =	vadd.s32 v6, v13;
	[tilespmem:v12+s12+$0x0] =	vst.idx.msk vm0, v8;
	v7 =	vadd.f32 v14, v10;
	v14 =	vshll.u32 v9, $0x3  }
0xff: {  	v19 =	vld.idx.msk [tilespmem:v16+s2+$0x0], vm1;
	[tilespmem:v16+s12+$0x0] =	vst.idx.msk vm1, v11;
	v10 =	vmov s30;
	v9 =	vand.u32 $0x7F, v9;
	v12 =	vand.u32 $0xFFFFFC00, v14  }
0x100: {  	vm0 =	vgt.s32 v10, v0;
	vm2 =	vlt.u32 v10, v1;
	v10 =	vor.u32 v9, v12  }
0x101: {  	vm3 =	vmmov vm1;
	v20 =	vld.idx.msk [tilespmem:v17+s2+$0x0], vm1;
	vm4 =	vmand vm0, vm2;
	v12 =	vadd.s32 v3, v10  }
0x102: {  	s31 =	simm.s32 $0x102;
	[tilespmem:v17+s12+$0x0] =	vst.idx.msk vm1, v18;
	v9 =	vnsel vm3, $0x0, v15;
	vm0 =	vmmov vm4;
	v16 =	vadd.s32 v4, v10  }
0x103: {  	v21 =	vld.idx.msk [tilespmem:v13+s2+$0x0], vm1;
	v14 =	vadd.s32 v5, v10;
	v8 =	vadd.f32 v9, v8;
	v9 =	vmov s31  }
0x104: {  	[tilespmem:v13+s12+$0x0] =	vst.idx.msk vm1, v7;
	v13 =	vadd.s32 v6, v10;
	v10 =	vnsel vm3, $0x0, v19;
	vm2 =	vgt.s32 v9, v0  }
0x105: {  	vm5 =	vlt.u32 v9, v1;
	v9 =	vadd.s32 s31, v2;
	v10 =	vadd.f32 v10, v11  }
0x106: {  	v11 =	vnsel vm3, $0x0, v20;
	v15 =	vand.u32 $0x7F, v9;
	v9 =	vshll.u32 v9, $0x3  }
0x107: {  	vm6 =	vmmov vm0;
	v11 =	vadd.f32 v11, v18;
	v9 =	vand.u32 $0xFFFFFC00, v9  }
0x108: {  	vm2 =	vmand vm2, vm5;
	v9 =	vor.u32 v15, v9;
	v15 =	vld.idx.msk [tilespmem:v12+s2+$0x0], vm4;
	[tilespmem:v12+s12+$0x0] =	vst.idx.msk vm4, v8;
	vm4 =	vmmov vm0  }
0x109: {  	v18 =	vnsel vm3, $0x0, v21;
	vm5 =	vmmov vm0;
	vm3 =	vmmov vm0;
	_ =	sdelay $0x1  }
0x10a: {  	v17 =	vadd.s32 v3, v9  }
0x10b: {  	s18 =	simm.s32 $0x103;
	vm1 =	vmmov vm0;
	v12 =	vmov v17  }
.LBB2_6:
0x10c: {  	p0 =	sne.s32 s18, $0x10E;
	v15 =	vnsel vm1, $0x0, v15;
	v19 =	vld.idx.msk [tilespmem:v16+s2+$0x0], vm0;
	[tilespmem:v16+s12+$0x0] =	vst.idx.msk vm0, v10;
	v7 =	vadd.f32 v18, v7;
	vm0 =	vmmov vm2  }
0x10d: {  	v8 =	vadd.f32 v15, v8;
	v18 =	vld.idx.msk [tilespmem:v14+s2+$0x0], vm6;
	[tilespmem:v14+s12+$0x0] =	vst.idx.msk vm4, v11;
	vm4 =	vmmov vm2;
	vm6 =	vmmov vm2  }
0x10e: {  	v14 =	vmov s18;
	v20 =	vld.idx.msk [tilespmem:v13+s2+$0x0], vm5;
	[tilespmem:v13+s12+$0x0] =	vst.idx.msk vm3, v7;
	vm3 =	vmmov vm2;
	vm5 =	vmmov vm2  }
0x10f: {  	vm7 =	vgt.s32 v14, v0;
	vm8 =	vlt.u32 v14, v1;
	v13 =	vadd.s32 s18, v2;
	v15 =	vld.idx.msk [tilespmem:v17+s2+$0x0], vm2  }
.Ltmp2:
0x110: {  	v16 =	vadd.s32 v4, v9;
	v17 =	vand.u32 $0x7F, v13;
	v13 =	vshll.u32 v13, $0x3;
	(pc) =	sbr.rel @p0 .LBB2_6-.Ltmp2, $4  }
0x111: {  	v14 =	vadd.s32 v5, v9;
	vm2 =	vmand vm7, vm8;
	v21 =	vand.u32 $0xFFFFFC00, v13  }
0x112: {  	v13 =	vadd.s32 v6, v9;
	v9 =	vor.u32 v17, v21;
	v19 =	vnsel vm1, $0x0, v19  }
0x113: {  	v17 =	vadd.s32 v3, v9;
	v10 =	vadd.f32 v19, v10;
	v18 =	vnsel vm1, $0x0, v18  }
0x114: {  	s18 =	sadd.s32 $0x1, s18;
	v11 =	vadd.f32 v18, v11;
	v18 =	vnsel vm1, $0x0, v20;
	vm1 =	vmmov vm0;
	[tilespmem:v12+s12+$0x0] =	vst.idx.msk vm0, v8;
	v12 =	vmovc v17  }
0x115: {  	_ =	sdelay $0x4  }
0x116: {  	v17 =	vld.idx.msk [tilespmem:v16+s2+$0x0], vm0;
	[tilespmem:v16+s12+$0x0] =	vst.idx.msk vm0, v10  }
0x117: {  	v16 =	vld.idx.msk [tilespmem:v14+s2+$0x0], vm6;
	[tilespmem:v14+s12+$0x0] =	vst.idx.msk vm4, v11  }
0x118: {  	v14 =	vld.idx.msk [tilespmem:v13+s2+$0x0], vm5  }
0x119: {  	v19 =	vadd.s32 v4, v9  }
0x11a: {  	v15 =	vnsel vm1, $0x0, v15;
	v7 =	vadd.f32 v18, v7;
	v18 =	vadd.s32 v5, v9  }
0x11b: {  	v9 =	vadd.s32 v6, v9;
	v8 =	vadd.f32 v15, v8;
	v15 =	vnsel vm1, $0x0, v17  }
0x11c: {  	[tilespmem:v13+s12+$0x0] =	vst.idx.msk vm3, v7;
	v10 =	vadd.f32 v15, v10;
	v13 =	vnsel vm1, $0x0, v16  }
0x11d: {  	s18 =	simm.s32 $0x0;
	[tilespmem:v12+s12+$0x0] =	vst.idx.msk vm2, v8;
	v8 =	vadd.f32 v13, v11;
	v11 =	vnsel vm1, $0x0, v14  }
0x11e: {  	[tilespmem:v19+s12+$0x0] =	vst.idx.msk vm2, v10;
	v7 =	vadd.f32 v11, v7;
	v10 =	vmov s18;
	v11 =	vadd.s32 s18, v2  }
0x11f: {  	vm0 =	vmmov vm2;
	[tilespmem:v18+s12+$0x0] =	vst.idx.msk vm2, v8;
	vm1 =	vgt.s32 v10, v0;
	v8 =	vshll.u32 v11, $0x3  }
0x120: {  	vm0 =	vlt.u32 v10, v1;
	[tilespmem:v9+s12+$0x0] =	vst.idx.msk vm2, v7;
	v7 =	vand.u32 $0x7F, v11;
	v8 =	vand.u32 $0xFFFFFC00, v8  }
0x121: {  	vm1 =	vmand vm1, vm0;
	[hbm4b:s5+s18] =	stream.linear.scatter [tilespmem:s12], [sflag:$0x3], $0x4000, $0x38;
	v8 =	vor.u32 v7, v8;
	[tilespmem:$0x10000] =	vst v63  }
0x122: {  	s30 =	simm.s32 $0x1;
	vm0 =	vmmov vm1;
	v9 =	vadd.s32 v3, v8  }
0x123: {  	v10 =	vadd.s32 v4, v8;
	[tilespmem:s18], [sflag:$0x1] =	stream.linear.gather [hbm4b:s6+s18], $0x4000, $0x38;
	[tilespmem:$0x10000] =	vst v63  }
0x124: {  	v13 =	vadd.s32 s30, v2;
	v12 =	vadd.s32 v5, v8;
	_ =	swait.ge [sflag:s13], $0x4000  }
0x125: {  	v14 =	vmov s30;
	v15 =	vshll.u32 v13, $0x3;
	[sflag:s13] =	ssyncset.done $0x0  }
0x126: {  	vm2 =	vlt.u32 v14, v1;
	v7 =	vimm.f32 $0.0e+00;
	v16 =	vadd.s32 v6, v8;
	[sflag:s13] =	ssyncadd.s32 $0xFFFFC000  }
0x127: {  	v8 =	vand.u32 $0x7F, v13;
	v11 =	vld.idx.msk [tilespmem:v9+s10+$0x0], vm1;
	[tilespmem:v9+s14+$0x0] =	vst.idx.msk vm1, v7;
	vm1 =	vgt.s32 v14, v0;
	v9 =	vand.u32 $0xFFFFFC00, v15  }
0x128: {  	s31 =	simm.s32 $0x2;
	vm3 =	vmmov vm0;
	v13 =	vld.idx.msk [tilespmem:v10+s10+$0x0], vm0;
	v9 =	vor.u32 v8, v9;
	[tilespmem:v10+s14+$0x0] =	vst.idx.msk vm0, v7;
	vm4 =	vmand vm1, vm2  }
0x129: {  	v10 =	vmov s31;
	v18 =	vadd.s32 v3, v9;
	v19 =	vld.idx.msk [tilespmem:v12+s10+$0x0], vm0;
	vm1 =	vmmov vm4  }
0x12a: {  	[tilespmem:v12+s14+$0x0] =	vst.idx.msk vm0, v7;
	vm2 =	vgt.s32 v10, v0;
	vm5 =	vlt.u32 v10, v1;
	v10 =	vadd.s32 s31, v2  }
0x12b: {  	v17 =	vadd.s32 v4, v9;
	v15 =	vadd.s32 v5, v9;
	v14 =	vadd.s32 v6, v9;
	v12 =	vld.idx.msk [tilespmem:v16+s10+$0x0], vm0  }
0x12c: {  	v8 =	vnsel vm3, $0x0, v11;
	v11 =	vand.u32 $0x7F, v10;
	v10 =	vshll.u32 v10, $0x3  }
0x12d: {  	vm2 =	vmand vm2, vm5;
	v8 =	vadd.f32 v8, v7;
	v10 =	vand.u32 $0xFFFFFC00, v10  }
0x12e: {  	[tilespmem:v16+s14+$0x0] =	vst.idx.msk vm0, v7;
	vm6 =	vmmov vm1;
	v9 =	vnsel vm3, $0x0, v13;
	v10 =	vor.u32 v11, v10  }
0x12f: {  	vm5 =	vmmov vm1;
	v16 =	vld.idx.msk [tilespmem:v18+s10+$0x0], vm4;
	v11 =	vadd.f32 v9, v7;
	[tilespmem:v18+s14+$0x0] =	vst.idx.msk vm4, v8;
	vm4 =	vmmov vm1  }
0x130: {  	v9 =	vnsel vm3, $0x0, v19;
	v18 =	vnsel vm3, $0x0, v12;
	vm3 =	vmmov vm1;
	_ =	sdelay $0x1  }
0x131: {  	v13 =	vadd.s32 v3, v10  }
0x132: {  	s18 =	simm.s32 $0x3;
	vm0 =	vmmov vm1;
	v9 =	vadd.f32 v9, v7;
	v12 =	vmov v13  }
.LBB2_8:
0x133: {  	p0 =	sne.s32 s18, $0xF;
	v16 =	vnsel vm0, $0x0, v16;
	v19 =	vld.idx.msk [tilespmem:v17+s10+$0x0], vm1;
	[tilespmem:v17+s14+$0x0] =	vst.idx.msk vm1, v11;
	v7 =	vadd.f32 v18, v7;
	vm1 =	vmmov vm2  }
0x134: {  	v8 =	vadd.f32 v16, v8;
	v18 =	vld.idx.msk [tilespmem:v15+s10+$0x0], vm6;
	[tilespmem:v15+s14+$0x0] =	vst.idx.msk vm4, v9;
	vm4 =	vmmov vm2;
	vm6 =	vmmov vm2  }
0x135: {  	v15 =	vmov s18;
	v20 =	vld.idx.msk [tilespmem:v14+s10+$0x0], vm5;
	[tilespmem:v14+s14+$0x0] =	vst.idx.msk vm3, v7;
	vm3 =	vmmov vm2;
	vm5 =	vmmov vm2  }
0x136: {  	vm7 =	vgt.s32 v15, v0;
	vm8 =	vlt.u32 v15, v1;
	v14 =	vadd.s32 s18, v2;
	v16 =	vld.idx.msk [tilespmem:v13+s10+$0x0], vm2  }
.Ltmp3:
0x137: {  	v17 =	vadd.s32 v4, v10;
	v13 =	vand.u32 $0x7F, v14;
	v14 =	vshll.u32 v14, $0x3;
	(pc) =	sbr.rel @p0 .LBB2_8-.Ltmp3, $4  }
0x138: {  	v15 =	vadd.s32 v5, v10;
	vm2 =	vmand vm7, vm8;
	v21 =	vand.u32 $0xFFFFFC00, v14  }
0x139: {  	v14 =	vadd.s32 v6, v10;
	v10 =	vor.u32 v13, v21;
	v19 =	vnsel vm0, $0x0, v19  }
0x13a: {  	v13 =	vadd.s32 v3, v10;
	v11 =	vadd.f32 v19, v11;
	v18 =	vnsel vm0, $0x0, v18  }
0x13b: {  	s18 =	sadd.s32 $0x1, s18;
	v9 =	vadd.f32 v18, v9;
	v18 =	vnsel vm0, $0x0, v20;
	vm0 =	vmmov vm1;
	[tilespmem:v12+s14+$0x0] =	vst.idx.msk vm1, v8;
	v12 =	vmovc v13  }
0x13c: {  	_ =	sdelay $0x4  }
0x13d: {  	v19 =	vld.idx.msk [tilespmem:v17+s10+$0x0], vm1  }
0x13e: {  	[tilespmem:v17+s14+$0x0] =	vst.idx.msk vm1, v11;
	v7 =	vadd.f32 v18, v7  }
0x13f: {  	v17 =	vld.idx.msk [tilespmem:v15+s10+$0x0], vm6;
	[tilespmem:v15+s14+$0x0] =	vst.idx.msk vm4, v9;
	v15 =	vadd.s32 v4, v10  }
0x140: {  	v16 =	vnsel vm0, $0x0, v16;
	s18 =	simm.s32 $0x10;
	v18 =	vld.idx.msk [tilespmem:v14+s10+$0x0], vm5;
	[tilespmem:v14+s14+$0x0] =	vst.idx.msk vm3, v7  }
0x141: {  	v8 =	vadd.f32 v16, v8;
	v16 =	vadd.s32 s18, v2;
	v14 =	vadd.s32 v5, v10;
	v13 =	vld.idx.msk [tilespmem:v13+s10+$0x0], vm2  }
0x142: {  	v10 =	vadd.s32 v6, v10;
	v20 =	vshll.u32 v16, $0x3;
	v19 =	vnsel vm0, $0x0, v19  }
0x143: {  	[tilespmem:v12+s14+$0x0] =	vst.idx.msk vm2, v8;
	v12 =	vand.u32 $0x7F, v16;
	v16 =	vand.u32 $0xFFFFFC00, v20;
	v11 =	vadd.f32 v19, v11  }
0x144: {  	vm14 =	vmmov vm2;
	v12 =	vor.u32 v12, v16;
	v17 =	vnsel vm0, $0x0, v17;
	v19 =	vld.idx.msk [tilespmem:v15+s10+$0x0], vm2  }
0x145: {  	vm15 =	vmmov vm14;
	v9 =	vadd.f32 v17, v9;
	[tilespmem:v15+s14+$0x0] =	vst.idx.msk vm2, v11;
	v15 =	vadd.s32 v3, v12  }
0x146: {  	v16 =	vnsel vm0, $0x0, v18;
	v13 =	vnsel vm15, $0x0, v13  }
0x147: {  	s24 =	simm.s32 $0x11;
	v7 =	vadd.f32 v16, v7;
	v17 =	vld.idx.msk [tilespmem:v14+s10+$0x0], vm2;
	[tilespmem:v14+s14+$0x0] =	vst.idx.msk vm2, v9;
	v14 =	vadd.s32 v4, v12  }
0x148: {  	v18 =	vadd.s32 s24, v2;
	v8 =	vadd.f32 v13, v8;
	v13 =	vld.idx.msk [tilespmem:v10+s10+$0x0], vm2  }
0x149: {  	v16 =	vadd.s32 v5, v12;
	[tilespmem:v10+s14+$0x0] =	vst.idx.msk vm2, v7;
	v10 =	vnsel vm15, $0x0, v19;
	v19 =	vshll.u32 v18, $0x3  }
0x14a: {  	v10 =	vadd.f32 v10, v11;
	v11 =	vld.idx.msk [tilespmem:v15+s10+$0x0], $0xffff;
	[tilespmem:v15+s14+$0x0] =	vst.idx.msk $0xffff, v8;
	v15 =	vand.u32 $0x7F, v18;
	v18 =	vand.u32 $0xFFFFFC00, v19  }
0x14b: {  	v12 =	vadd.s32 v6, v12;
	v15 =	vor.u32 v15, v18  }
0x14c: {  	v17 =	vnsel vm15, $0x0, v17;
	v19 =	vld.idx.msk [tilespmem:v14+s10+$0x0], $0xffff;
	[tilespmem:v14+s14+$0x0] =	vst.idx.msk $0xffff, v10;
	v14 =	vadd.s32 v3, v15  }
0x14d: {  	v9 =	vadd.f32 v17, v9;
	v13 =	vnsel vm15, $0x0, v13  }
0x14e: {  	v17 =	vld.idx.msk [tilespmem:v16+s10+$0x0], $0xffff;
	v7 =	vadd.f32 v13, v7  }
0x14f: {  	s25 =	simm.s32 $0x12;
	v13 =	vadd.s32 v4, v15;
	[tilespmem:v16+s14+$0x0] =	vst.idx.msk $0xffff, v9;
	v8 =	vadd.f32 v11, v8  }
0x150: {  	v16 =	vld.idx.msk [tilespmem:v12+s10+$0x0], $0xffff;
	[tilespmem:v12+s14+$0x0] =	vst.idx.msk $0xffff, v7;
	v11 =	vadd.s32 v5, v15;
	v12 =	vadd.s32 s25, v2  }
0x151: {  	v62 =	vand.u32 $0x7F, v12;
	v12 =	vshll.u32 v12, $0x3;
	v18 =	vld.idx.msk [tilespmem:v14+s10+$0x0], $0xffff;
	[tilespmem:v14+s14+$0x0] =	vst.idx.msk $0xffff, v8;
	v14 =	vadd.s32 v6, v15  }
0x152: {  	v10 =	vadd.f32 v19, v10;
	v12 =	vand.u32 $0xFFFFFC00, v12  }
0x153: {  	v9 =	vadd.f32 v17, v9;
	v12 =	vor.u32 v62, v12  }
0x154: {  	v15 =	vld.idx.msk [tilespmem:v13+s10+$0x0], $0xffff;
	[tilespmem:v13+s14+$0x0] =	vst.idx.msk $0xffff, v10;
	v13 =	vadd.s32 v3, v12  }
0x155: {  	v17 =	vld.idx.msk [tilespmem:v11+s10+$0x0], $0xffff;
	v7 =	vadd.f32 v16, v7;
	[tilespmem:v11+s14+$0x0] =	vst.idx.msk $0xffff, v9;
	v11 =	vadd.s32 v4, v12  }
0x156: {  	s26 =	simm.s32 $0x13;
	v16 =	vld.idx.msk [tilespmem:v14+s10+$0x0], $0xffff  }
0x157: {  	v8 =	vadd.f32 v18, v8;
	[tilespmem:v14+s14+$0x0] =	vst.idx.msk $0xffff, v7;
	v14 =	vadd.s32 v5, v12;
	v18 =	vadd.s32 s26, v2  }
0x158: {  	v12 =	vadd.s32 v6, v12;
	v19 =	vshll.u32 v18, $0x3  }
0x159: {  	v10 =	vadd.f32 v15, v10;
	v15 =	vld.idx.msk [tilespmem:v13+s10+$0x0], $0xffff;
	[tilespmem:v13+s14+$0x0] =	vst.idx.msk $0xffff, v8;
	v13 =	vand.u32 $0x7F, v18;
	v18 =	vand.u32 $0xFFFFFC00, v19  }
0x15a: {  	v19 =	vld.idx.msk [tilespmem:v11+s10+$0x0], $0xffff;
	v13 =	vor.u32 v13, v18;
	v9 =	vadd.f32 v17, v9  }
0x15b: {  	[tilespmem:v11+s14+$0x0] =	vst.idx.msk $0xffff, v10;
	v11 =	vadd.s32 v3, v13  }
0x15c: {  	v17 =	vld.idx.msk [tilespmem:v14+s10+$0x0], $0xffff;
	v7 =	vadd.f32 v16, v7;
	[tilespmem:v14+s14+$0x0] =	vst.idx.msk $0xffff, v9;
	v14 =	vadd.s32 v4, v13  }
0x15d: {  	s28 =	simm.s32 $0x14;
	v16 =	vld.idx.msk [tilespmem:v12+s10+$0x0], $0xffff  }
0x15e: {  	v8 =	vadd.f32 v15, v8;
	[tilespmem:v12+s14+$0x0] =	vst.idx.msk $0xffff, v7;
	v12 =	vadd.s32 v5, v13;
	v15 =	vadd.s32 s28, v2  }
0x15f: {  	v10 =	vadd.f32 v19, v10;
	v19 =	vshll.u32 v15, $0x3  }
0x160: {  	v18 =	vld.idx.msk [tilespmem:v11+s10+$0x0], $0xffff;
	[tilespmem:v11+s14+$0x0] =	vst.idx.msk $0xffff, v8;
	v11 =	vadd.s32 v6, v13;
	v13 =	vand.u32 $0x7F, v15;
	v15 =	vand.u32 $0xFFFFFC00, v19  }
0x161: {  	v19 =	vld.idx.msk [tilespmem:v14+s10+$0x0], $0xffff;
	v13 =	vor.u32 v13, v15;
	v9 =	vadd.f32 v17, v9  }
0x162: {  	[tilespmem:v14+s14+$0x0] =	vst.idx.msk $0xffff, v10;
	v14 =	vadd.s32 v3, v13  }
0x163: {  	s29 =	simm.s32 $0x15;
	v7 =	vadd.f32 v16, v7;
	v15 =	vld.idx.msk [tilespmem:v12+s10+$0x0], $0xffff;
	[tilespmem:v12+s14+$0x0] =	vst.idx.msk $0xffff, v9;
	v12 =	vadd.s32 v4, v13  }
0x164: {  	v17 =	vadd.s32 s29, v2  }
0x165: {  	v16 =	vld.idx.msk [tilespmem:v11+s10+$0x0], $0xffff;
	v8 =	vadd.f32 v18, v8;
	[tilespmem:v11+s14+$0x0] =	vst.idx.msk $0xffff, v7;
	v11 =	vadd.s32 v5, v13  }
0x166: {  	v10 =	vadd.f32 v19, v10;
	v19 =	vshll.u32 v17, $0x3  }
0x167: {  	v13 =	vadd.s32 v6, v13;
	v18 =	vld.idx.msk [tilespmem:v14+s10+$0x0], $0xffff;
	[tilespmem:v14+s14+$0x0] =	vst.idx.msk $0xffff, v8;
	v14 =	vand.u32 $0x7F, v17;
	v17 =	vand.u32 $0xFFFFFC00, v19  }
0x168: {  	v19 =	vld.idx.msk [tilespmem:v12+s10+$0x0], $0xffff;
	v14 =	vor.u32 v14, v17;
	v9 =	vadd.f32 v15, v9  }
0x169: {  	[tilespmem:v12+s14+$0x0] =	vst.idx.msk $0xffff, v10;
	v12 =	vadd.s32 v3, v14  }
0x16a: {  	s30 =	simm.s32 $0x16;
	v15 =	vld.idx.msk [tilespmem:v11+s10+$0x0], $0xffff;
	v7 =	vadd.f32 v16, v7;
	[tilespmem:v11+s14+$0x0] =	vst.idx.msk $0xffff, v9;
	v11 =	vadd.s32 v4, v14  }
0x16b: {  	v17 =	vadd.s32 s30, v2  }
0x16c: {  	v16 =	vld.idx.msk [tilespmem:v13+s10+$0x0], $0xffff;
	v8 =	vadd.f32 v18, v8;
	[tilespmem:v13+s14+$0x0] =	vst.idx.msk $0xffff, v7;
	v13 =	vadd.s32 v5, v14  }
0x16d: {  	v10 =	vadd.f32 v19, v10;
	v19 =	vshll.u32 v17, $0x3  }
0x16e: {  	v18 =	vld.idx.msk [tilespmem:v12+s10+$0x0], $0xffff;
	[tilespmem:v12+s14+$0x0] =	vst.idx.msk $0xffff, v8;
	v12 =	vadd.s32 v6, v14;
	v14 =	vand.u32 $0x7F, v17;
	v17 =	vand.u32 $0xFFFFFC00, v19  }
0x16f: {  	v19 =	vld.idx.msk [tilespmem:v11+s10+$0x0], $0xffff;
	v14 =	vor.u32 v14, v17  }
0x170: {  	v9 =	vadd.f32 v15, v9;
	[tilespmem:v11+s14+$0x0] =	vst.idx.msk $0xffff, v10;
	v11 =	vadd.s32 v3, v14  }
0x171: {  	s31 =	simm.s32 $0x17;
	v7 =	vadd.f32 v16, v7;
	v15 =	vld.idx.msk [tilespmem:v13+s10+$0x0], $0xffff  }
0x172: {  	v17 =	vadd.s32 s31, v2;
	[tilespmem:v13+s14+$0x0] =	vst.idx.msk $0xffff, v9;
	v13 =	vadd.s32 v4, v14  }
0x173: {  	v16 =	vld.idx.msk [tilespmem:v12+s10+$0x0], $0xffff;
	v8 =	vadd.f32 v18, v8;
	[tilespmem:v12+s14+$0x0] =	vst.idx.msk $0xffff, v7;
	v12 =	vadd.s32 v5, v14  }
0x174: {  	v10 =	vadd.f32 v19, v10;
	v19 =	vshll.u32 v17, $0x3  }
0x175: {  	v18 =	vld.idx.msk [tilespmem:v11+s10+$0x0], $0xffff;
	[tilespmem:v11+s14+$0x0] =	vst.idx.msk $0xffff, v8;
	v11 =	vadd.s32 v6, v14;
	v14 =	vand.u32 $0x7F, v17;
	v17 =	vand.u32 $0xFFFFFC00, v19  }
0x176: {  	v14 =	vor.u32 v14, v17;
	v9 =	vadd.f32 v15, v9  }
0x177: {  	v19 =	vld.idx.msk [tilespmem:v13+s10+$0x0], $0xffff;
	[tilespmem:v13+s14+$0x0] =	vst.idx.msk $0xffff, v10;
	v13 =	vadd.s32 v3, v14  }
0x178: {  	v15 =	vld.idx.msk [tilespmem:v12+s10+$0x0], $0xffff;
	[tilespmem:v12+s14+$0x0] =	vst.idx.msk $0xffff, v9;
	v12 =	vadd.s32 v4, v14  }
0x179: {  	s18 =	simm.s32 $0x18;
	v7 =	vadd.f32 v16, v7  }
0x17a: {  	v17 =	vadd.s32 s18, v2;
	v8 =	vadd.f32 v18, v8  }
0x17b: {  	v16 =	vld.idx.msk [tilespmem:v11+s10+$0x0], $0xffff;
	[tilespmem:v11+s14+$0x0] =	vst.idx.msk $0xffff, v7;
	v11 =	vadd.s32 v5, v14;
	v18 =	vshll.u32 v17, $0x3  }
0x17c: {  	v19 =	vadd.f32 v19, v10;
	v10 =	vand.u32 $0x7F, v17;
	v17 =	vand.u32 $0xFFFFFC00, v18;
	v63 =	vld.idx.msk [tilespmem:v13+s10+$0x0], $0xffff;
	[tilespmem:v13+s14+$0x0] =	vst.idx.msk $0xffff, v8  }
0x17d: {  	v13 =	vadd.s32 v6, v14;
	v18 =	vor.u32 v10, v17;
	v17 =	vld.idx.msk [tilespmem:v12+s10+$0x0], $0xffff;
	_ =	sdelay $0x1  }
0x17e: {  	v9 =	vadd.f32 v15, v9;
	v15 =	vadd.s32 v3, v18  }
0x17f: {  	s19 =	simm.s32 $0x19;
	[tilespmem:v12+s14+$0x0] =	vst.idx.msk $0xffff, v19;
	v22 =	vadd.s32 v4, v18  }
0x180: {  	v21 =	vld.idx.msk [tilespmem:v11+s10+$0x0], $0xffff;
	v10 =	vadd.f32 v16, v7;
	[tilespmem:v11+s14+$0x0] =	vst.idx.msk $0xffff, v9;
	v11 =	vadd.s32 s19, v2  }
0x181: {  	v14 =	vld.idx.msk [tilespmem:v13+s10+$0x0], $0xffff;
	v8 =	vadd.f32 v63, v8;
	v7 =	vadd.f32 v17, v19;
	v17 =	vadd.s32 v5, v18  }
0x182: {  	[tilespmem:v13+s14+$0x0] =	vst.idx.msk $0xffff, v10;
	v13 =	vshll.u32 v11, $0x3  }
0x183: {  	v16 =	vadd.s32 v6, v18;
	v11 =	vand.u32 $0x7F, v11;
	v12 =	vld.idx.msk [tilespmem:v15+s10+$0x0], $0xffff;
	[tilespmem:v15+s14+$0x0] =	vst.idx.msk $0xffff, v8;
	v15 =	vand.u32 $0xFFFFFC00, v13  }
0x184: {  	v11 =	vor.u32 v11, v15  }
0x185: {  	s19 =	simm.s32 $0x20;
	v13 =	vld.idx.msk [tilespmem:v22+s10+$0x0], $0xffff;
	v9 =	vadd.f32 v21, v9;
	[tilespmem:v22+s14+$0x0] =	vst.idx.msk $0xffff, v7;
	v15 =	vadd.s32 v3, v11  }
.LBB2_10:
0x186: {  	p0 =	slt.u32 s19, $0xF8;
	v18 =	vld.idx.msk [tilespmem:v17+s10+$0x0], $0xffff;
	v10 =	vadd.f32 v14, v10;
	s20 =	smov.u32 s19;
	s19 =	sadd.s32 $0x8, s19  }
0x187: {  	v14 =	vadd.s32 v4, v11;
	[tilespmem:v17+s14+$0x0] =	vst.idx.msk $0xffff, v9  }
0x188: {  	s21 =	sadd.s32 $0x2, s18;
	v17 =	vld.idx.msk [tilespmem:v16+s10+$0x0], $0xffff  }
0x189: {  	v8 =	vadd.f32 v12, v8;
	v12 =	vadd.s32 v5, v11;
	[tilespmem:v16+s14+$0x0] =	vst.idx.msk $0xffff, v10;
	v16 =	vadd.s32 s21, v2  }
0x18a: {  	v19 =	vld.idx.msk [tilespmem:v15+s10+$0x0], $0xffff;
	v20 =	vand.u32 $0x7F, v16;
	v16 =	vshll.u32 v16, $0x3  }
0x18b: {  	v11 =	vadd.s32 v6, v11;
	v7 =	vadd.f32 v13, v7;
	[tilespmem:v15+s14+$0x0] =	vst.idx.msk $0xffff, v8;
	v13 =	vand.u32 $0xFFFFFC00, v16  }
0x18c: {  	v15 =	vld.idx.msk [tilespmem:v14+s10+$0x0], $0xffff;
	v13 =	vor.u32 v20, v13  }
0x18d: {  	v9 =	vadd.f32 v18, v9;
	[tilespmem:v14+s14+$0x0] =	vst.idx.msk $0xffff, v7;
	v14 =	vadd.s32 v3, v13  }
0x18e: {  	v16 =	vld.idx.msk [tilespmem:v12+s10+$0x0], $0xffff  }
0x18f: {  	v10 =	vadd.f32 v17, v10;
	[tilespmem:v12+s14+$0x0] =	vst.idx.msk $0xffff, v9;
	v12 =	vadd.s32 v4, v13  }
0x190: {  	s21 =	sadd.s32 $0x3, s18;
	v8 =	vadd.f32 v19, v8;
	v17 =	vld.idx.msk [tilespmem:v11+s10+$0x0], $0xffff  }
0x191: {  	v18 =	vadd.s32 s21, v2;
	[tilespmem:v11+s14+$0x0] =	vst.idx.msk $0xffff, v10;
	v11 =	vadd.s32 v5, v13  }
0x192: {  	v19 =	vshll.u32 v18, $0x3;
	v7 =	vadd.f32 v15, v7;
	v15 =	vld.idx.msk [tilespmem:v14+s10+$0x0], $0xffff  }
0x193: {  	v13 =	vadd.s32 v6, v13;
	[tilespmem:v14+s14+$0x0] =	vst.idx.msk $0xffff, v8;
	v14 =	vand.u32 $0x7F, v18;
	v18 =	vand.u32 $0xFFFFFC00, v19  }
0x194: {  	v9 =	vadd.f32 v16, v9;
	v16 =	vld.idx.msk [tilespmem:v12+s10+$0x0], $0xffff;
	v14 =	vor.u32 v14, v18  }
0x195: {  	[tilespmem:v12+s14+$0x0] =	vst.idx.msk $0xffff, v7;
	v12 =	vadd.s32 v3, v14  }
0x196: {  	v10 =	vadd.f32 v17, v10;
	v17 =	vld.idx.msk [tilespmem:v11+s10+$0x0], $0xffff  }
0x197: {  	[tilespmem:v11+s14+$0x0] =	vst.idx.msk $0xffff, v9;
	v11 =	vadd.s32 v4, v14  }
0x198: {  	s21 =	sadd.s32 $0x4, s18;
	v8 =	vadd.f32 v15, v8;
	v15 =	vld.idx.msk [tilespmem:v13+s10+$0x0], $0xffff  }
0x199: {  	v18 =	vadd.s32 s21, v2;
	[tilespmem:v13+s14+$0x0] =	vst.idx.msk $0xffff, v10;
	v13 =	vadd.s32 v5, v14  }
0x19a: {  	v19 =	vshll.u32 v18, $0x3;
	v7 =	vadd.f32 v16, v7;
	v16 =	vld.idx.msk [tilespmem:v12+s10+$0x0], $0xffff  }
0x19b: {  	[tilespmem:v12+s14+$0x0] =	vst.idx.msk $0xffff, v8;
	v12 =	vadd.s32 v6, v14;
	v14 =	vand.u32 $0x7F, v18;
	v18 =	vand.u32 $0xFFFFFC00, v19  }
0x19c: {  	v9 =	vadd.f32 v17, v9;
	v17 =	vld.idx.msk [tilespmem:v11+s10+$0x0], $0xffff;
	v14 =	vor.u32 v14, v18  }
0x19d: {  	[tilespmem:v11+s14+$0x0] =	vst.idx.msk $0xffff, v7;
	v11 =	vadd.s32 v3, v14  }
0x19e: {  	v10 =	vadd.f32 v15, v10;
	v15 =	vld.idx.msk [tilespmem:v13+s10+$0x0], $0xffff  }
0x19f: {  	[tilespmem:v13+s14+$0x0] =	vst.idx.msk $0xffff, v9;
	v13 =	vadd.s32 v4, v14  }
0x1a0: {  	s21 =	sadd.s32 $0x5, s18;
	v8 =	vadd.f32 v16, v8;
	v16 =	vld.idx.msk [tilespmem:v12+s10+$0x0], $0xffff  }
0x1a1: {  	v18 =	vadd.s32 s21, v2;
	[tilespmem:v12+s14+$0x0] =	vst.idx.msk $0xffff, v10;
	v12 =	vadd.s32 v5, v14  }
0x1a2: {  	v19 =	vshll.u32 v18, $0x3;
	v7 =	vadd.f32 v17, v7;
	v17 =	vld.idx.msk [tilespmem:v11+s10+$0x0], $0xffff  }
0x1a3: {  	[tilespmem:v11+s14+$0x0] =	vst.idx.msk $0xffff, v8;
	v11 =	vadd.s32 v6, v14;
	v14 =	vand.u32 $0x7F, v18;
	v18 =	vand.u32 $0xFFFFFC00, v19  }
0x1a4: {  	v9 =	vadd.f32 v15, v9;
	v15 =	vld.idx.msk [tilespmem:v13+s10+$0x0], $0xffff;
	v14 =	vor.u32 v14, v18  }
0x1a5: {  	[tilespmem:v13+s14+$0x0] =	vst.idx.msk $0xffff, v7;
	v13 =	vadd.s32 v3, v14  }
0x1a6: {  	v10 =	vadd.f32 v16, v10;
	v16 =	vld.idx.msk [tilespmem:v12+s10+$0x0], $0xffff  }
0x1a7: {  	[tilespmem:v12+s14+$0x0] =	vst.idx.msk $0xffff, v9;
	v12 =	vadd.s32 v4, v14  }
0x1a8: {  	s21 =	sadd.s32 $0x6, s18;
	v8 =	vadd.f32 v17, v8;
	v17 =	vld.idx.msk [tilespmem:v11+s10+$0x0], $0xffff  }
0x1a9: {  	v18 =	vadd.s32 s21, v2;
	[tilespmem:v11+s14+$0x0] =	vst.idx.msk $0xffff, v10;
	v11 =	vadd.s32 v5, v14  }
0x1aa: {  	v19 =	vshll.u32 v18, $0x3;
	v7 =	vadd.f32 v15, v7;
	v15 =	vld.idx.msk [tilespmem:v13+s10+$0x0], $0xffff  }
0x1ab: {  	[tilespmem:v13+s14+$0x0] =	vst.idx.msk $0xffff, v8;
	v13 =	vadd.s32 v6, v14;
	v14 =	vand.u32 $0x7F, v18;
	v18 =	vand.u32 $0xFFFFFC00, v19  }
0x1ac: {  	v9 =	vadd.f32 v16, v9;
	v16 =	vld.idx.msk [tilespmem:v12+s10+$0x0], $0xffff;
	v14 =	vor.u32 v14, v18  }
0x1ad: {  	[tilespmem:v12+s14+$0x0] =	vst.idx.msk $0xffff, v7;
	v12 =	vadd.s32 v3, v14  }
0x1ae: {  	v10 =	vadd.f32 v17, v10;
	v17 =	vld.idx.msk [tilespmem:v11+s10+$0x0], $0xffff  }
0x1af: {  	[tilespmem:v11+s14+$0x0] =	vst.idx.msk $0xffff, v9;
	v11 =	vadd.s32 v4, v14  }
0x1b0: {  	s21 =	sadd.s32 $0x7, s18;
	s18 =	smov.u32 s20;
	v8 =	vadd.f32 v15, v8;
	v15 =	vld.idx.msk [tilespmem:v13+s10+$0x0], $0xffff  }
0x1b1: {  	v18 =	vadd.s32 s21, v2;
	[tilespmem:v13+s14+$0x0] =	vst.idx.msk $0xffff, v10;
	v13 =	vadd.s32 v5, v14  }
0x1b2: {  	v19 =	vshll.u32 v18, $0x3;
	v7 =	vadd.f32 v16, v7;
	v16 =	vld.idx.msk [tilespmem:v12+s10+$0x0], $0xffff  }
0x1b3: {  	[tilespmem:v12+s14+$0x0] =	vst.idx.msk $0xffff, v8;
	v12 =	vadd.s32 v6, v14;
	v14 =	vand.u32 $0x7F, v18;
	v18 =	vand.u32 $0xFFFFFC00, v19  }
0x1b4: {  	v9 =	vadd.f32 v17, v9;
	v17 =	vld.idx.msk [tilespmem:v11+s10+$0x0], $0xffff;
	v14 =	vor.u32 v14, v18  }
0x1b5: {  	[tilespmem:v11+s14+$0x0] =	vst.idx.msk $0xffff, v7;
	v11 =	vadd.s32 v3, v14  }
0x1b6: {  	v10 =	vadd.f32 v15, v10;
	v15 =	vld.idx.msk [tilespmem:v13+s10+$0x0], $0xffff  }
0x1b7: {  	[tilespmem:v13+s14+$0x0] =	vst.idx.msk $0xffff, v9;
	v13 =	vadd.s32 v4, v14  }
0x1b8: {  	v8 =	vadd.f32 v16, v8;
	v16 =	vld.idx.msk [tilespmem:v12+s10+$0x0], $0xffff  }
0x1b9: {  	v18 =	vadd.s32 s18, v2;
	[tilespmem:v12+s14+$0x0] =	vst.idx.msk $0xffff, v10;
	v12 =	vadd.s32 v5, v14  }
0x1ba: {  	v19 =	vshll.u32 v18, $0x3;
	v7 =	vadd.f32 v17, v7;
	v17 =	vld.idx.msk [tilespmem:v11+s10+$0x0], $0xffff  }
0x1bb: {  	v18 =	vand.u32 $0x7F, v18;
	v19 =	vand.u32 $0xFFFFFC00, v19;
	[tilespmem:v11+s14+$0x0] =	vst.idx.msk $0xffff, v8;
	v11 =	vadd.s32 v6, v14  }
0x1bc: {  	v18 =	vor.u32 v18, v19;
	v9 =	vadd.f32 v15, v9;
	v15 =	vld.idx.msk [tilespmem:v13+s10+$0x0], $0xffff  }
0x1bd: {  	v19 =	vadd.s32 v3, v18;
	[tilespmem:v13+s14+$0x0] =	vst.idx.msk $0xffff, v7  }
0x1be: {  	v20 =	vld.idx.msk [tilespmem:v12+s10+$0x0], $0xffff  }
0x1bf: {  	v21 =	vadd.s32 v4, v18;
	v10 =	vadd.f32 v16, v10;
	[tilespmem:v12+s14+$0x0] =	vst.idx.msk $0xffff, v9  }
0x1c0: {  	s20 =	sadd.s32 $0x1, s18;
	v8 =	vadd.f32 v17, v8;
	v14 =	vld.idx.msk [tilespmem:v11+s10+$0x0], $0xffff  }
.Ltmp4:
0x1c1: {  	v13 =	vadd.s32 s20, v2;
	v17 =	vadd.s32 v5, v18;
	[tilespmem:v11+s14+$0x0] =	vst.idx.msk $0xffff, v10;
	(pc) =	sbr.rel @p0 .LBB2_10-.Ltmp4, $4  }
0x1c2: {  	v11 =	vshll.u32 v13, $0x3;
	v7 =	vadd.f32 v15, v7;
	v12 =	vld.idx.msk [tilespmem:v19+s10+$0x0], $0xffff  }
0x1c3: {  	v16 =	vadd.s32 v6, v18;
	v15 =	vand.u32 $0x7F, v13;
	v11 =	vand.u32 $0xFFFFFC00, v11;
	[tilespmem:v19+s14+$0x0] =	vst.idx.msk $0xffff, v8  }
0x1c4: {  	v11 =	vor.u32 v15, v11;
	v9 =	vadd.f32 v20, v9;
	v13 =	vld.idx.msk [tilespmem:v21+s10+$0x0], $0xffff  }
0x1c5: {  	v15 =	vadd.s32 v3, v11;
	[tilespmem:v21+s14+$0x0] =	vst.idx.msk $0xffff, v7  }
0x1c6: {  	_ =	sdelay $0x3  }
0x1c7: {  	v18 =	vld.idx.msk [tilespmem:v17+s10+$0x0], $0xffff;
	v10 =	vadd.f32 v14, v10;
	[tilespmem:v17+s14+$0x0] =	vst.idx.msk $0xffff, v9  }
0x1c8: {  	v14 =	vadd.s32 v4, v11;
	s19 =	sadd.s32 $0x2, s18;
	v17 =	vld.idx.msk [tilespmem:v16+s10+$0x0], $0xffff  }
0x1c9: {  	v8 =	vadd.f32 v12, v8;
	v12 =	vadd.s32 v5, v11;
	[tilespmem:v16+s14+$0x0] =	vst.idx.msk $0xffff, v10;
	v16 =	vadd.s32 s19, v2  }
0x1ca: {  	v20 =	vand.u32 $0x7F, v16;
	v16 =	vshll.u32 v16, $0x3  }
0x1cb: {  	v11 =	vadd.s32 v6, v11;
	v19 =	vld.idx.msk [tilespmem:v15+s10+$0x0], $0xffff;
	v7 =	vadd.f32 v13, v7;
	v13 =	vand.u32 $0xFFFFFC00, v16  }
0x1cc: {  	[tilespmem:v15+s14+$0x0] =	vst.idx.msk $0xffff, v8;
	v13 =	vor.u32 v20, v13;
	v9 =	vadd.f32 v18, v9  }
0x1cd: {  	v15 =	vld.idx.msk [tilespmem:v14+s10+$0x0], $0xffff;
	[tilespmem:v14+s14+$0x0] =	vst.idx.msk $0xffff, v7;
	v14 =	vadd.s32 v3, v13  }
0x1ce: {  	s23 =	sadd.s32 $0x3, s18;
	v16 =	vld.idx.msk [tilespmem:v12+s10+$0x0], $0xffff;
	v10 =	vadd.f32 v17, v10;
	[tilespmem:v12+s14+$0x0] =	vst.idx.msk $0xffff, v9;
	v12 =	vadd.s32 v4, v13  }
0x1cf: {  	v18 =	vadd.s32 s23, v2  }
0x1d0: {  	v17 =	vld.idx.msk [tilespmem:v11+s10+$0x0], $0xffff;
	v8 =	vadd.f32 v19, v8;
	[tilespmem:v11+s14+$0x0] =	vst.idx.msk $0xffff, v10;
	v11 =	vadd.s32 v5, v13  }
0x1d1: {  	v19 =	vshll.u32 v18, $0x3;
	v13 =	vadd.s32 v6, v13  }
0x1d2: {  	v7 =	vadd.f32 v15, v7;
	v15 =	vld.idx.msk [tilespmem:v14+s10+$0x0], $0xffff;
	[tilespmem:v14+s14+$0x0] =	vst.idx.msk $0xffff, v8;
	v14 =	vand.u32 $0x7F, v18;
	v18 =	vand.u32 $0xFFFFFC00, v19  }
0x1d3: {  	v9 =	vadd.f32 v16, v9;
	v19 =	vld.idx.msk [tilespmem:v12+s10+$0x0], $0xffff;
	v14 =	vor.u32 v14, v18  }
0x1d4: {  	[tilespmem:v12+s14+$0x0] =	vst.idx.msk $0xffff, v7;
	v12 =	vadd.s32 v3, v14  }
0x1d5: {  	v16 =	vld.idx.msk [tilespmem:v11+s10+$0x0], $0xffff;
	v10 =	vadd.f32 v17, v10;
	[tilespmem:v11+s14+$0x0] =	vst.idx.msk $0xffff, v9;
	v11 =	vadd.s32 v4, v14  }
0x1d6: {  	s24 =	sadd.s32 $0x4, s18;
	v17 =	vld.idx.msk [tilespmem:v13+s10+$0x0], $0xffff  }
0x1d7: {  	[tilespmem:v13+s14+$0x0] =	vst.idx.msk $0xffff, v10;
	v13 =	vadd.s32 v5, v14;
	v8 =	vadd.f32 v15, v8;
	v15 =	vadd.s32 s24, v2  }
0x1d8: {  	v7 =	vadd.f32 v19, v7;
	v19 =	vshll.u32 v15, $0x3  }
0x1d9: {  	v18 =	vld.idx.msk [tilespmem:v12+s10+$0x0], $0xffff;
	[tilespmem:v12+s14+$0x0] =	vst.idx.msk $0xffff, v8;
	v12 =	vadd.s32 v6, v14;
	v14 =	vand.u32 $0x7F, v15;
	v15 =	vand.u32 $0xFFFFFC00, v19  }
0x1da: {  	v9 =	vadd.f32 v16, v9;
	v19 =	vld.idx.msk [tilespmem:v11+s10+$0x0], $0xffff;
	v14 =	vor.u32 v14, v15  }
0x1db: {  	[tilespmem:v11+s14+$0x0] =	vst.idx.msk $0xffff, v7;
	v11 =	vadd.s32 v3, v14  }
0x1dc: {  	s25 =	sadd.s32 $0x5, s18;
	v10 =	vadd.f32 v17, v10;
	v15 =	vld.idx.msk [tilespmem:v13+s10+$0x0], $0xffff;
	[tilespmem:v13+s14+$0x0] =	vst.idx.msk $0xffff, v9;
	v13 =	vadd.s32 v4, v14  }
0x1dd: {  	v17 =	vadd.s32 s25, v2  }
0x1de: {  	v16 =	vld.idx.msk [tilespmem:v12+s10+$0x0], $0xffff;
	v8 =	vadd.f32 v18, v8;
	[tilespmem:v12+s14+$0x0] =	vst.idx.msk $0xffff, v10;
	v12 =	vadd.s32 v5, v14  }
0x1df: {  	v7 =	vadd.f32 v19, v7;
	v19 =	vshll.u32 v17, $0x3  }
0x1e0: {  	v18 =	vld.idx.msk [tilespmem:v11+s10+$0x0], $0xffff;
	[tilespmem:v11+s14+$0x0] =	vst.idx.msk $0xffff, v8;
	v11 =	vadd.s32 v6, v14;
	v14 =	vand.u32 $0x7F, v17;
	v17 =	vand.u32 $0xFFFFFC00, v19  }
0x1e1: {  	v9 =	vadd.f32 v15, v9;
	v19 =	vld.idx.msk [tilespmem:v13+s10+$0x0], $0xffff;
	v14 =	vor.u32 v14, v17  }
0x1e2: {  	[tilespmem:v13+s14+$0x0] =	vst.idx.msk $0xffff, v7;
	v13 =	vadd.s32 v3, v14  }
0x1e3: {  	v15 =	vld.idx.msk [tilespmem:v12+s10+$0x0], $0xffff;
	[tilespmem:v12+s14+$0x0] =	vst.idx.msk $0xffff, v9;
	v12 =	vadd.s32 v4, v14  }
0x1e4: {  	s26 =	sadd.s32 $0x6, s18;
	v10 =	vadd.f32 v16, v10  }
0x1e5: {  	v17 =	vadd.s32 s26, v2;
	v16 =	vld.idx.msk [tilespmem:v11+s10+$0x0], $0xffff;
	v8 =	vadd.f32 v18, v8  }
0x1e6: {  	[tilespmem:v11+s14+$0x0] =	vst.idx.msk $0xffff, v10;
	v11 =	vadd.s32 v5, v14;
	v7 =	vadd.f32 v19, v7;
	v19 =	vshll.u32 v17, $0x3  }
0x1e7: {  	v18 =	vld.idx.msk [tilespmem:v13+s10+$0x0], $0xffff;
	[tilespmem:v13+s14+$0x0] =	vst.idx.msk $0xffff, v8;
	v13 =	vadd.s32 v6, v14;
	v14 =	vand.u32 $0x7F, v17;
	v17 =	vand.u32 $0xFFFFFC00, v19  }
0x1e8: {  	v19 =	vld.idx.msk [tilespmem:v12+s10+$0x0], $0xffff;
	v14 =	vor.u32 v14, v17  }
0x1e9: {  	v9 =	vadd.f32 v15, v9;
	[tilespmem:v12+s14+$0x0] =	vst.idx.msk $0xffff, v7;
	v12 =	vadd.s32 v3, v14  }
0x1ea: {  	s28 =	sadd.s32 $0x7, s18;
	v10 =	vadd.f32 v16, v10  }
0x1eb: {  	v17 =	vadd.s32 s28, v2;
	v15 =	vld.idx.msk [tilespmem:v11+s10+$0x0], $0xffff;
	[tilespmem:v11+s14+$0x0] =	vst.idx.msk $0xffff, v9;
	v11 =	vadd.s32 v4, v14  }
0x1ec: {  	v16 =	vld.idx.msk [tilespmem:v13+s10+$0x0], $0xffff;
	v8 =	vadd.f32 v18, v8;
	[tilespmem:v13+s14+$0x0] =	vst.idx.msk $0xffff, v10;
	v13 =	vadd.s32 v5, v14  }
0x1ed: {  	v7 =	vadd.f32 v19, v7;
	v19 =	vshll.u32 v17, $0x3  }
0x1ee: {  	v18 =	vld.idx.msk [tilespmem:v12+s10+$0x0], $0xffff;
	[tilespmem:v12+s14+$0x0] =	vst.idx.msk $0xffff, v8;
	v12 =	vadd.s32 v6, v14;
	v14 =	vand.u32 $0x7F, v17;
	v17 =	vand.u32 $0xFFFFFC00, v19  }
0x1ef: {  	v14 =	vor.u32 v14, v17  }
0x1f0: {  	v19 =	vld.idx.msk [tilespmem:v11+s10+$0x0], $0xffff;
	v9 =	vadd.f32 v15, v9;
	[tilespmem:v11+s14+$0x0] =	vst.idx.msk $0xffff, v7;
	v11 =	vadd.s32 v3, v14  }
0x1f1: {  	v15 =	vld.idx.msk [tilespmem:v13+s10+$0x0], $0xffff  }
0x1f2: {  	v10 =	vadd.f32 v16, v10;
	[tilespmem:v13+s14+$0x0] =	vst.idx.msk $0xffff, v9;
	v13 =	vadd.s32 v4, v14  }
0x1f3: {  	s29 =	simm.s32 $0x100;
	v8 =	vadd.f32 v18, v8  }
0x1f4: {  	v16 =	vld.idx.msk [tilespmem:v12+s10+$0x0], $0xffff;
	[tilespmem:v12+s14+$0x0] =	vst.idx.msk $0xffff, v10;
	v12 =	vadd.s32 v5, v14;
	v18 =	vadd.s32 s29, v2  }
0x1f5: {  	v7 =	vadd.f32 v19, v7;
	v17 =	vld.idx.msk [tilespmem:v11+s10+$0x0], $0xffff;
	[tilespmem:v11+s14+$0x0] =	vst.idx.msk $0xffff, v8;
	v11 =	vadd.s32 v6, v14;
	v14 =	vmov s29  }
0x1f6: {  	v19 =	vshll.u32 v18, $0x3;
	v9 =	vadd.f32 v15, v9;
	vm0 =	vgt.s32 v14, v0  }
0x1f7: {  	v15 =	vld.idx.msk [tilespmem:v13+s10+$0x0], $0xffff;
	[tilespmem:v13+s14+$0x0] =	vst.idx.msk $0xffff, v7;
	vm1 =	vlt.u32 v14, v1;
	v13 =	vand.u32 $0x7F, v18;
	v14 =	vand.u32 $0xFFFFFC00, v19  }
0x1f8: {  	vm0 =	vmand vm0, vm1;
	v13 =	vor.u32 v13, v14  }
0x1f9: {  	v18 =	vld.idx.msk [tilespmem:v12+s10+$0x0], $0xffff;
	[tilespmem:v12+s14+$0x0] =	vst.idx.msk $0xffff, v9;
	v12 =	vadd.s32 v3, v13  }
0x1fa: {  	vm1 =	vmmov vm0;
	v14 =	vld.idx.msk [tilespmem:v11+s10+$0x0], $0xffff  }
0x1fb: {  	v10 =	vadd.f32 v16, v10;
	v16 =	vadd.s32 v4, v13;
	_ =	sdelay $0x1  }
0x1fc: {  	s30 =	simm.s32 $0x101;
	[tilespmem:v11+s14+$0x0] =	vst.idx.msk $0xffff, v10;
	v8 =	vadd.f32 v17, v8;
	v17 =	vadd.s32 v5, v13  }
0x1fd: {  	v11 =	vadd.f32 v15, v7;
	v15 =	vld.idx.msk [tilespmem:v12+s10+$0x0], vm0;
	v18 =	vadd.f32 v18, v9;
	v9 =	vadd.s32 s30, v2  }
0x1fe: {  	v13 =	vadd.s32 v6, v13;
	[tilespmem:v12+s14+$0x0] =	vst.idx.msk vm0, v8;
	v7 =	vadd.f32 v14, v10;
	v14 =	vshll.u32 v9, $0x3  }
0x1ff: {  	v19 =	vld.idx.msk [tilespmem:v16+s10+$0x0], vm1;
	[tilespmem:v16+s14+$0x0] =	vst.idx.msk vm1, v11;
	v10 =	vmov s30;
	v9 =	vand.u32 $0x7F, v9;
	v12 =	vand.u32 $0xFFFFFC00, v14  }
0x200: {  	vm0 =	vgt.s32 v10, v0;
	vm2 =	vlt.u32 v10, v1;
	v10 =	vor.u32 v9, v12  }
0x201: {  	vm3 =	vmmov vm1;
	v20 =	vld.idx.msk [tilespmem:v17+s10+$0x0], vm1;
	vm4 =	vmand vm0, vm2;
	v12 =	vadd.s32 v3, v10  }
0x202: {  	s31 =	simm.s32 $0x102;
	[tilespmem:v17+s14+$0x0] =	vst.idx.msk vm1, v18;
	v9 =	vnsel vm3, $0x0, v15;
	vm0 =	vmmov vm4;
	v16 =	vadd.s32 v4, v10  }
0x203: {  	v21 =	vld.idx.msk [tilespmem:v13+s10+$0x0], vm1;
	v14 =	vadd.s32 v5, v10;
	v8 =	vadd.f32 v9, v8;
	v9 =	vmov s31  }
0x204: {  	[tilespmem:v13+s14+$0x0] =	vst.idx.msk vm1, v7;
	v13 =	vadd.s32 v6, v10;
	v10 =	vnsel vm3, $0x0, v19;
	vm2 =	vgt.s32 v9, v0  }
0x205: {  	vm5 =	vlt.u32 v9, v1;
	v9 =	vadd.s32 s31, v2;
	v10 =	vadd.f32 v10, v11  }
0x206: {  	v11 =	vnsel vm3, $0x0, v20;
	v15 =	vand.u32 $0x7F, v9;
	v9 =	vshll.u32 v9, $0x3  }
0x207: {  	vm6 =	vmmov vm0;
	v11 =	vadd.f32 v11, v18;
	v9 =	vand.u32 $0xFFFFFC00, v9  }
0x208: {  	vm2 =	vmand vm2, vm5;
	v9 =	vor.u32 v15, v9;
	v15 =	vld.idx.msk [tilespmem:v12+s10+$0x0], vm4;
	[tilespmem:v12+s14+$0x0] =	vst.idx.msk vm4, v8;
	vm4 =	vmmov vm0  }
0x209: {  	v18 =	vnsel vm3, $0x0, v21;
	vm5 =	vmmov vm0;
	vm3 =	vmmov vm0;
	_ =	sdelay $0x1  }
0x20a: {  	v17 =	vadd.s32 v3, v9  }
0x20b: {  	s18 =	simm.s32 $0x103;
	vm1 =	vmmov vm0;
	v12 =	vmov v17  }
.LBB2_12:
0x20c: {  	p0 =	sne.s32 s18, $0x10E;
	v15 =	vnsel vm1, $0x0, v15;
	v19 =	vld.idx.msk [tilespmem:v16+s10+$0x0], vm0;
	[tilespmem:v16+s14+$0x0] =	vst.idx.msk vm0, v10;
	v7 =	vadd.f32 v18, v7;
	vm0 =	vmmov vm2  }
0x20d: {  	v8 =	vadd.f32 v15, v8;
	v18 =	vld.idx.msk [tilespmem:v14+s10+$0x0], vm6;
	[tilespmem:v14+s14+$0x0] =	vst.idx.msk vm4, v11;
	vm4 =	vmmov vm2;
	vm6 =	vmmov vm2  }
0x20e: {  	v14 =	vmov s18;
	v20 =	vld.idx.msk [tilespmem:v13+s10+$0x0], vm5;
	[tilespmem:v13+s14+$0x0] =	vst.idx.msk vm3, v7;
	vm3 =	vmmov vm2;
	vm5 =	vmmov vm2  }
0x20f: {  	vm7 =	vgt.s32 v14, v0;
	vm8 =	vlt.u32 v14, v1;
	v13 =	vadd.s32 s18, v2;
	v15 =	vld.idx.msk [tilespmem:v17+s10+$0x0], vm2  }
.Ltmp5:
0x210: {  	v16 =	vadd.s32 v4, v9;
	v17 =	vand.u32 $0x7F, v13;
	v13 =	vshll.u32 v13, $0x3;
	(pc) =	sbr.rel @p0 .LBB2_12-.Ltmp5, $4  }
0x211: {  	v14 =	vadd.s32 v5, v9;
	vm2 =	vmand vm7, vm8;
	v21 =	vand.u32 $0xFFFFFC00, v13  }
0x212: {  	v13 =	vadd.s32 v6, v9;
	v9 =	vor.u32 v17, v21;
	v19 =	vnsel vm1, $0x0, v19  }
0x213: {  	v17 =	vadd.s32 v3, v9;
	v10 =	vadd.f32 v19, v10;
	v18 =	vnsel vm1, $0x0, v18  }
0x214: {  	s18 =	sadd.s32 $0x1, s18;
	v11 =	vadd.f32 v18, v11;
	v18 =	vnsel vm1, $0x0, v20;
	vm1 =	vmmov vm0;
	[tilespmem:v12+s14+$0x0] =	vst.idx.msk vm0, v8;
	v12 =	vmovc v17  }
0x215: {  	_ =	sdelay $0x4  }
0x216: {  	v17 =	vld.idx.msk [tilespmem:v16+s10+$0x0], vm0;
	[tilespmem:v16+s14+$0x0] =	vst.idx.msk vm0, v10  }
0x217: {  	v16 =	vld.idx.msk [tilespmem:v14+s10+$0x0], vm6;
	[tilespmem:v14+s14+$0x0] =	vst.idx.msk vm4, v11  }
0x218: {  	v14 =	vld.idx.msk [tilespmem:v13+s10+$0x0], vm5  }
0x219: {  	v19 =	vadd.s32 v4, v9  }
0x21a: {  	v15 =	vnsel vm1, $0x0, v15;
	v7 =	vadd.f32 v18, v7;
	v18 =	vadd.s32 v5, v9  }
0x21b: {  	v9 =	vadd.s32 v6, v9;
	v8 =	vadd.f32 v15, v8;
	v15 =	vnsel vm1, $0x0, v17  }
0x21c: {  	[tilespmem:v13+s14+$0x0] =	vst.idx.msk vm3, v7;
	v10 =	vadd.f32 v15, v10;
	v13 =	vnsel vm1, $0x0, v16  }
0x21d: {  	[tilespmem:v12+s14+$0x0] =	vst.idx.msk vm2, v8;
	v8 =	vadd.f32 v13, v11;
	v11 =	vnsel vm1, $0x0, v14  }
0x21e: {  	s18 =	simm.s32 $0x0;
	[tilespmem:v19+s14+$0x0] =	vst.idx.msk vm2, v10;
	v7 =	vadd.f32 v11, v7  }
0x21f: {  	vm0 =	vmmov vm2;
	v10 =	vadd.s32 s18, v2;
	[tilespmem:v18+s14+$0x0] =	vst.idx.msk vm2, v8;
	v8 =	vmov s18  }
0x220: {  	[tilespmem:v9+s14+$0x0] =	vst.idx.msk vm2, v7;
	vm0 =	vgt.s32 v8, v0;
	v7 =	vshll.u32 v10, $0x3  }
0x221: {  	vm1 =	vlt.u32 v8, v1;
	v8 =	vand.u32 $0x7F, v10;
	[hbm4b:s7+s18] =	stream.linear.scatter [tilespmem:s14], [sflag:$0x4], $0x4000, $0x38;
	v7 =	vand.u32 $0xFFFFFC00, v7;
	[tilespmem:$0x10000] =	vst v63  }
0x222: {  	vm1 =	vmand vm0, vm1;
	_ =	swait.ge [sflag:s11], $0x4000;
	v8 =	vor.u32 v8, v7  }
0x223: {  	vm0 =	vmmov vm1;
	[sflag:s11] =	ssyncset.done $0x0;
	v9 =	vadd.s32 v3, v8  }
0x224: {  	s30 =	simm.s32 $0x1;
	v10 =	vadd.s32 v4, v8;
	[sflag:s11] =	ssyncadd.s32 $0xFFFFC000  }
0x225: {  	v13 =	vadd.s32 s30, v2;
	v12 =	vadd.s32 v5, v8;
	_ =	swait.ge [sflag:s15], $0x4000  }
0x226: {  	v14 =	vmov s30;
	v15 =	vshll.u32 v13, $0x3;
	[sflag:s15] =	ssyncset.done $0x0  }
0x227: {  	vm2 =	vlt.u32 v14, v1;
	v7 =	vimm.f32 $0.0e+00;
	v16 =	vadd.s32 v6, v8;
	[sflag:s15] =	ssyncadd.s32 $0xFFFFC000  }
0x228: {  	v8 =	vand.u32 $0x7F, v13;
	v11 =	vld.idx.msk [tilespmem:v9+s2+$0x0], vm1;
	[tilespmem:v9+s12+$0x0] =	vst.idx.msk vm1, v7;
	vm1 =	vgt.s32 v14, v0;
	v9 =	vand.u32 $0xFFFFFC00, v15  }
0x229: {  	s31 =	simm.s32 $0x2;
	vm3 =	vmmov vm0;
	v13 =	vld.idx.msk [tilespmem:v10+s2+$0x0], vm0;
	v9 =	vor.u32 v8, v9;
	[tilespmem:v10+s12+$0x0] =	vst.idx.msk vm0, v7;
	vm4 =	vmand vm1, vm2  }
0x22a: {  	v10 =	vmov s31;
	v18 =	vadd.s32 v3, v9;
	v19 =	vld.idx.msk [tilespmem:v12+s2+$0x0], vm0;
	vm1 =	vmmov vm4  }
0x22b: {  	[tilespmem:v12+s12+$0x0] =	vst.idx.msk vm0, v7;
	vm2 =	vgt.s32 v10, v0;
	vm5 =	vlt.u32 v10, v1;
	v10 =	vadd.s32 s31, v2  }
0x22c: {  	v17 =	vadd.s32 v4, v9;
	v15 =	vadd.s32 v5, v9;
	v14 =	vadd.s32 v6, v9;
	v12 =	vld.idx.msk [tilespmem:v16+s2+$0x0], vm0  }
0x22d: {  	v8 =	vnsel vm3, $0x0, v11;
	v11 =	vand.u32 $0x7F, v10;
	v10 =	vshll.u32 v10, $0x3  }
0x22e: {  	vm2 =	vmand vm2, vm5;
	v8 =	vadd.f32 v8, v7;
	v10 =	vand.u32 $0xFFFFFC00, v10  }
0x22f: {  	[tilespmem:v16+s12+$0x0] =	vst.idx.msk vm0, v7;
	vm6 =	vmmov vm1;
	v9 =	vnsel vm3, $0x0, v13;
	v10 =	vor.u32 v11, v10  }
0x230: {  	vm5 =	vmmov vm1;
	v16 =	vld.idx.msk [tilespmem:v18+s2+$0x0], vm4;
	v11 =	vadd.f32 v9, v7;
	[tilespmem:v18+s12+$0x0] =	vst.idx.msk vm4, v8;
	vm4 =	vmmov vm1  }
0x231: {  	v9 =	vnsel vm3, $0x0, v19;
	v18 =	vnsel vm3, $0x0, v12;
	vm3 =	vmmov vm1;
	_ =	sdelay $0x1  }
0x232: {  	v13 =	vadd.s32 v3, v10  }
0x233: {  	s18 =	simm.s32 $0x3;
	vm0 =	vmmov vm1;
	v9 =	vadd.f32 v9, v7;
	v12 =	vmov v13  }
.LBB2_14:
0x234: {  	p0 =	sne.s32 s18, $0xF;
	v16 =	vnsel vm0, $0x0, v16;
	v19 =	vld.idx.msk [tilespmem:v17+s2+$0x0], vm1;
	[tilespmem:v17+s12+$0x0] =	vst.idx.msk vm1, v11;
	v7 =	vadd.f32 v18, v7;
	vm1 =	vmmov vm2  }
0x235: {  	v8 =	vadd.f32 v16, v8;
	v18 =	vld.idx.msk [tilespmem:v15+s2+$0x0], vm6;
	[tilespmem:v15+s12+$0x0] =	vst.idx.msk vm4, v9;
	vm4 =	vmmov vm2;
	vm6 =	vmmov vm2  }
0x236: {  	v15 =	vmov s18;
	v20 =	vld.idx.msk [tilespmem:v14+s2+$0x0], vm5;
	[tilespmem:v14+s12+$0x0] =	vst.idx.msk vm3, v7;
	vm3 =	vmmov vm2;
	vm5 =	vmmov vm2  }
0x237: {  	vm7 =	vgt.s32 v15, v0;
	vm8 =	vlt.u32 v15, v1;
	v14 =	vadd.s32 s18, v2;
	v16 =	vld.idx.msk [tilespmem:v13+s2+$0x0], vm2  }
.Ltmp6:
0x238: {  	v17 =	vadd.s32 v4, v10;
	v13 =	vand.u32 $0x7F, v14;
	v14 =	vshll.u32 v14, $0x3;
	(pc) =	sbr.rel @p0 .LBB2_14-.Ltmp6, $4  }
0x239: {  	v15 =	vadd.s32 v5, v10;
	vm2 =	vmand vm7, vm8;
	v21 =	vand.u32 $0xFFFFFC00, v14  }
0x23a: {  	v14 =	vadd.s32 v6, v10;
	v10 =	vor.u32 v13, v21;
	v19 =	vnsel vm0, $0x0, v19  }
0x23b: {  	v13 =	vadd.s32 v3, v10;
	v11 =	vadd.f32 v19, v11;
	v18 =	vnsel vm0, $0x0, v18  }
0x23c: {  	s18 =	sadd.s32 $0x1, s18;
	v9 =	vadd.f32 v18, v9;
	v18 =	vnsel vm0, $0x0, v20;
	vm0 =	vmmov vm1;
	[tilespmem:v12+s12+$0x0] =	vst.idx.msk vm1, v8;
	v12 =	vmovc v13  }
0x23d: {  	_ =	sdelay $0x4  }
0x23e: {  	v19 =	vld.idx.msk [tilespmem:v17+s2+$0x0], vm1  }
0x23f: {  	[tilespmem:v17+s12+$0x0] =	vst.idx.msk vm1, v11;
	v7 =	vadd.f32 v18, v7  }
0x240: {  	v17 =	vld.idx.msk [tilespmem:v15+s2+$0x0], vm6;
	[tilespmem:v15+s12+$0x0] =	vst.idx.msk vm4, v9;
	v15 =	vadd.s32 v4, v10  }
0x241: {  	v16 =	vnsel vm0, $0x0, v16;
	s18 =	simm.s32 $0x10;
	v18 =	vld.idx.msk [tilespmem:v14+s2+$0x0], vm5;
	[tilespmem:v14+s12+$0x0] =	vst.idx.msk vm3, v7  }
0x242: {  	v8 =	vadd.f32 v16, v8;
	v16 =	vadd.s32 s18, v2;
	v14 =	vadd.s32 v5, v10;
	v13 =	vld.idx.msk [tilespmem:v13+s2+$0x0], vm2  }
0x243: {  	v10 =	vadd.s32 v6, v10;
	v20 =	vshll.u32 v16, $0x3;
	v19 =	vnsel vm0, $0x0, v19  }
0x244: {  	[tilespmem:v12+s12+$0x0] =	vst.idx.msk vm2, v8;
	v12 =	vand.u32 $0x7F, v16;
	v16 =	vand.u32 $0xFFFFFC00, v20;
	v11 =	vadd.f32 v19, v11  }
0x245: {  	vm14 =	vmmov vm2;
	v12 =	vor.u32 v12, v16;
	v17 =	vnsel vm0, $0x0, v17;
	v19 =	vld.idx.msk [tilespmem:v15+s2+$0x0], vm2  }
0x246: {  	vm15 =	vmmov vm14;
	v9 =	vadd.f32 v17, v9;
	[tilespmem:v15+s12+$0x0] =	vst.idx.msk vm2, v11;
	v15 =	vadd.s32 v3, v12  }
0x247: {  	v16 =	vnsel vm0, $0x0, v18;
	v13 =	vnsel vm15, $0x0, v13  }
0x248: {  	s24 =	simm.s32 $0x11;
	v7 =	vadd.f32 v16, v7;
	v17 =	vld.idx.msk [tilespmem:v14+s2+$0x0], vm2;
	[tilespmem:v14+s12+$0x0] =	vst.idx.msk vm2, v9;
	v14 =	vadd.s32 v4, v12  }
0x249: {  	v18 =	vadd.s32 s24, v2;
	v8 =	vadd.f32 v13, v8;
	v13 =	vld.idx.msk [tilespmem:v10+s2+$0x0], vm2  }
0x24a: {  	v16 =	vadd.s32 v5, v12;
	[tilespmem:v10+s12+$0x0] =	vst.idx.msk vm2, v7;
	v10 =	vnsel vm15, $0x0, v19;
	v19 =	vshll.u32 v18, $0x3  }
0x24b: {  	v10 =	vadd.f32 v10, v11;
	v11 =	vld.idx.msk [tilespmem:v15+s2+$0x0], $0xffff;
	[tilespmem:v15+s12+$0x0] =	vst.idx.msk $0xffff, v8;
	v15 =	vand.u32 $0x7F, v18;
	v18 =	vand.u32 $0xFFFFFC00, v19  }
0x24c: {  	v12 =	vadd.s32 v6, v12;
	v15 =	vor.u32 v15, v18  }
0x24d: {  	v17 =	vnsel vm15, $0x0, v17;
	v19 =	vld.idx.msk [tilespmem:v14+s2+$0x0], $0xffff;
	[tilespmem:v14+s12+$0x0] =	vst.idx.msk $0xffff, v10;
	v14 =	vadd.s32 v3, v15  }
0x24e: {  	v9 =	vadd.f32 v17, v9;
	v13 =	vnsel vm15, $0x0, v13  }
0x24f: {  	v17 =	vld.idx.msk [tilespmem:v16+s2+$0x0], $0xffff;
	v7 =	vadd.f32 v13, v7  }
0x250: {  	s25 =	simm.s32 $0x12;
	v13 =	vadd.s32 v4, v15;
	[tilespmem:v16+s12+$0x0] =	vst.idx.msk $0xffff, v9;
	v8 =	vadd.f32 v11, v8  }
0x251: {  	v16 =	vld.idx.msk [tilespmem:v12+s2+$0x0], $0xffff;
	[tilespmem:v12+s12+$0x0] =	vst.idx.msk $0xffff, v7;
	v11 =	vadd.s32 v5, v15;
	v12 =	vadd.s32 s25, v2  }
0x252: {  	v62 =	vand.u32 $0x7F, v12;
	v12 =	vshll.u32 v12, $0x3;
	v18 =	vld.idx.msk [tilespmem:v14+s2+$0x0], $0xffff;
	[tilespmem:v14+s12+$0x0] =	vst.idx.msk $0xffff, v8;
	v14 =	vadd.s32 v6, v15  }
0x253: {  	v10 =	vadd.f32 v19, v10;
	v12 =	vand.u32 $0xFFFFFC00, v12  }
0x254: {  	v9 =	vadd.f32 v17, v9;
	v12 =	vor.u32 v62, v12  }
0x255: {  	v15 =	vld.idx.msk [tilespmem:v13+s2+$0x0], $0xffff;
	[tilespmem:v13+s12+$0x0] =	vst.idx.msk $0xffff, v10;
	v13 =	vadd.s32 v3, v12  }
0x256: {  	v17 =	vld.idx.msk [tilespmem:v11+s2+$0x0], $0xffff;
	v7 =	vadd.f32 v16, v7;
	[tilespmem:v11+s12+$0x0] =	vst.idx.msk $0xffff, v9;
	v11 =	vadd.s32 v4, v12  }
0x257: {  	s26 =	simm.s32 $0x13;
	v16 =	vld.idx.msk [tilespmem:v14+s2+$0x0], $0xffff  }
0x258: {  	v8 =	vadd.f32 v18, v8;
	[tilespmem:v14+s12+$0x0] =	vst.idx.msk $0xffff, v7;
	v14 =	vadd.s32 v5, v12;
	v18 =	vadd.s32 s26, v2  }
0x259: {  	v12 =	vadd.s32 v6, v12;
	v19 =	vshll.u32 v18, $0x3  }
0x25a: {  	v10 =	vadd.f32 v15, v10;
	v15 =	vld.idx.msk [tilespmem:v13+s2+$0x0], $0xffff;
	[tilespmem:v13+s12+$0x0] =	vst.idx.msk $0xffff, v8;
	v13 =	vand.u32 $0x7F, v18;
	v18 =	vand.u32 $0xFFFFFC00, v19  }
0x25b: {  	v19 =	vld.idx.msk [tilespmem:v11+s2+$0x0], $0xffff;
	v13 =	vor.u32 v13, v18;
	v9 =	vadd.f32 v17, v9  }
0x25c: {  	[tilespmem:v11+s12+$0x0] =	vst.idx.msk $0xffff, v10;
	v11 =	vadd.s32 v3, v13  }
0x25d: {  	v17 =	vld.idx.msk [tilespmem:v14+s2+$0x0], $0xffff;
	v7 =	vadd.f32 v16, v7;
	[tilespmem:v14+s12+$0x0] =	vst.idx.msk $0xffff, v9;
	v14 =	vadd.s32 v4, v13  }
0x25e: {  	s28 =	simm.s32 $0x14;
	v16 =	vld.idx.msk [tilespmem:v12+s2+$0x0], $0xffff  }
0x25f: {  	v8 =	vadd.f32 v15, v8;
	[tilespmem:v12+s12+$0x0] =	vst.idx.msk $0xffff, v7;
	v12 =	vadd.s32 v5, v13;
	v15 =	vadd.s32 s28, v2  }
0x260: {  	v10 =	vadd.f32 v19, v10;
	v19 =	vshll.u32 v15, $0x3  }
0x261: {  	v18 =	vld.idx.msk [tilespmem:v11+s2+$0x0], $0xffff;
	[tilespmem:v11+s12+$0x0] =	vst.idx.msk $0xffff, v8;
	v11 =	vadd.s32 v6, v13;
	v13 =	vand.u32 $0x7F, v15;
	v15 =	vand.u32 $0xFFFFFC00, v19  }
0x262: {  	v19 =	vld.idx.msk [tilespmem:v14+s2+$0x0], $0xffff;
	v13 =	vor.u32 v13, v15;
	v9 =	vadd.f32 v17, v9  }
0x263: {  	[tilespmem:v14+s12+$0x0] =	vst.idx.msk $0xffff, v10;
	v14 =	vadd.s32 v3, v13  }
0x264: {  	s29 =	simm.s32 $0x15;
	v7 =	vadd.f32 v16, v7;
	v15 =	vld.idx.msk [tilespmem:v12+s2+$0x0], $0xffff;
	[tilespmem:v12+s12+$0x0] =	vst.idx.msk $0xffff, v9;
	v12 =	vadd.s32 v4, v13  }
0x265: {  	v17 =	vadd.s32 s29, v2  }
0x266: {  	v16 =	vld.idx.msk [tilespmem:v11+s2+$0x0], $0xffff;
	v8 =	vadd.f32 v18, v8;
	[tilespmem:v11+s12+$0x0] =	vst.idx.msk $0xffff, v7;
	v11 =	vadd.s32 v5, v13  }
0x267: {  	v10 =	vadd.f32 v19, v10;
	v19 =	vshll.u32 v17, $0x3  }
0x268: {  	v13 =	vadd.s32 v6, v13;
	v18 =	vld.idx.msk [tilespmem:v14+s2+$0x0], $0xffff;
	[tilespmem:v14+s12+$0x0] =	vst.idx.msk $0xffff, v8;
	v14 =	vand.u32 $0x7F, v17;
	v17 =	vand.u32 $0xFFFFFC00, v19  }
0x269: {  	v19 =	vld.idx.msk [tilespmem:v12+s2+$0x0], $0xffff;
	v14 =	vor.u32 v14, v17;
	v9 =	vadd.f32 v15, v9  }
0x26a: {  	[tilespmem:v12+s12+$0x0] =	vst.idx.msk $0xffff, v10;
	v12 =	vadd.s32 v3, v14  }
0x26b: {  	s30 =	simm.s32 $0x16;
	v15 =	vld.idx.msk [tilespmem:v11+s2+$0x0], $0xffff;
	v7 =	vadd.f32 v16, v7;
	[tilespmem:v11+s12+$0x0] =	vst.idx.msk $0xffff, v9;
	v11 =	vadd.s32 v4, v14  }
0x26c: {  	v17 =	vadd.s32 s30, v2  }
0x26d: {  	v16 =	vld.idx.msk [tilespmem:v13+s2+$0x0], $0xffff;
	v8 =	vadd.f32 v18, v8;
	[tilespmem:v13+s12+$0x0] =	vst.idx.msk $0xffff, v7;
	v13 =	vadd.s32 v5, v14  }
0x26e: {  	v10 =	vadd.f32 v19, v10;
	v19 =	vshll.u32 v17, $0x3  }
0x26f: {  	v18 =	vld.idx.msk [tilespmem:v12+s2+$0x0], $0xffff;
	[tilespmem:v12+s12+$0x0] =	vst.idx.msk $0xffff, v8;
	v12 =	vadd.s32 v6, v14;
	v14 =	vand.u32 $0x7F, v17;
	v17 =	vand.u32 $0xFFFFFC00, v19  }
0x270: {  	v19 =	vld.idx.msk [tilespmem:v11+s2+$0x0], $0xffff;
	v14 =	vor.u32 v14, v17  }
0x271: {  	v9 =	vadd.f32 v15, v9;
	[tilespmem:v11+s12+$0x0] =	vst.idx.msk $0xffff, v10;
	v11 =	vadd.s32 v3, v14  }
0x272: {  	s31 =	simm.s32 $0x17;
	v7 =	vadd.f32 v16, v7;
	v15 =	vld.idx.msk [tilespmem:v13+s2+$0x0], $0xffff  }
0x273: {  	v17 =	vadd.s32 s31, v2;
	[tilespmem:v13+s12+$0x0] =	vst.idx.msk $0xffff, v9;
	v13 =	vadd.s32 v4, v14  }
0x274: {  	v16 =	vld.idx.msk [tilespmem:v12+s2+$0x0], $0xffff;
	v8 =	vadd.f32 v18, v8;
	[tilespmem:v12+s12+$0x0] =	vst.idx.msk $0xffff, v7;
	v12 =	vadd.s32 v5, v14  }
0x275: {  	v10 =	vadd.f32 v19, v10;
	v19 =	vshll.u32 v17, $0x3  }
0x276: {  	v18 =	vld.idx.msk [tilespmem:v11+s2+$0x0], $0xffff;
	[tilespmem:v11+s12+$0x0] =	vst.idx.msk $0xffff, v8;
	v11 =	vadd.s32 v6, v14;
	v14 =	vand.u32 $0x7F, v17;
	v17 =	vand.u32 $0xFFFFFC00, v19  }
0x277: {  	v14 =	vor.u32 v14, v17;
	v9 =	vadd.f32 v15, v9  }
0x278: {  	v19 =	vld.idx.msk [tilespmem:v13+s2+$0x0], $0xffff;
	[tilespmem:v13+s12+$0x0] =	vst.idx.msk $0xffff, v10;
	v13 =	vadd.s32 v3, v14  }
0x279: {  	v15 =	vld.idx.msk [tilespmem:v12+s2+$0x0], $0xffff;
	[tilespmem:v12+s12+$0x0] =	vst.idx.msk $0xffff, v9;
	v12 =	vadd.s32 v4, v14  }
0x27a: {  	s18 =	simm.s32 $0x18;
	v7 =	vadd.f32 v16, v7  }
0x27b: {  	v17 =	vadd.s32 s18, v2;
	v8 =	vadd.f32 v18, v8  }
0x27c: {  	v16 =	vld.idx.msk [tilespmem:v11+s2+$0x0], $0xffff;
	[tilespmem:v11+s12+$0x0] =	vst.idx.msk $0xffff, v7;
	v11 =	vadd.s32 v5, v14;
	v18 =	vshll.u32 v17, $0x3  }
0x27d: {  	v19 =	vadd.f32 v19, v10;
	v10 =	vand.u32 $0x7F, v17;
	v17 =	vand.u32 $0xFFFFFC00, v18;
	v63 =	vld.idx.msk [tilespmem:v13+s2+$0x0], $0xffff;
	[tilespmem:v13+s12+$0x0] =	vst.idx.msk $0xffff, v8  }
0x27e: {  	v13 =	vadd.s32 v6, v14;
	v18 =	vor.u32 v10, v17;
	v17 =	vld.idx.msk [tilespmem:v12+s2+$0x0], $0xffff;
	_ =	sdelay $0x1  }
0x27f: {  	v9 =	vadd.f32 v15, v9;
	v15 =	vadd.s32 v3, v18  }
0x280: {  	s19 =	simm.s32 $0x19;
	[tilespmem:v12+s12+$0x0] =	vst.idx.msk $0xffff, v19;
	v22 =	vadd.s32 v4, v18  }
0x281: {  	v21 =	vld.idx.msk [tilespmem:v11+s2+$0x0], $0xffff;
	v10 =	vadd.f32 v16, v7;
	[tilespmem:v11+s12+$0x0] =	vst.idx.msk $0xffff, v9;
	v11 =	vadd.s32 s19, v2  }
0x282: {  	v14 =	vld.idx.msk [tilespmem:v13+s2+$0x0], $0xffff;
	v8 =	vadd.f32 v63, v8;
	v7 =	vadd.f32 v17, v19;
	v17 =	vadd.s32 v5, v18  }
0x283: {  	[tilespmem:v13+s12+$0x0] =	vst.idx.msk $0xffff, v10;
	v13 =	vshll.u32 v11, $0x3  }
0x284: {  	v16 =	vadd.s32 v6, v18;
	v11 =	vand.u32 $0x7F, v11;
	v12 =	vld.idx.msk [tilespmem:v15+s2+$0x0], $0xffff;
	[tilespmem:v15+s12+$0x0] =	vst.idx.msk $0xffff, v8;
	v15 =	vand.u32 $0xFFFFFC00, v13  }
0x285: {  	v11 =	vor.u32 v11, v15  }
0x286: {  	s19 =	simm.s32 $0x20;
	v13 =	vld.idx.msk [tilespmem:v22+s2+$0x0], $0xffff;
	v9 =	vadd.f32 v21, v9;
	[tilespmem:v22+s12+$0x0] =	vst.idx.msk $0xffff, v7;
	v15 =	vadd.s32 v3, v11  }
.LBB2_16:
0x287: {  	p0 =	slt.u32 s19, $0xF8;
	v18 =	vld.idx.msk [tilespmem:v17+s2+$0x0], $0xffff;
	v10 =	vadd.f32 v14, v10;
	s20 =	smov.u32 s19;
	s19 =	sadd.s32 $0x8, s19  }
0x288: {  	v14 =	vadd.s32 v4, v11;
	[tilespmem:v17+s12+$0x0] =	vst.idx.msk $0xffff, v9  }
0x289: {  	s21 =	sadd.s32 $0x2, s18;
	v17 =	vld.idx.msk [tilespmem:v16+s2+$0x0], $0xffff  }
0x28a: {  	v8 =	vadd.f32 v12, v8;
	v12 =	vadd.s32 v5, v11;
	[tilespmem:v16+s12+$0x0] =	vst.idx.msk $0xffff, v10;
	v16 =	vadd.s32 s21, v2  }
0x28b: {  	v19 =	vld.idx.msk [tilespmem:v15+s2+$0x0], $0xffff;
	v20 =	vand.u32 $0x7F, v16;
	v16 =	vshll.u32 v16, $0x3  }
0x28c: {  	v11 =	vadd.s32 v6, v11;
	v7 =	vadd.f32 v13, v7;
	[tilespmem:v15+s12+$0x0] =	vst.idx.msk $0xffff, v8;
	v13 =	vand.u32 $0xFFFFFC00, v16  }
0x28d: {  	v15 =	vld.idx.msk [tilespmem:v14+s2+$0x0], $0xffff;
	v13 =	vor.u32 v20, v13  }
0x28e: {  	v9 =	vadd.f32 v18, v9;
	[tilespmem:v14+s12+$0x0] =	vst.idx.msk $0xffff, v7;
	v14 =	vadd.s32 v3, v13  }
0x28f: {  	v16 =	vld.idx.msk [tilespmem:v12+s2+$0x0], $0xffff  }
0x290: {  	v10 =	vadd.f32 v17, v10;
	[tilespmem:v12+s12+$0x0] =	vst.idx.msk $0xffff, v9;
	v12 =	vadd.s32 v4, v13  }
0x291: {  	s21 =	sadd.s32 $0x3, s18;
	v8 =	vadd.f32 v19, v8;
	v17 =	vld.idx.msk [tilespmem:v11+s2+$0x0], $0xffff  }
0x292: {  	v18 =	vadd.s32 s21, v2;
	[tilespmem:v11+s12+$0x0] =	vst.idx.msk $0xffff, v10;
	v11 =	vadd.s32 v5, v13  }
0x293: {  	v19 =	vshll.u32 v18, $0x3;
	v7 =	vadd.f32 v15, v7;
	v15 =	vld.idx.msk [tilespmem:v14+s2+$0x0], $0xffff  }
0x294: {  	v13 =	vadd.s32 v6, v13;
	[tilespmem:v14+s12+$0x0] =	vst.idx.msk $0xffff, v8;
	v14 =	vand.u32 $0x7F, v18;
	v18 =	vand.u32 $0xFFFFFC00, v19  }
0x295: {  	v9 =	vadd.f32 v16, v9;
	v16 =	vld.idx.msk [tilespmem:v12+s2+$0x0], $0xffff;
	v14 =	vor.u32 v14, v18  }
0x296: {  	[tilespmem:v12+s12+$0x0] =	vst.idx.msk $0xffff, v7;
	v12 =	vadd.s32 v3, v14  }
0x297: {  	v10 =	vadd.f32 v17, v10;
	v17 =	vld.idx.msk [tilespmem:v11+s2+$0x0], $0xffff  }
0x298: {  	[tilespmem:v11+s12+$0x0] =	vst.idx.msk $0xffff, v9;
	v11 =	vadd.s32 v4, v14  }
0x299: {  	s21 =	sadd.s32 $0x4, s18;
	v8 =	vadd.f32 v15, v8;
	v15 =	vld.idx.msk [tilespmem:v13+s2+$0x0], $0xffff  }
0x29a: {  	v18 =	vadd.s32 s21, v2;
	[tilespmem:v13+s12+$0x0] =	vst.idx.msk $0xffff, v10;
	v13 =	vadd.s32 v5, v14  }
0x29b: {  	v19 =	vshll.u32 v18, $0x3;
	v7 =	vadd.f32 v16, v7;
	v16 =	vld.idx.msk [tilespmem:v12+s2+$0x0], $0xffff  }
0x29c: {  	[tilespmem:v12+s12+$0x0] =	vst.idx.msk $0xffff, v8;
	v12 =	vadd.s32 v6, v14;
	v14 =	vand.u32 $0x7F, v18;
	v18 =	vand.u32 $0xFFFFFC00, v19  }
0x29d: {  	v9 =	vadd.f32 v17, v9;
	v17 =	vld.idx.msk [tilespmem:v11+s2+$0x0], $0xffff;
	v14 =	vor.u32 v14, v18  }
0x29e: {  	[tilespmem:v11+s12+$0x0] =	vst.idx.msk $0xffff, v7;
	v11 =	vadd.s32 v3, v14  }
0x29f: {  	v10 =	vadd.f32 v15, v10;
	v15 =	vld.idx.msk [tilespmem:v13+s2+$0x0], $0xffff  }
0x2a0: {  	[tilespmem:v13+s12+$0x0] =	vst.idx.msk $0xffff, v9;
	v13 =	vadd.s32 v4, v14  }
0x2a1: {  	s21 =	sadd.s32 $0x5, s18;
	v8 =	vadd.f32 v16, v8;
	v16 =	vld.idx.msk [tilespmem:v12+s2+$0x0], $0xffff  }
0x2a2: {  	v18 =	vadd.s32 s21, v2;
	[tilespmem:v12+s12+$0x0] =	vst.idx.msk $0xffff, v10;
	v12 =	vadd.s32 v5, v14  }
0x2a3: {  	v19 =	vshll.u32 v18, $0x3;
	v7 =	vadd.f32 v17, v7;
	v17 =	vld.idx.msk [tilespmem:v11+s2+$0x0], $0xffff  }
0x2a4: {  	[tilespmem:v11+s12+$0x0] =	vst.idx.msk $0xffff, v8;
	v11 =	vadd.s32 v6, v14;
	v14 =	vand.u32 $0x7F, v18;
	v18 =	vand.u32 $0xFFFFFC00, v19  }
0x2a5: {  	v9 =	vadd.f32 v15, v9;
	v15 =	vld.idx.msk [tilespmem:v13+s2+$0x0], $0xffff;
	v14 =	vor.u32 v14, v18  }
0x2a6: {  	[tilespmem:v13+s12+$0x0] =	vst.idx.msk $0xffff, v7;
	v13 =	vadd.s32 v3, v14  }
0x2a7: {  	v10 =	vadd.f32 v16, v10;
	v16 =	vld.idx.msk [tilespmem:v12+s2+$0x0], $0xffff  }
0x2a8: {  	[tilespmem:v12+s12+$0x0] =	vst.idx.msk $0xffff, v9;
	v12 =	vadd.s32 v4, v14  }
0x2a9: {  	s21 =	sadd.s32 $0x6, s18;
	v8 =	vadd.f32 v17, v8;
	v17 =	vld.idx.msk [tilespmem:v11+s2+$0x0], $0xffff  }
0x2aa: {  	v18 =	vadd.s32 s21, v2;
	[tilespmem:v11+s12+$0x0] =	vst.idx.msk $0xffff, v10;
	v11 =	vadd.s32 v5, v14  }
0x2ab: {  	v19 =	vshll.u32 v18, $0x3;
	v7 =	vadd.f32 v15, v7;
	v15 =	vld.idx.msk [tilespmem:v13+s2+$0x0], $0xffff  }
0x2ac: {  	[tilespmem:v13+s12+$0x0] =	vst.idx.msk $0xffff, v8;
	v13 =	vadd.s32 v6, v14;
	v14 =	vand.u32 $0x7F, v18;
	v18 =	vand.u32 $0xFFFFFC00, v19  }
0x2ad: {  	v9 =	vadd.f32 v16, v9;
	v16 =	vld.idx.msk [tilespmem:v12+s2+$0x0], $0xffff;
	v14 =	vor.u32 v14, v18  }
0x2ae: {  	[tilespmem:v12+s12+$0x0] =	vst.idx.msk $0xffff, v7;
	v12 =	vadd.s32 v3, v14  }
0x2af: {  	v10 =	vadd.f32 v17, v10;
	v17 =	vld.idx.msk [tilespmem:v11+s2+$0x0], $0xffff  }
0x2b0: {  	[tilespmem:v11+s12+$0x0] =	vst.idx.msk $0xffff, v9;
	v11 =	vadd.s32 v4, v14  }
0x2b1: {  	s21 =	sadd.s32 $0x7, s18;
	s18 =	smov.u32 s20;
	v8 =	vadd.f32 v15, v8;
	v15 =	vld.idx.msk [tilespmem:v13+s2+$0x0], $0xffff  }
0x2b2: {  	v18 =	vadd.s32 s21, v2;
	[tilespmem:v13+s12+$0x0] =	vst.idx.msk $0xffff, v10;
	v13 =	vadd.s32 v5, v14  }
0x2b3: {  	v19 =	vshll.u32 v18, $0x3;
	v7 =	vadd.f32 v16, v7;
	v16 =	vld.idx.msk [tilespmem:v12+s2+$0x0], $0xffff  }
0x2b4: {  	[tilespmem:v12+s12+$0x0] =	vst.idx.msk $0xffff, v8;
	v12 =	vadd.s32 v6, v14;
	v14 =	vand.u32 $0x7F, v18;
	v18 =	vand.u32 $0xFFFFFC00, v19  }
0x2b5: {  	v9 =	vadd.f32 v17, v9;
	v17 =	vld.idx.msk [tilespmem:v11+s2+$0x0], $0xffff;
	v14 =	vor.u32 v14, v18  }
0x2b6: {  	[tilespmem:v11+s12+$0x0] =	vst.idx.msk $0xffff, v7;
	v11 =	vadd.s32 v3, v14  }
0x2b7: {  	v10 =	vadd.f32 v15, v10;
	v15 =	vld.idx.msk [tilespmem:v13+s2+$0x0], $0xffff  }
0x2b8: {  	[tilespmem:v13+s12+$0x0] =	vst.idx.msk $0xffff, v9;
	v13 =	vadd.s32 v4, v14  }
0x2b9: {  	v8 =	vadd.f32 v16, v8;
	v16 =	vld.idx.msk [tilespmem:v12+s2+$0x0], $0xffff  }
0x2ba: {  	v18 =	vadd.s32 s18, v2;
	[tilespmem:v12+s12+$0x0] =	vst.idx.msk $0xffff, v10;
	v12 =	vadd.s32 v5, v14  }
0x2bb: {  	v19 =	vshll.u32 v18, $0x3;
	v7 =	vadd.f32 v17, v7;
	v17 =	vld.idx.msk [tilespmem:v11+s2+$0x0], $0xffff  }
0x2bc: {  	v18 =	vand.u32 $0x7F, v18;
	v19 =	vand.u32 $0xFFFFFC00, v19;
	[tilespmem:v11+s12+$0x0] =	vst.idx.msk $0xffff, v8;
	v11 =	vadd.s32 v6, v14  }
0x2bd: {  	v18 =	vor.u32 v18, v19;
	v9 =	vadd.f32 v15, v9;
	v15 =	vld.idx.msk [tilespmem:v13+s2+$0x0], $0xffff  }
0x2be: {  	v19 =	vadd.s32 v3, v18;
	[tilespmem:v13+s12+$0x0] =	vst.idx.msk $0xffff, v7  }
0x2bf: {  	v20 =	vld.idx.msk [tilespmem:v12+s2+$0x0], $0xffff  }
0x2c0: {  	v21 =	vadd.s32 v4, v18;
	v10 =	vadd.f32 v16, v10;
	[tilespmem:v12+s12+$0x0] =	vst.idx.msk $0xffff, v9  }
0x2c1: {  	s20 =	sadd.s32 $0x1, s18;
	v8 =	vadd.f32 v17, v8;
	v14 =	vld.idx.msk [tilespmem:v11+s2+$0x0], $0xffff  }
.Ltmp7:
0x2c2: {  	v13 =	vadd.s32 s20, v2;
	v17 =	vadd.s32 v5, v18;
	[tilespmem:v11+s12+$0x0] =	vst.idx.msk $0xffff, v10;
	(pc) =	sbr.rel @p0 .LBB2_16-.Ltmp7, $4  }
0x2c3: {  	v11 =	vshll.u32 v13, $0x3;
	v7 =	vadd.f32 v15, v7;
	v12 =	vld.idx.msk [tilespmem:v19+s2+$0x0], $0xffff  }
0x2c4: {  	v16 =	vadd.s32 v6, v18;
	v15 =	vand.u32 $0x7F, v13;
	v11 =	vand.u32 $0xFFFFFC00, v11;
	[tilespmem:v19+s12+$0x0] =	vst.idx.msk $0xffff, v8  }
0x2c5: {  	v11 =	vor.u32 v15, v11;
	v9 =	vadd.f32 v20, v9;
	v13 =	vld.idx.msk [tilespmem:v21+s2+$0x0], $0xffff  }
0x2c6: {  	v15 =	vadd.s32 v3, v11;
	[tilespmem:v21+s12+$0x0] =	vst.idx.msk $0xffff, v7  }
0x2c7: {  	_ =	sdelay $0x3  }
0x2c8: {  	v18 =	vld.idx.msk [tilespmem:v17+s2+$0x0], $0xffff;
	v10 =	vadd.f32 v14, v10;
	[tilespmem:v17+s12+$0x0] =	vst.idx.msk $0xffff, v9  }
0x2c9: {  	v14 =	vadd.s32 v4, v11;
	s19 =	sadd.s32 $0x2, s18;
	v17 =	vld.idx.msk [tilespmem:v16+s2+$0x0], $0xffff  }
0x2ca: {  	v8 =	vadd.f32 v12, v8;
	v12 =	vadd.s32 v5, v11;
	[tilespmem:v16+s12+$0x0] =	vst.idx.msk $0xffff, v10;
	v16 =	vadd.s32 s19, v2  }
0x2cb: {  	v20 =	vand.u32 $0x7F, v16;
	v16 =	vshll.u32 v16, $0x3  }
0x2cc: {  	v11 =	vadd.s32 v6, v11;
	v19 =	vld.idx.msk [tilespmem:v15+s2+$0x0], $0xffff;
	v7 =	vadd.f32 v13, v7;
	v13 =	vand.u32 $0xFFFFFC00, v16  }
0x2cd: {  	[tilespmem:v15+s12+$0x0] =	vst.idx.msk $0xffff, v8;
	v13 =	vor.u32 v20, v13;
	v9 =	vadd.f32 v18, v9  }
0x2ce: {  	v15 =	vld.idx.msk [tilespmem:v14+s2+$0x0], $0xffff;
	[tilespmem:v14+s12+$0x0] =	vst.idx.msk $0xffff, v7;
	v14 =	vadd.s32 v3, v13  }
0x2cf: {  	s23 =	sadd.s32 $0x3, s18;
	v16 =	vld.idx.msk [tilespmem:v12+s2+$0x0], $0xffff;
	v10 =	vadd.f32 v17, v10;
	[tilespmem:v12+s12+$0x0] =	vst.idx.msk $0xffff, v9;
	v12 =	vadd.s32 v4, v13  }
0x2d0: {  	v18 =	vadd.s32 s23, v2  }
0x2d1: {  	v17 =	vld.idx.msk [tilespmem:v11+s2+$0x0], $0xffff;
	v8 =	vadd.f32 v19, v8;
	[tilespmem:v11+s12+$0x0] =	vst.idx.msk $0xffff, v10;
	v11 =	vadd.s32 v5, v13  }
0x2d2: {  	v19 =	vshll.u32 v18, $0x3;
	v13 =	vadd.s32 v6, v13  }
0x2d3: {  	v7 =	vadd.f32 v15, v7;
	v15 =	vld.idx.msk [tilespmem:v14+s2+$0x0], $0xffff;
	[tilespmem:v14+s12+$0x0] =	vst.idx.msk $0xffff, v8;
	v14 =	vand.u32 $0x7F, v18;
	v18 =	vand.u32 $0xFFFFFC00, v19  }
0x2d4: {  	v9 =	vadd.f32 v16, v9;
	v19 =	vld.idx.msk [tilespmem:v12+s2+$0x0], $0xffff;
	v14 =	vor.u32 v14, v18  }
0x2d5: {  	[tilespmem:v12+s12+$0x0] =	vst.idx.msk $0xffff, v7;
	v12 =	vadd.s32 v3, v14  }
0x2d6: {  	v16 =	vld.idx.msk [tilespmem:v11+s2+$0x0], $0xffff;
	v10 =	vadd.f32 v17, v10;
	[tilespmem:v11+s12+$0x0] =	vst.idx.msk $0xffff, v9;
	v11 =	vadd.s32 v4, v14  }
0x2d7: {  	s24 =	sadd.s32 $0x4, s18;
	v17 =	vld.idx.msk [tilespmem:v13+s2+$0x0], $0xffff  }
0x2d8: {  	[tilespmem:v13+s12+$0x0] =	vst.idx.msk $0xffff, v10;
	v13 =	vadd.s32 v5, v14;
	v8 =	vadd.f32 v15, v8;
	v15 =	vadd.s32 s24, v2  }
0x2d9: {  	v7 =	vadd.f32 v19, v7;
	v19 =	vshll.u32 v15, $0x3  }
0x2da: {  	v18 =	vld.idx.msk [tilespmem:v12+s2+$0x0], $0xffff;
	[tilespmem:v12+s12+$0x0] =	vst.idx.msk $0xffff, v8;
	v12 =	vadd.s32 v6, v14;
	v14 =	vand.u32 $0x7F, v15;
	v15 =	vand.u32 $0xFFFFFC00, v19  }
0x2db: {  	v9 =	vadd.f32 v16, v9;
	v19 =	vld.idx.msk [tilespmem:v11+s2+$0x0], $0xffff;
	v14 =	vor.u32 v14, v15  }
0x2dc: {  	[tilespmem:v11+s12+$0x0] =	vst.idx.msk $0xffff, v7;
	v11 =	vadd.s32 v3, v14  }
0x2dd: {  	s25 =	sadd.s32 $0x5, s18;
	v10 =	vadd.f32 v17, v10;
	v15 =	vld.idx.msk [tilespmem:v13+s2+$0x0], $0xffff;
	[tilespmem:v13+s12+$0x0] =	vst.idx.msk $0xffff, v9;
	v13 =	vadd.s32 v4, v14  }
0x2de: {  	v17 =	vadd.s32 s25, v2  }
0x2df: {  	v16 =	vld.idx.msk [tilespmem:v12+s2+$0x0], $0xffff;
	v8 =	vadd.f32 v18, v8;
	[tilespmem:v12+s12+$0x0] =	vst.idx.msk $0xffff, v10;
	v12 =	vadd.s32 v5, v14  }
0x2e0: {  	v7 =	vadd.f32 v19, v7;
	v19 =	vshll.u32 v17, $0x3  }
0x2e1: {  	v18 =	vld.idx.msk [tilespmem:v11+s2+$0x0], $0xffff;
	[tilespmem:v11+s12+$0x0] =	vst.idx.msk $0xffff, v8;
	v11 =	vadd.s32 v6, v14;
	v14 =	vand.u32 $0x7F, v17;
	v17 =	vand.u32 $0xFFFFFC00, v19  }
0x2e2: {  	v9 =	vadd.f32 v15, v9;
	v19 =	vld.idx.msk [tilespmem:v13+s2+$0x0], $0xffff;
	v14 =	vor.u32 v14, v17  }
0x2e3: {  	[tilespmem:v13+s12+$0x0] =	vst.idx.msk $0xffff, v7;
	v13 =	vadd.s32 v3, v14  }
0x2e4: {  	v15 =	vld.idx.msk [tilespmem:v12+s2+$0x0], $0xffff;
	[tilespmem:v12+s12+$0x0] =	vst.idx.msk $0xffff, v9;
	v12 =	vadd.s32 v4, v14  }
0x2e5: {  	s26 =	sadd.s32 $0x6, s18;
	v10 =	vadd.f32 v16, v10  }
0x2e6: {  	v17 =	vadd.s32 s26, v2;
	v16 =	vld.idx.msk [tilespmem:v11+s2+$0x0], $0xffff;
	v8 =	vadd.f32 v18, v8  }
0x2e7: {  	[tilespmem:v11+s12+$0x0] =	vst.idx.msk $0xffff, v10;
	v11 =	vadd.s32 v5, v14;
	v7 =	vadd.f32 v19, v7;
	v19 =	vshll.u32 v17, $0x3  }
0x2e8: {  	v18 =	vld.idx.msk [tilespmem:v13+s2+$0x0], $0xffff;
	[tilespmem:v13+s12+$0x0] =	vst.idx.msk $0xffff, v8;
	v13 =	vadd.s32 v6, v14;
	v14 =	vand.u32 $0x7F, v17;
	v17 =	vand.u32 $0xFFFFFC00, v19  }
0x2e9: {  	v19 =	vld.idx.msk [tilespmem:v12+s2+$0x0], $0xffff;
	v14 =	vor.u32 v14, v17  }
0x2ea: {  	v9 =	vadd.f32 v15, v9;
	[tilespmem:v12+s12+$0x0] =	vst.idx.msk $0xffff, v7;
	v12 =	vadd.s32 v3, v14  }
0x2eb: {  	s28 =	sadd.s32 $0x7, s18;
	v10 =	vadd.f32 v16, v10  }
0x2ec: {  	v17 =	vadd.s32 s28, v2;
	v15 =	vld.idx.msk [tilespmem:v11+s2+$0x0], $0xffff;
	[tilespmem:v11+s12+$0x0] =	vst.idx.msk $0xffff, v9;
	v11 =	vadd.s32 v4, v14  }
0x2ed: {  	v16 =	vld.idx.msk [tilespmem:v13+s2+$0x0], $0xffff;
	v8 =	vadd.f32 v18, v8;
	[tilespmem:v13+s12+$0x0] =	vst.idx.msk $0xffff, v10;
	v13 =	vadd.s32 v5, v14  }
0x2ee: {  	v7 =	vadd.f32 v19, v7;
	v19 =	vshll.u32 v17, $0x3  }
0x2ef: {  	v18 =	vld.idx.msk [tilespmem:v12+s2+$0x0], $0xffff;
	[tilespmem:v12+s12+$0x0] =	vst.idx.msk $0xffff, v8;
	v12 =	vadd.s32 v6, v14;
	v14 =	vand.u32 $0x7F, v17;
	v17 =	vand.u32 $0xFFFFFC00, v19  }
0x2f0: {  	v14 =	vor.u32 v14, v17  }
0x2f1: {  	v19 =	vld.idx.msk [tilespmem:v11+s2+$0x0], $0xffff;
	v9 =	vadd.f32 v15, v9;
	[tilespmem:v11+s12+$0x0] =	vst.idx.msk $0xffff, v7;
	v11 =	vadd.s32 v3, v14  }
0x2f2: {  	v15 =	vld.idx.msk [tilespmem:v13+s2+$0x0], $0xffff  }
0x2f3: {  	v10 =	vadd.f32 v16, v10;
	[tilespmem:v13+s12+$0x0] =	vst.idx.msk $0xffff, v9;
	v13 =	vadd.s32 v4, v14  }
0x2f4: {  	s29 =	simm.s32 $0x100;
	v8 =	vadd.f32 v18, v8  }
0x2f5: {  	v16 =	vld.idx.msk [tilespmem:v12+s2+$0x0], $0xffff;
	[tilespmem:v12+s12+$0x0] =	vst.idx.msk $0xffff, v10;
	v12 =	vadd.s32 v5, v14;
	v18 =	vadd.s32 s29, v2  }
0x2f6: {  	v7 =	vadd.f32 v19, v7;
	v17 =	vld.idx.msk [tilespmem:v11+s2+$0x0], $0xffff;
	[tilespmem:v11+s12+$0x0] =	vst.idx.msk $0xffff, v8;
	v11 =	vadd.s32 v6, v14;
	v14 =	vmov s29  }
0x2f7: {  	v19 =	vshll.u32 v18, $0x3;
	v9 =	vadd.f32 v15, v9;
	vm0 =	vgt.s32 v14, v0  }
0x2f8: {  	v15 =	vld.idx.msk [tilespmem:v13+s2+$0x0], $0xffff;
	[tilespmem:v13+s12+$0x0] =	vst.idx.msk $0xffff, v7;
	vm1 =	vlt.u32 v14, v1;
	v13 =	vand.u32 $0x7F, v18;
	v14 =	vand.u32 $0xFFFFFC00, v19  }
0x2f9: {  	vm0 =	vmand vm0, vm1;
	v13 =	vor.u32 v13, v14  }
0x2fa: {  	v18 =	vld.idx.msk [tilespmem:v12+s2+$0x0], $0xffff;
	[tilespmem:v12+s12+$0x0] =	vst.idx.msk $0xffff, v9;
	v12 =	vadd.s32 v3, v13  }
0x2fb: {  	vm1 =	vmmov vm0;
	v14 =	vld.idx.msk [tilespmem:v11+s2+$0x0], $0xffff  }
0x2fc: {  	v10 =	vadd.f32 v16, v10;
	v16 =	vadd.s32 v4, v13;
	_ =	sdelay $0x1  }
0x2fd: {  	s30 =	simm.s32 $0x101;
	[tilespmem:v11+s12+$0x0] =	vst.idx.msk $0xffff, v10;
	v8 =	vadd.f32 v17, v8;
	v17 =	vadd.s32 v5, v13  }
0x2fe: {  	v11 =	vadd.f32 v15, v7;
	v15 =	vld.idx.msk [tilespmem:v12+s2+$0x0], vm0;
	v18 =	vadd.f32 v18, v9;
	v9 =	vadd.s32 s30, v2  }
0x2ff: {  	v13 =	vadd.s32 v6, v13;
	[tilespmem:v12+s12+$0x0] =	vst.idx.msk vm0, v8;
	v7 =	vadd.f32 v14, v10;
	v14 =	vshll.u32 v9, $0x3  }
0x300: {  	v19 =	vld.idx.msk [tilespmem:v16+s2+$0x0], vm1;
	[tilespmem:v16+s12+$0x0] =	vst.idx.msk vm1, v11;
	v10 =	vmov s30;
	v9 =	vand.u32 $0x7F, v9;
	v12 =	vand.u32 $0xFFFFFC00, v14  }
0x301: {  	vm0 =	vgt.s32 v10, v0;
	vm2 =	vlt.u32 v10, v1;
	v10 =	vor.u32 v9, v12  }
0x302: {  	vm3 =	vmmov vm1;
	v20 =	vld.idx.msk [tilespmem:v17+s2+$0x0], vm1;
	vm4 =	vmand vm0, vm2;
	v12 =	vadd.s32 v3, v10  }
0x303: {  	s31 =	simm.s32 $0x102;
	[tilespmem:v17+s12+$0x0] =	vst.idx.msk vm1, v18;
	v9 =	vnsel vm3, $0x0, v15;
	vm0 =	vmmov vm4;
	v16 =	vadd.s32 v4, v10  }
0x304: {  	v21 =	vld.idx.msk [tilespmem:v13+s2+$0x0], vm1;
	v14 =	vadd.s32 v5, v10;
	v8 =	vadd.f32 v9, v8;
	v9 =	vmov s31  }
0x305: {  	[tilespmem:v13+s12+$0x0] =	vst.idx.msk vm1, v7;
	v13 =	vadd.s32 v6, v10;
	v10 =	vnsel vm3, $0x0, v19;
	vm2 =	vgt.s32 v9, v0  }
0x306: {  	vm5 =	vlt.u32 v9, v1;
	v9 =	vadd.s32 s31, v2;
	v10 =	vadd.f32 v10, v11  }
0x307: {  	v11 =	vnsel vm3, $0x0, v20;
	v15 =	vand.u32 $0x7F, v9;
	v9 =	vshll.u32 v9, $0x3  }
0x308: {  	vm6 =	vmmov vm0;
	v11 =	vadd.f32 v11, v18;
	v9 =	vand.u32 $0xFFFFFC00, v9  }
0x309: {  	vm2 =	vmand vm2, vm5;
	v9 =	vor.u32 v15, v9;
	v15 =	vld.idx.msk [tilespmem:v12+s2+$0x0], vm4;
	[tilespmem:v12+s12+$0x0] =	vst.idx.msk vm4, v8;
	vm4 =	vmmov vm0  }
0x30a: {  	v18 =	vnsel vm3, $0x0, v21;
	vm5 =	vmmov vm0;
	vm3 =	vmmov vm0;
	_ =	sdelay $0x1  }
0x30b: {  	v17 =	vadd.s32 v3, v9  }
0x30c: {  	s18 =	simm.s32 $0x103;
	vm1 =	vmmov vm0;
	v12 =	vmov v17  }
.LBB2_18:
0x30d: {  	p0 =	sne.s32 s18, $0x10E;
	v15 =	vnsel vm1, $0x0, v15;
	v19 =	vld.idx.msk [tilespmem:v16+s2+$0x0], vm0;
	[tilespmem:v16+s12+$0x0] =	vst.idx.msk vm0, v10;
	v7 =	vadd.f32 v18, v7;
	vm0 =	vmmov vm2  }
0x30e: {  	v8 =	vadd.f32 v15, v8;
	v18 =	vld.idx.msk [tilespmem:v14+s2+$0x0], vm6;
	[tilespmem:v14+s12+$0x0] =	vst.idx.msk vm4, v11;
	vm4 =	vmmov vm2;
	vm6 =	vmmov vm2  }
0x30f: {  	v14 =	vmov s18;
	v20 =	vld.idx.msk [tilespmem:v13+s2+$0x0], vm5;
	[tilespmem:v13+s12+$0x0] =	vst.idx.msk vm3, v7;
	vm3 =	vmmov vm2;
	vm5 =	vmmov vm2  }
0x310: {  	vm7 =	vgt.s32 v14, v0;
	vm8 =	vlt.u32 v14, v1;
	v13 =	vadd.s32 s18, v2;
	v15 =	vld.idx.msk [tilespmem:v17+s2+$0x0], vm2  }
.Ltmp8:
0x311: {  	v16 =	vadd.s32 v4, v9;
	v17 =	vand.u32 $0x7F, v13;
	v13 =	vshll.u32 v13, $0x3;
	(pc) =	sbr.rel @p0 .LBB2_18-.Ltmp8, $4  }
0x312: {  	v14 =	vadd.s32 v5, v9;
	vm2 =	vmand vm7, vm8;
	v21 =	vand.u32 $0xFFFFFC00, v13  }
0x313: {  	v13 =	vadd.s32 v6, v9;
	v9 =	vor.u32 v17, v21;
	v19 =	vnsel vm1, $0x0, v19  }
0x314: {  	v17 =	vadd.s32 v3, v9;
	v10 =	vadd.f32 v19, v10;
	v18 =	vnsel vm1, $0x0, v18  }
0x315: {  	s18 =	sadd.s32 $0x1, s18;
	v11 =	vadd.f32 v18, v11;
	v18 =	vnsel vm1, $0x0, v20;
	vm1 =	vmmov vm0;
	[tilespmem:v12+s12+$0x0] =	vst.idx.msk vm0, v8;
	v12 =	vmovc v17  }
0x316: {  	_ =	sdelay $0x4  }
0x317: {  	v17 =	vld.idx.msk [tilespmem:v16+s2+$0x0], vm0;
	[tilespmem:v16+s12+$0x0] =	vst.idx.msk vm0, v10  }
0x318: {  	v16 =	vld.idx.msk [tilespmem:v14+s2+$0x0], vm6;
	[tilespmem:v14+s12+$0x0] =	vst.idx.msk vm4, v11  }
0x319: {  	v14 =	vld.idx.msk [tilespmem:v13+s2+$0x0], vm5  }
0x31a: {  	v19 =	vadd.s32 v4, v9  }
0x31b: {  	v15 =	vnsel vm1, $0x0, v15;
	v7 =	vadd.f32 v18, v7;
	v58 =	vadd.s32 v5, v9  }
0x31c: {  	v59 =	vadd.s32 v6, v9;
	v8 =	vadd.f32 v15, v8;
	v60 =	vnsel vm1, $0x0, v17  }
0x31d: {  	[tilespmem:v13+s12+$0x0] =	vst.idx.msk vm3, v7;
	v61 =	vadd.f32 v60, v10;
	v62 =	vnsel vm1, $0x0, v16  }
0x31e: {  	[tilespmem:v12+s12+$0x0] =	vst.idx.msk vm2, v8;
	v8 =	vadd.f32 v62, v11;
	v63 =	vnsel vm1, $0x0, v14  }
0x31f: {  	[tilespmem:v19+s12+$0x0] =	vst.idx.msk vm2, v61;
	v7 =	vadd.f32 v63, v7  }
0x320: {  	[tilespmem:v58+s12+$0x0] =	vst.idx.msk vm2, v8  }
0x321: {  	s17 =	sadd.s32 $0x1, s17;
	[tilespmem:v59+s12+$0x0] =	vst.idx.msk vm2, v7  }
0x322: {  	[hbm4b:s8+s2] =	stream.linear.scatter [tilespmem:s12], [sflag:$0x3], $0x4000, $0x38;
	[tilespmem:$0x10000] =	vst v63  }
0x323: {  	p0 =	sne.s32 s17, s9;
	_ =	swait.ge [sflag:s16], $0x4000  }
.Ltmp9:
0x324: {  	[sflag:s16] =	ssyncset.done $0x0;
	(pc) =	sbr.rel @p0 .LBB2_1-.Ltmp9, $4  }
0x325: {  	[sflag:s16] =	ssyncadd.s32 $0xFFFFC000  }
0x326: {  	_ =	swait.ge [sflag:s15], $0x4000  }
0x327: {  	[sflag:s15] =	ssyncset.done $0x0  }
0x328: {  	vm15 =	vmmov vm2;
	[sflag:s15] =	ssyncadd.s32 $0xFFFFC000  }
0x329: {  	_ =	sfence.sel $0x180000  }
0x32a: {  	[bflag:$0x0] =	sbarrier.arrive $0xFFFF  }
0x32b: {  	p0 =	sne.s32 s0, $0x0;
	_ =	strace $0x90000047  }
0x32c: {  	s0 =	sadd.s32 @!p0 $0x100000, s1;
	[bflag:$0x2] =	sbarrier.arrive $0xFFFF  }
0x32d: {  	[sflag:s0] =	ssyncadd.tile.s32 @!p0 $0x1;
	_ =	shalt  }
.Lfunc_end2:
_tile_overlayer_lowered:
.L_overlay_start_2:
0x32e: {  	(tag) =	ssettag $0x2  }
0x32f: {  	s0 =	rddreg [dreg:$0x0];
	s2 =	stileid.u32  }
0x330: {  	s1 =	rddreg [dreg:$0x1];
	p0 =	sne.s32 s2, $0x0  }
0x331: {  	s3 =	rddreg [dreg:$0x2];
	[bflag:$0x3] =	sbarrier.arrive $0xFFFF;
	s2 =	simm.s32 @!p0 $0x1C05  }
0x332: {  	[timem:s3], [sflag:s2] =	dma.local @!p0 [hbm:s0], s1  }
0x333: {  	s0 =	simm.s32 @!p0 $0x5  }
0x334: {  	_ =	swait.ge @!p0 [sflag:s0], s1  }
0x335: {  	s1 =	ssub.s32 @!p0 $0x0, s1;
	[sflag:s0] =	ssyncset.done @!p0 $0x0  }
0x336: {  	[sflag:s0] =	ssyncadd.s32 @!p0 s1  }
0x337: {  	[bflag:$0x3] =	sbarrier.arrive $0xFFFF  }
0x338: {  	_ =	shalt  }

</sc_bundles>
